<compile_context>
chip_gen: v7x
topology: tpu7x:2x2x1
jax: 0.10.2.dev20260603
libtpu: 0.0.44.dev20260713+nightly
codegen_flags: <defaults>
</compile_context>

<pallas_src>
import jax
import jax.numpy as jnp
from jax import lax
from jax.experimental import pallas as pl
from jax.experimental.pallas import tpu as pltpu
from jax.experimental.pallas import tpu_sc as plsc

NS = 10000
E = 640000
D = 128
H = 64
O = 2

NC = 2
NSUB = 16
NW = NC * NSUB
K = 128
NB = 2
G = 80
ITERS = G // 4
CH = NB * G
E_PAD = NW * K * CH
ROWS_W = E_PAD // K
N_PAD = 10016
WC = 72


def _seg_sum_kernel(width):
    mesh = plsc.VectorSubcoreMesh(core_axis_name="c", subcore_axis_name="s")
    out_type = jax.ShapeDtypeStruct((NC, N_PAD, width), jnp.float32)
    scratch = (
        [pltpu.VMEM((NB, K), jnp.int32) for _ in range(4)]
        + [pltpu.VMEM((NB, K), jnp.int32) for _ in range(4)]
        + [pltpu.VMEM((NB * K, width), jnp.float32) for _ in range(2)]
        + [pltpu.VMEM_SHARED((N_PAD, width), jnp.float32),
           pltpu.VMEM_SHARED((N_PAD, width), jnp.float32)]
        + [pltpu.SemaphoreType.DMA] * 7
    )

    def body(*refs):
        (y, srcs, dsts, zeros, acc_out,
         s0, s1, s2, s3, d0, d1, d2, d3, rows0, rows1, acc, y_sh,
         i0, i1, i2, i3, ss0, ss1, semG) = refs
        sidx = [s0, s1, s2, s3]
        didx = [d0, d1, d2, d3]
        rows = [rows0, rows1]
        semI = [i0, i1, i2, i3]
        semS = [ss0, ss1]

        cid = lax.axis_index("c")
        sid = lax.axis_index("s")

        nrows = N_PAD // NSUB
        tsl = pl.ds(sid * nrows, nrows)
        pltpu.async_copy(y.at[tsl], y_sh.at[tsl], semG)
        pltpu.async_copy(zeros.at[tsl], acc.at[tsl], semG)
        pltpu.make_async_copy(y.at[tsl], y_sh.at[tsl], semG).wait()
        pltpu.make_async_copy(zeros.at[tsl], acc.at[tsl], semG).wait()
        plsc.subcore_barrier()

        row0 = (cid * NSUB + sid) * (G * NB)

        def drain_scatters(r2):
            for j in range(NB):
                pltpu.make_async_copy(
                    rows[r2].at[pl.ds(j * K, K)], acc.at[pl.ds(0, K)],
                    semS[r2]).wait()

        def load_idx(grow, r):
            pltpu.async_copy(srcs.at[pl.ds(grow, NB)], sidx[r], semI[r])
            pltpu.async_copy(dsts.at[pl.ds(grow, NB)], didx[r], semI[r])

        def phase(i, r, maybe_first):
            r2 = r % 2
            g = i * 4 + r
            if maybe_first:
                @pl.when(i > 0)
                def _():
                    drain_scatters(r2)
            else:
                drain_scatters(r2)
            pltpu.make_async_copy(srcs.at[pl.ds(0, NB)], sidx[r],
                                  semI[r]).wait()
            pltpu.make_async_copy(dsts.at[pl.ds(0, NB)], didx[r],
                                  semI[r]).wait()
            gd = [
                pltpu.async_copy(y_sh.at[sidx[r].at[j]],
                                 rows[r2].at[pl.ds(j * K, K)], semG)
                for j in range(NB)
            ]
            rp = (r + 2) % 4
            prow = row0 + (g + 2) * NB

            if r >= 2:
                @pl.when(i < ITERS - 1)
                def _():
                    load_idx(prow, rp)
            else:
                load_idx(prow, rp)
            for dsc in gd:
                dsc.wait()
            for j in range(NB):
                pltpu.async_copy(rows[r2].at[pl.ds(j * K, K)],
                                 acc.at[didx[r].at[j]], semS[r2], add=True)

        load_idx(row0, 0)
        load_idx(row0 + NB, 1)

        def loop_body(i, carry):
            phase(i, 0, True)
            phase(i, 1, True)
            phase(i, 2, False)
            phase(i, 3, False)
            return carry

        lax.fori_loop(0, ITERS, loop_body, 0)
        drain_scatters(0)
        drain_scatters(1)
        plsc.subcore_barrier()
        pltpu.sync_copy(acc.at[tsl], acc_out.at[cid].at[tsl])

    return pl.kernel(
        body,
        out_type=out_type,
        mesh=mesh,
        scratch_types=scratch,
        compiler_params=pltpu.CompilerParams(use_tc_tiling_on_sc=False),
    )


def _pre_body(x_ref, wl_ref, wr_ref, e_ref, y_ref, z_ref):
    x = x_ref[:]
    yl = jnp.dot(x, wl_ref[:], preferred_element_type=jnp.float32)
    e = jnp.broadcast_to(e_ref[:], (N_PAD, WC - H))
    y_ref[:] = jnp.concatenate([yl, e], axis=1)
    z_ref[:] = jnp.dot(x, wr_ref[:], preferred_element_type=jnp.float32)


def _mid_body(sp_ref, z_ref, bl_ref, wl_ref, wr_ref, y2_ref, z2_ref, c_ref):
    s = sp_ref[0] + sp_ref[1]
    cnt = s[:, H:H + 1]
    mean = s[:, :H] / jnp.maximum(cnt, 1.0)
    h = jnp.maximum(mean + bl_ref[:] + z_ref[:], 0.0)
    y2_ref[:] = jnp.dot(h, wl_ref[:], preferred_element_type=jnp.float32)
    z2_ref[:] = jnp.dot(h, wr_ref[:], preferred_element_type=jnp.float32)
    c_ref[:] = jnp.broadcast_to(cnt, (N_PAD, 8))


def _fin_body(sp_ref, c_ref, z_ref, bl_ref, wlin_ref, blin_ref, out_ref):
    s = sp_ref[0] + sp_ref[1]
    cnt = c_ref[:, 0:1]
    mean = s / jnp.maximum(cnt, 1.0)
    h = jnp.maximum(mean + bl_ref[:] + z_ref[:], 0.0)
    out_ref[:] = (
        jnp.dot(h, wlin_ref[:], preferred_element_type=jnp.float32)
        + blin_ref[:]
    )


_f32 = jnp.float32


def kernel(x_subject, x_roi, ei_s2r, ei_r2r, ei_s2s,
           c1_s2r_Wl, c1_s2r_bl, c1_s2r_Wr, c1_r2r_Wl, c1_r2r_bl, c1_r2r_Wr,
           c1_s2s_Wl, c1_s2s_bl, c1_s2s_Wr,
           c2_s2r_Wl, c2_s2r_bl, c2_s2r_Wr, c2_r2r_Wl, c2_r2r_bl, c2_r2r_Wr,
           c2_s2s_Wl, c2_s2s_bl, c2_s2s_Wr,
           lin_W, lin_b):
    xp = jnp.pad(x_subject, ((0, N_PAD - NS), (0, 0)))
    npad = E_PAD - E
    pad_col = jnp.full((npad,), NS, jnp.int32)
    srcs = jnp.concatenate([ei_s2s[0], pad_col]).reshape(ROWS_W, K)
    dsts = jnp.concatenate([ei_s2s[1], pad_col]).reshape(ROWS_W, K)
    z72 = jnp.zeros((N_PAD, WC), _f32)
    z64 = jnp.zeros((N_PAD, H), _f32)
    ecol = jnp.pad(jnp.ones((1, 1), _f32), ((0, 0), (0, WC - H - 1)))
    bl1 = c1_s2s_bl.reshape(1, H)
    bl2 = c2_s2s_bl.reshape(1, H)
    wlin = jnp.pad(lin_W, ((0, 0), (0, 128 - O)))
    blin = jnp.pad(lin_b, ((0, 128 - O))).reshape(1, 128)

    y1, z1 = pl.pallas_call(
        _pre_body,
        out_shape=[jax.ShapeDtypeStruct((N_PAD, WC), _f32),
                   jax.ShapeDtypeStruct((N_PAD, H), _f32)],
    )(xp, c1_s2s_Wl, c1_s2s_Wr, ecol)

    s1p = _seg_sum_kernel(WC)(y1, srcs, dsts, z72)

    y2, z2, cntc = pl.pallas_call(
        _mid_body,
        out_shape=[jax.ShapeDtypeStruct((N_PAD, H), _f32),
                   jax.ShapeDtypeStruct((N_PAD, H), _f32),
                   jax.ShapeDtypeStruct((N_PAD, 8), _f32)],
    )(s1p, z1, bl1, c2_s2s_Wl, c2_s2s_Wr)

    s2p = _seg_sum_kernel(H)(y2, srcs, dsts, z64)

    outp = pl.pallas_call(
        _fin_body,
        out_shape=jax.ShapeDtypeStruct((N_PAD, 128), _f32),
    )(s2p, cntc, z2, bl2, wlin, blin)

    return outp[:NS, :O]

# --- scband reference (transcript-rebuilt; emitter-appended) ---
"""Pipeline reference for scband-hetero-gnn-35562329210980 (READ-ONLY COPY).

The authoritative reference and input builder live on the scoring server;
editing this copy changes nothing except your own understanding.
"""

import jax, jax.numpy as jnp
import numpy as np

NS = 10000
NR = 10000
E = 640000
D = 128
H = 64
O = 2


def _sage(x_src, x_dst, ei, Wl, bl, Wr):
    # PyG SAGEConv(aggr='mean'): out = lin_l(mean_j x_j) + lin_r(x_dst); lin_r has no bias
    n_dst = x_dst.shape[0]
    msgs = jnp.take(x_src, ei[0], axis=0)
    s = jax.ops.segment_sum(msgs, ei[1], num_segments=n_dst)
    cnt = jax.ops.segment_sum(jnp.ones((ei.shape[1],), x_src.dtype), ei[1], num_segments=n_dst)
    mean = s / jnp.clip(cnt, 1.0)[:, None]
    return mean @ Wl + bl + x_dst @ Wr


def _hetero_layer(xs, xr, ei_s2r, ei_r2r, ei_s2s, ps):
    (Wl1, bl1, Wr1, Wl2, bl2, Wr2, Wl3, bl3, Wr3) = ps
    o_s2r = _sage(xs, xr, ei_s2r, Wl1, bl1, Wr1)   # subject -> roi
    o_r2r = _sage(xr, xr, ei_r2r, Wl2, bl2, Wr2)   # roi -> roi
    o_s2s = _sage(xs, xs, ei_s2s, Wl3, bl3, Wr3)   # subject -> subject
    # HeteroConv aggr='mean' over all relations targeting each dst node type
    new_r = (o_s2r + o_r2r) * 0.5
    new_s = o_s2s
    return new_s, new_r


def setup_inputs(seed: int = 0):
    key = jax.random.key(seed)
    ks = jax.random.split(key, 32)
    inp = {}
    inp["x_subject"] = jax.random.normal(ks[0], (NS, D), dtype=jnp.float32)
    inp["x_roi"] = jax.random.normal(ks[1], (NR, D), dtype=jnp.float32)
    inp["ei_s2r"] = jax.random.randint(ks[2], (2, E), 0, NR, dtype=jnp.int32)
    inp["ei_r2r"] = jax.random.randint(ks[3], (2, E), 0, NR, dtype=jnp.int32)
    inp["ei_s2s"] = jax.random.randint(ks[4], (2, E), 0, NS, dtype=jnp.int32)
    i = 5
    for layer, din in (("c1", D), ("c2", H)):
        for et in ("s2r", "r2r", "s2s"):
            sc = 1.0 / np.sqrt(din)
            inp[layer + "_" + et + "_Wl"] = jax.random.uniform(ks[i], (din, H), minval=-sc, maxval=sc, dtype=jnp.float32); i += 1
            inp[layer + "_" + et + "_bl"] = jnp.zeros((H,), jnp.float32)
            inp[layer + "_" + et + "_Wr"] = jax.random.uniform(ks[i], (din, H), minval=-sc, maxval=sc, dtype=jnp.float32); i += 1
    sc = 1.0 / np.sqrt(H)
    inp["lin_W"] = jax.random.uniform(ks[i], (H, O), minval=-sc, maxval=sc, dtype=jnp.float32)
    inp["lin_b"] = jnp.zeros((O,), jnp.float32)
    return inp


def reference(x_subject, x_roi, ei_s2r, ei_r2r, ei_s2s,
              c1_s2r_Wl, c1_s2r_bl, c1_s2r_Wr, c1_r2r_Wl, c1_r2r_bl, c1_r2r_Wr, c1_s2s_Wl, c1_s2s_bl, c1_s2s_Wr,
              c2_s2r_Wl, c2_s2r_bl, c2_s2r_Wr, c2_r2r_Wl, c2_r2r_bl, c2_r2r_Wr, c2_s2s_Wl, c2_s2s_bl, c2_s2s_Wr,
              lin_W, lin_b):
    p1 = (c1_s2r_Wl, c1_s2r_bl, c1_s2r_Wr, c1_r2r_Wl, c1_r2r_bl, c1_r2r_Wr, c1_s2s_Wl, c1_s2s_bl, c1_s2s_Wr)
    p2 = (c2_s2r_Wl, c2_s2r_bl, c2_s2r_Wr, c2_r2r_Wl, c2_r2r_bl, c2_r2r_Wr, c2_s2s_Wl, c2_s2s_bl, c2_s2s_Wr)
    xs, xr = _hetero_layer(x_subject, x_roi, ei_s2r, ei_r2r, ei_s2s, p1)
    xs, xr = jax.nn.relu(xs), jax.nn.relu(xr)
    xs, xr = _hetero_layer(xs, xr, ei_s2r, ei_r2r, ei_s2s, p2)
    xs, xr = jax.nn.relu(xs), jax.nn.relu(xr)
    return xs @ lin_W + lin_b

if __name__ == "__main__":
    import jax
    _d = setup_inputs()
    print(jax.jit(kernel)(*tuple(_d.values())))

</pallas_src>

<mosaic_0001>
#map = affine_map<(d0, d1) -> (0, 0)>
#map1 = affine_map<(d0, d1) -> (0, 0, 0)>
module attributes {stable_mosaic.version = 14 : i64} {
  func.func @body(%arg0: i32, %arg1: i32, %arg2: memref<10016x72xf32, #tpu.memory_space<hbm>>, %arg3: memref<5120x128xi32, #tpu.memory_space<hbm>>, %arg4: memref<5120x128xi32, #tpu.memory_space<hbm>>, %arg5: memref<10016x72xf32, #tpu.memory_space<hbm>>, %arg6: memref<2x10016x72xf32, #tpu.memory_space<hbm>>, %arg7: memref<2x128xi32, #tpu.memory_space<vmem>>, %arg8: memref<2x128xi32, #tpu.memory_space<vmem>>, %arg9: memref<2x128xi32, #tpu.memory_space<vmem>>, %arg10: memref<2x128xi32, #tpu.memory_space<vmem>>, %arg11: memref<2x128xi32, #tpu.memory_space<vmem>>, %arg12: memref<2x128xi32, #tpu.memory_space<vmem>>, %arg13: memref<2x128xi32, #tpu.memory_space<vmem>>, %arg14: memref<2x128xi32, #tpu.memory_space<vmem>>, %arg15: memref<256x72xf32, #tpu.memory_space<vmem>>, %arg16: memref<256x72xf32, #tpu.memory_space<vmem>>, %arg17: memref<10016x72xf32, #tpu.memory_space<vmem_shared>>, %arg18: memref<10016x72xf32, #tpu.memory_space<vmem_shared>>, %arg19: memref<!tpu.dma_semaphore, #tpu.memory_space<semaphore_mem>>, %arg20: memref<!tpu.dma_semaphore, #tpu.memory_space<semaphore_mem>>, %arg21: memref<!tpu.dma_semaphore, #tpu.memory_space<semaphore_mem>>, %arg22: memref<!tpu.dma_semaphore, #tpu.memory_space<semaphore_mem>>, %arg23: memref<!tpu.dma_semaphore, #tpu.memory_space<semaphore_mem>>, %arg24: memref<!tpu.dma_semaphore, #tpu.memory_space<semaphore_mem>>, %arg25: memref<!tpu.dma_semaphore, #tpu.memory_space<semaphore_mem>>) attributes {dimension_semantics = [#tpu.dimension_semantics<core_parallel>, #tpu.dimension_semantics<subcore_parallel>], iteration_bounds = array<i64: 2, 16>, scalar_prefetch = 0 : i64, scratch_operands = 19 : i64, tpu.core_type = #tpu.core_type<sc_vector_subcore>, window_params = [{transform_indices = #map}, {transform_indices = #map}, {transform_indices = #map}, {transform_indices = #map}, {transform_indices = #map1}]} {
    %mul3A = arith.constant 626 : i32
    %mul3A_0 = arith.muli %arg1, %mul3A : i32
    %dma_start3A = arith.constant 0 : i32
    %dma_start3A_1 = tpu.memref_slice %arg18[%mul3A_0, %dma_start3A] : memref<10016x72xf32, #tpu.memory_space<vmem_shared>> -> memref<626x72xf32, #tpu.memory_space<vmem_shared>>
    %dma_start3A_2 = arith.constant 0 : i32
    %dma_start3A_3 = tpu.memref_slice %arg2[%mul3A_0, %dma_start3A_2] : memref<10016x72xf32, #tpu.memory_space<hbm>> -> memref<626x72xf32, #tpu.memory_space<hbm>>
    tpu.enqueue_dma source(%dma_start3A_3 : memref<626x72xf32, #tpu.memory_space<hbm>>) target(%dma_start3A_1 : memref<626x72xf32, #tpu.memory_space<vmem_shared>>) target_semaphore(%arg25 : memref<!tpu.dma_semaphore, #tpu.memory_space<semaphore_mem>>)
    %dma_start3A_4 = arith.constant 0 : i32
    %dma_start3A_5 = tpu.memref_slice %arg17[%mul3A_0, %dma_start3A_4] : memref<10016x72xf32, #tpu.memory_space<vmem_shared>> -> memref<626x72xf32, #tpu.memory_space<vmem_shared>>
    %dma_start3A_6 = arith.constant 0 : i32
    %dma_start3A_7 = tpu.memref_slice %arg5[%mul3A_0, %dma_start3A_6] : memref<10016x72xf32, #tpu.memory_space<hbm>> -> memref<626x72xf32, #tpu.memory_space<hbm>>
    tpu.enqueue_dma source(%dma_start3A_7 : memref<626x72xf32, #tpu.memory_space<hbm>>) target(%dma_start3A_5 : memref<626x72xf32, #tpu.memory_space<vmem_shared>>) target_semaphore(%arg25 : memref<!tpu.dma_semaphore, #tpu.memory_space<semaphore_mem>>)
    %dma_wait3A = arith.constant 0 : i32
    %dma_wait3A_8 = tpu.memref_slice %arg18[%mul3A_0, %dma_wait3A] : memref<10016x72xf32, #tpu.memory_space<vmem_shared>> -> memref<626x72xf32, #tpu.memory_space<vmem_shared>>
    %dma_wait3A_9 = arith.constant 0 : i32
    %dma_wait3A_10 = tpu.memref_slice %arg2[%mul3A_0, %dma_wait3A_9] : memref<10016x72xf32, #tpu.memory_space<hbm>> -> memref<626x72xf32, #tpu.memory_space<hbm>>
    tpu.wait_dma2 semaphore(%arg25 : memref<!tpu.dma_semaphore, #tpu.memory_space<semaphore_mem>>) src(%dma_wait3A_10 : memref<626x72xf32, #tpu.memory_space<hbm>>) dst(%dma_wait3A_8 : memref<626x72xf32, #tpu.memory_space<vmem_shared>>)
    %dma_wait3A_11 = arith.constant 0 : i32
    %dma_wait3A_12 = tpu.memref_slice %arg17[%mul3A_0, %dma_wait3A_11] : memref<10016x72xf32, #tpu.memory_space<vmem_shared>> -> memref<626x72xf32, #tpu.memory_space<vmem_shared>>
    %dma_wait3A_13 = arith.constant 0 : i32
    %dma_wait3A_14 = tpu.memref_slice %arg5[%mul3A_0, %dma_wait3A_13] : memref<10016x72xf32, #tpu.memory_space<hbm>> -> memref<626x72xf32, #tpu.memory_space<hbm>>
    tpu.wait_dma2 semaphore(%arg25 : memref<!tpu.dma_semaphore, #tpu.memory_space<semaphore_mem>>) src(%dma_wait3A_14 : memref<626x72xf32, #tpu.memory_space<hbm>>) dst(%dma_wait3A_12 : memref<626x72xf32, #tpu.memory_space<vmem_shared>>)
    %barrier3A = arith.constant 0 : index
    tpu.barrier barrier_id(%barrier3A)
    %mul3A_15 = arith.constant 16 : i32
    %mul3A_16 = arith.muli %arg0, %mul3A_15 : i32
    %add3A = arith.addi %mul3A_16, %arg1 : i32
    %mul3A_17 = arith.constant 160 : i32
    %mul3A_18 = arith.muli %add3A, %mul3A_17 : i32
    %dma_start3A_19 = arith.constant 0 : i32
    %dma_start3A_20 = tpu.memref_slice %arg3[%mul3A_18, %dma_start3A_19] : memref<5120x128xi32, #tpu.memory_space<hbm>> -> memref<2x128xi32, #tpu.memory_space<hbm>>
    %dma_start3A_21 = arith.constant 0 : i32
    %dma_start3A_22 = tpu.memref_slice %arg3[%mul3A_18, %dma_start3A_21] : memref<5120x128xi32, #tpu.memory_space<hbm>> -> memref<2x128xi32, #tpu.memory_space<hbm>>
    tpu.enqueue_dma source(%dma_start3A_22 : memref<2x128xi32, #tpu.memory_space<hbm>>) target(%arg7 : memref<2x128xi32, #tpu.memory_space<vmem>>) target_semaphore(%arg19 : memref<!tpu.dma_semaphore, #tpu.memory_space<semaphore_mem>>)
    %dma_start3A_23 = arith.constant 0 : i32
    %dma_start3A_24 = tpu.memref_slice %arg4[%mul3A_18, %dma_start3A_23] : memref<5120x128xi32, #tpu.memory_space<hbm>> -> memref<2x128xi32, #tpu.memory_space<hbm>>
    %dma_start3A_25 = arith.constant 0 : i32
    %dma_start3A_26 = tpu.memref_slice %arg4[%mul3A_18, %dma_start3A_25] : memref<5120x128xi32, #tpu.memory_space<hbm>> -> memref<2x128xi32, #tpu.memory_space<hbm>>
    tpu.enqueue_dma source(%dma_start3A_26 : memref<2x128xi32, #tpu.memory_space<hbm>>) target(%arg11 : memref<2x128xi32, #tpu.memory_space<vmem>>) target_semaphore(%arg19 : memref<!tpu.dma_semaphore, #tpu.memory_space<semaphore_mem>>)
    %add3A_27 = arith.constant 2 : i32
    %add3A_28 = arith.addi %mul3A_18, %add3A_27 : i32
    %dma_start3A_29 = arith.constant 0 : i32
    %dma_start3A_30 = tpu.memref_slice %arg3[%add3A_28, %dma_start3A_29] : memref<5120x128xi32, #tpu.memory_space<hbm>> -> memref<2x128xi32, #tpu.memory_space<hbm>>
    %dma_start3A_31 = arith.constant 0 : i32
    %dma_start3A_32 = tpu.memref_slice %arg3[%add3A_28, %dma_start3A_31] : memref<5120x128xi32, #tpu.memory_space<hbm>> -> memref<2x128xi32, #tpu.memory_space<hbm>>
    tpu.enqueue_dma source(%dma_start3A_32 : memref<2x128xi32, #tpu.memory_space<hbm>>) target(%arg8 : memref<2x128xi32, #tpu.memory_space<vmem>>) target_semaphore(%arg20 : memref<!tpu.dma_semaphore, #tpu.memory_space<semaphore_mem>>)
    %dma_start3A_33 = arith.constant 0 : i32
    %dma_start3A_34 = tpu.memref_slice %arg4[%add3A_28, %dma_start3A_33] : memref<5120x128xi32, #tpu.memory_space<hbm>> -> memref<2x128xi32, #tpu.memory_space<hbm>>
    %dma_start3A_35 = arith.constant 0 : i32
    %dma_start3A_36 = tpu.memref_slice %arg4[%add3A_28, %dma_start3A_35] : memref<5120x128xi32, #tpu.memory_space<hbm>> -> memref<2x128xi32, #tpu.memory_space<hbm>>
    tpu.enqueue_dma source(%dma_start3A_36 : memref<2x128xi32, #tpu.memory_space<hbm>>) target(%arg12 : memref<2x128xi32, #tpu.memory_space<vmem>>) target_semaphore(%arg20 : memref<!tpu.dma_semaphore, #tpu.memory_space<semaphore_mem>>)
    %scan3A = arith.constant 0 : i32
    %scan3A_37 = arith.constant 0 : i32
    %scan3A_38 = arith.constant 20 : i32
    %scan3A_39 = arith.addi %scan3A_37, %scan3A_38 : i32
    %scan3A_40 = arith.constant 1 : i32
    scf.for %scan3A_91 = %scan3A_37 to %scan3A_39 step %scan3A_40  : i32 {
      %mul3A_92 = arith.constant 4 : i32
      %mul3A_93 = arith.muli %scan3A_91, %mul3A_92 : i32
      %add3A_94 = arith.constant 0 : i32
      %add3A_95 = arith.addi %mul3A_93, %add3A_94 : i32
      %gt3A = arith.constant 0 : i32
      %gt3A_96 = arith.cmpi sgt, %scan3A_91, %gt3A : i32
      %convert_element_type3A = arith.extui %gt3A_96 : i1 to i32
      %cond3A = arith.constant 0 : i32
      %cond3A_97 = arith.cmpi ne, %convert_element_type3A, %cond3A : i32
      scf.if %cond3A_97 {
        %dma_wait3A_496 = arith.constant 0 : i32
        %dma_wait3A_497 = arith.constant 0 : i32
        %dma_wait3A_498 = tpu.memref_slice %arg15[%dma_wait3A_496, %dma_wait3A_497] : memref<256x72xf32, #tpu.memory_space<vmem>> -> memref<128x72xf32, #tpu.memory_space<vmem>>
        %dma_wait3A_499 = arith.constant 0 : i32
        %dma_wait3A_500 = arith.constant 0 : i32
        %dma_wait3A_501 = tpu.memref_slice %arg17[%dma_wait3A_499, %dma_wait3A_500] : memref<10016x72xf32, #tpu.memory_space<vmem_shared>> -> memref<128x72xf32, #tpu.memory_space<vmem_shared>>
        %dma_wait3A_502 = arith.constant 0 : i32
        %dma_wait3A_503 = arith.constant 0 : i32
        %dma_wait3A_504 = tpu.memref_slice %arg17[%dma_wait3A_502, %dma_wait3A_503] : memref<10016x72xf32, #tpu.memory_space<vmem_shared>> -> memref<128x72xf32, #tpu.memory_space<vmem_shared>>
        %dma_wait3A_505 = arith.constant 0 : i32
        %dma_wait3A_506 = arith.constant 0 : i32
        %dma_wait3A_507 = tpu.memref_slice %arg15[%dma_wait3A_505, %dma_wait3A_506] : memref<256x72xf32, #tpu.memory_space<vmem>> -> memref<128x72xf32, #tpu.memory_space<vmem>>
        tpu.wait_dma2 semaphore(%arg23 : memref<!tpu.dma_semaphore, #tpu.memory_space<semaphore_mem>>) src(%dma_wait3A_507 : memref<128x72xf32, #tpu.memory_space<vmem>>) dst(%dma_wait3A_504 : memref<128x72xf32, #tpu.memory_space<vmem_shared>>)
        %dma_wait3A_508 = arith.constant 128 : i32
        %dma_wait3A_509 = arith.constant 0 : i32
        %dma_wait3A_510 = tpu.memref_slice %arg15[%dma_wait3A_508, %dma_wait3A_509] : memref<256x72xf32, #tpu.memory_space<vmem>> -> memref<128x72xf32, #tpu.memory_space<vmem>>
        %dma_wait3A_511 = arith.constant 0 : i32
        %dma_wait3A_512 = arith.constant 0 : i32
        %dma_wait3A_513 = tpu.memref_slice %arg17[%dma_wait3A_511, %dma_wait3A_512] : memref<10016x72xf32, #tpu.memory_space<vmem_shared>> -> memref<128x72xf32, #tpu.memory_space<vmem_shared>>
        %dma_wait3A_514 = arith.constant 0 : i32
        %dma_wait3A_515 = arith.constant 0 : i32
        %dma_wait3A_516 = tpu.memref_slice %arg17[%dma_wait3A_514, %dma_wait3A_515] : memref<10016x72xf32, #tpu.memory_space<vmem_shared>> -> memref<128x72xf32, #tpu.memory_space<vmem_shared>>
        %dma_wait3A_517 = arith.constant 128 : i32
        %dma_wait3A_518 = arith.constant 0 : i32
        %dma_wait3A_519 = tpu.memref_slice %arg15[%dma_wait3A_517, %dma_wait3A_518] : memref<256x72xf32, #tpu.memory_space<vmem>> -> memref<128x72xf32, #tpu.memory_space<vmem>>
        tpu.wait_dma2 semaphore(%arg23 : memref<!tpu.dma_semaphore, #tpu.memory_space<semaphore_mem>>) src(%dma_wait3A_519 : memref<128x72xf32, #tpu.memory_space<vmem>>) dst(%dma_wait3A_516 : memref<128x72xf32, #tpu.memory_space<vmem_shared>>)
      } else {
      }
      %dma_wait3A_98 = arith.constant 0 : i32
      %dma_wait3A_99 = arith.constant 0 : i32
      %dma_wait3A_100 = tpu.memref_slice %arg3[%dma_wait3A_98, %dma_wait3A_99] : memref<5120x128xi32, #tpu.memory_space<hbm>> -> memref<2x128xi32, #tpu.memory_space<hbm>>
      %dma_wait3A_101 = arith.constant 0 : i32
      %dma_wait3A_102 = arith.constant 0 : i32
      %dma_wait3A_103 = tpu.memref_slice %arg3[%dma_wait3A_101, %dma_wait3A_102] : memref<5120x128xi32, #tpu.memory_space<hbm>> -> memref<2x128xi32, #tpu.memory_space<hbm>>
      tpu.wait_dma2 semaphore(%arg19 : memref<!tpu.dma_semaphore, #tpu.memory_space<semaphore_mem>>) src(%dma_wait3A_103 : memref<2x128xi32, #tpu.memory_space<hbm>>) dst(%arg7 : memref<2x128xi32, #tpu.memory_space<vmem>>)
      %dma_wait3A_104 = arith.constant 0 : i32
      %dma_wait3A_105 = arith.constant 0 : i32
      %dma_wait3A_106 = tpu.memref_slice %arg4[%dma_wait3A_104, %dma_wait3A_105] : memref<5120x128xi32, #tpu.memory_space<hbm>> -> memref<2x128xi32, #tpu.memory_space<hbm>>
      %dma_wait3A_107 = arith.constant 0 : i32
      %dma_wait3A_108 = arith.constant 0 : i32
      %dma_wait3A_109 = tpu.memref_slice %arg4[%dma_wait3A_107, %dma_wait3A_108] : memref<5120x128xi32, #tpu.memory_space<hbm>> -> memref<2x128xi32, #tpu.memory_space<hbm>>
      tpu.wait_dma2 semaphore(%arg19 : memref<!tpu.dma_semaphore, #tpu.memory_space<semaphore_mem>>) src(%dma_wait3A_109 : memref<2x128xi32, #tpu.memory_space<hbm>>) dst(%arg11 : memref<2x128xi32, #tpu.memory_space<vmem>>)
      %dma_start3A_110 = arith.constant 0 : i32
      %dma_start3A_111 = arith.constant 0 : i32
      %dma_start3A_112 = arith.constant 0 : i32
      %dma_start3A_113 = tpu.memref_slice %arg15[%dma_start3A_111, %dma_start3A_112] : memref<256x72xf32, #tpu.memory_space<vmem>> -> memref<128x72xf32, #tpu.memory_space<vmem>>
      %dma_start3A_114 = arith.constant 0 : i32
      %dma_start3A_115 = tpu.memref_slice %arg7[%dma_start3A_110, %dma_start3A_114] : memref<2x128xi32, #tpu.memory_space<vmem>> -> memref<1x128xi32, #tpu.memory_space<vmem>>
      %dma_start3A_116 = tpu.memref_squeeze %dma_start3A_115 : memref<1x128xi32, #tpu.memory_space<vmem>> -> memref<128xi32, #tpu.memory_space<vmem>>
      %dma_start3A_117 = arith.constant 0 : i32
      %dma_start3A_118 = arith.constant 0 : i32
      %dma_start3A_119 = tpu.memref_slice %arg18[%dma_start3A_117, %dma_start3A_118] : memref<10016x72xf32, #tpu.memory_space<vmem_shared>> -> memref<10016x72xf32, #tpu.memory_space<vmem_shared>>
      tpu.enqueue_indirect_dma source(%dma_start3A_119 : memref<10016x72xf32, #tpu.memory_space<vmem_shared>>) target(%dma_start3A_113 : memref<128x72xf32, #tpu.memory_space<vmem>>) offsets(%dma_start3A_116 : memref<128xi32, #tpu.memory_space<vmem>>) semaphore(%arg25 : memref<!tpu.dma_semaphore, #tpu.memory_space<semaphore_mem>>)
      %dma_start3A_120 = arith.constant 1 : i32
      %dma_start3A_121 = arith.constant 128 : i32
      %dma_start3A_122 = arith.constant 0 : i32
      %dma_start3A_123 = tpu.memref_slice %arg15[%dma_start3A_121, %dma_start3A_122] : memref<256x72xf32, #tpu.memory_space<vmem>> -> memref<128x72xf32, #tpu.memory_space<vmem>>
      %dma_start3A_124 = arith.constant 0 : i32
      %dma_start3A_125 = tpu.memref_slice %arg7[%dma_start3A_120, %dma_start3A_124] : memref<2x128xi32, #tpu.memory_space<vmem>> -> memref<1x128xi32, #tpu.memory_space<vmem>>
      %dma_start3A_126 = tpu.memref_squeeze %dma_start3A_125 : memref<1x128xi32, #tpu.memory_space<vmem>> -> memref<128xi32, #tpu.memory_space<vmem>>
      %dma_start3A_127 = arith.constant 0 : i32
      %dma_start3A_128 = arith.constant 0 : i32
      %dma_start3A_129 = tpu.memref_slice %arg18[%dma_start3A_127, %dma_start3A_128] : memref<10016x72xf32, #tpu.memory_space<vmem_shared>> -> memref<10016x72xf32, #tpu.memory_space<vmem_shared>>
      tpu.enqueue_indirect_dma source(%dma_start3A_129 : memref<10016x72xf32, #tpu.memory_space<vmem_shared>>) target(%dma_start3A_123 : memref<128x72xf32, #tpu.memory_space<vmem>>) offsets(%dma_start3A_126 : memref<128xi32, #tpu.memory_space<vmem>>) semaphore(%arg25 : memref<!tpu.dma_semaphore, #tpu.memory_space<semaphore_mem>>)
      %add3A_130 = arith.constant 2 : i32
      %add3A_131 = arith.addi %add3A_95, %add3A_130 : i32
      %mul3A_132 = arith.constant 2 : i32
      %mul3A_133 = arith.muli %add3A_131, %mul3A_132 : i32
      %add3A_134 = arith.addi %mul3A_18, %mul3A_133 : i32
      %dma_start3A_135 = arith.constant 0 : i32
      %dma_start3A_136 = tpu.memref_slice %arg3[%add3A_134, %dma_start3A_135] : memref<5120x128xi32, #tpu.memory_space<hbm>> -> memref<2x128xi32, #tpu.memory_space<hbm>>
      %dma_start3A_137 = arith.constant 0 : i32
      %dma_start3A_138 = tpu.memref_slice %arg3[%add3A_134, %dma_start3A_137] : memref<5120x128xi32, #tpu.memory_space<hbm>> -> memref<2x128xi32, #tpu.memory_space<hbm>>
      tpu.enqueue_dma source(%dma_start3A_138 : memref<2x128xi32, #tpu.memory_space<hbm>>) target(%arg9 : memref<2x128xi32, #tpu.memory_space<vmem>>) target_semaphore(%arg21 : memref<!tpu.dma_semaphore, #tpu.memory_space<semaphore_mem>>)
      %dma_start3A_139 = arith.constant 0 : i32
      %dma_start3A_140 = tpu.memref_slice %arg4[%add3A_134, %dma_start3A_139] : memref<5120x128xi32, #tpu.memory_space<hbm>> -> memref<2x128xi32, #tpu.memory_space<hbm>>
      %dma_start3A_141 = arith.constant 0 : i32
      %dma_start3A_142 = tpu.memref_slice %arg4[%add3A_134, %dma_start3A_141] : memref<5120x128xi32, #tpu.memory_space<hbm>> -> memref<2x128xi32, #tpu.memory_space<hbm>>
      tpu.enqueue_dma source(%dma_start3A_142 : memref<2x128xi32, #tpu.memory_space<hbm>>) target(%arg13 : memref<2x128xi32, #tpu.memory_space<vmem>>) target_semaphore(%arg21 : memref<!tpu.dma_semaphore, #tpu.memory_space<semaphore_mem>>)
      %dma_wait3A_143 = arith.constant 0 : i32
      %dma_wait3A_144 = arith.constant 0 : i32
      %dma_wait3A_145 = arith.constant 0 : i32
      %dma_wait3A_146 = tpu.memref_slice %arg15[%dma_wait3A_144, %dma_wait3A_145] : memref<256x72xf32, #tpu.memory_space<vmem>> -> memref<128x72xf32, #tpu.memory_space<vmem>>
      %dma_wait3A_147 = arith.constant 0 : i32
      %dma_wait3A_148 = tpu.memref_slice %arg7[%dma_wait3A_143, %dma_wait3A_147] : memref<2x128xi32, #tpu.memory_space<vmem>> -> memref<1x128xi32, #tpu.memory_space<vmem>>
      %dma_wait3A_149 = tpu.memref_squeeze %dma_wait3A_148 : memref<1x128xi32, #tpu.memory_space<vmem>> -> memref<128xi32, #tpu.memory_space<vmem>>
      %dma_wait3A_150 = arith.constant 0 : i32
      %dma_wait3A_151 = arith.constant 0 : i32
      %dma_wait3A_152 = tpu.memref_slice %arg18[%dma_wait3A_150, %dma_wait3A_151] : memref<10016x72xf32, #tpu.memory_space<vmem_shared>> -> memref<10016x72xf32, #tpu.memory_space<vmem_shared>>
      tpu.wait_indirect_dma semaphore(%arg25 : memref<!tpu.dma_semaphore, #tpu.memory_space<semaphore_mem>>) src(%dma_wait3A_152 : memref<10016x72xf32, #tpu.memory_space<vmem_shared>>) dst(%dma_wait3A_146 : memref<128x72xf32, #tpu.memory_space<vmem>>)
      %dma_wait3A_153 = arith.constant 1 : i32
      %dma_wait3A_154 = arith.constant 128 : i32
      %dma_wait3A_155 = arith.constant 0 : i32
      %dma_wait3A_156 = tpu.memref_slice %arg15[%dma_wait3A_154, %dma_wait3A_155] : memref<256x72xf32, #tpu.memory_space<vmem>> -> memref<128x72xf32, #tpu.memory_space<vmem>>
      %dma_wait3A_157 = arith.constant 0 : i32
      %dma_wait3A_158 = tpu.memref_slice %arg7[%dma_wait3A_153, %dma_wait3A_157] : memref<2x128xi32, #tpu.memory_space<vmem>> -> memref<1x128xi32, #tpu.memory_space<vmem>>
      %dma_wait3A_159 = tpu.memref_squeeze %dma_wait3A_158 : memref<1x128xi32, #tpu.memory_space<vmem>> -> memref<128xi32, #tpu.memory_space<vmem>>
      %dma_wait3A_160 = arith.constant 0 : i32
      %dma_wait3A_161 = arith.constant 0 : i32
      %dma_wait3A_162 = tpu.memref_slice %arg18[%dma_wait3A_160, %dma_wait3A_161] : memref<10016x72xf32, #tpu.memory_space<vmem_shared>> -> memref<10016x72xf32, #tpu.memory_space<vmem_shared>>
      tpu.wait_indirect_dma semaphore(%arg25 : memref<!tpu.dma_semaphore, #tpu.memory_space<semaphore_mem>>) src(%dma_wait3A_162 : memref<10016x72xf32, #tpu.memory_space<vmem_shared>>) dst(%dma_wait3A_156 : memref<128x72xf32, #tpu.memory_space<vmem>>)
      %dma_start3A_163 = arith.constant 0 : i32
      %dma_start3A_164 = arith.constant 0 : i32
      %dma_start3A_165 = arith.constant 0 : i32
      %dma_start3A_166 = tpu.memref_slice %arg15[%dma_start3A_164, %dma_start3A_165] : memref<256x72xf32, #tpu.memory_space<vmem>> -> memref<128x72xf32, #tpu.memory_space<vmem>>
      %dma_start3A_167 = arith.constant 0 : i32
      %dma_start3A_168 = tpu.memref_slice %arg11[%dma_start3A_163, %dma_start3A_167] : memref<2x128xi32, #tpu.memory_space<vmem>> -> memref<1x128xi32, #tpu.memory_space<vmem>>
      %dma_start3A_169 = tpu.memref_squeeze %dma_start3A_168 : memref<1x128xi32, #tpu.memory_space<vmem>> -> memref<128xi32, #tpu.memory_space<vmem>>
      %dma_start3A_170 = arith.constant 0 : i32
      %dma_start3A_171 = arith.constant 0 : i32
      %dma_start3A_172 = tpu.memref_slice %arg17[%dma_start3A_170, %dma_start3A_171] : memref<10016x72xf32, #tpu.memory_space<vmem_shared>> -> memref<10016x72xf32, #tpu.memory_space<vmem_shared>>
      tpu.enqueue_indirect_dma source(%dma_start3A_166 : memref<128x72xf32, #tpu.memory_space<vmem>>) target(%dma_start3A_172 : memref<10016x72xf32, #tpu.memory_space<vmem_shared>>) offsets(%dma_start3A_169 : memref<128xi32, #tpu.memory_space<vmem>>) semaphore(%arg23 : memref<!tpu.dma_semaphore, #tpu.memory_space<semaphore_mem>>) {add = true}
      %dma_start3A_173 = arith.constant 1 : i32
      %dma_start3A_174 = arith.constant 128 : i32
      %dma_start3A_175 = arith.constant 0 : i32
      %dma_start3A_176 = tpu.memref_slice %arg15[%dma_start3A_174, %dma_start3A_175] : memref<256x72xf32, #tpu.memory_space<vmem>> -> memref<128x72xf32, #tpu.memory_space<vmem>>
      %dma_start3A_177 = arith.constant 0 : i32
      %dma_start3A_178 = tpu.memref_slice %arg11[%dma_start3A_173, %dma_start3A_177] : memref<2x128xi32, #tpu.memory_space<vmem>> -> memref<1x128xi32, #tpu.memory_space<vmem>>
      %dma_start3A_179 = tpu.memref_squeeze %dma_start3A_178 : memref<1x128xi32, #tpu.memory_space<vmem>> -> memref<128xi32, #tpu.memory_space<vmem>>
      %dma_start3A_180 = arith.constant 0 : i32
      %dma_start3A_181 = arith.constant 0 : i32
      %dma_start3A_182 = tpu.memref_slice %arg17[%dma_start3A_180, %dma_start3A_181] : memref<10016x72xf32, #tpu.memory_space<vmem_shared>> -> memref<10016x72xf32, #tpu.memory_space<vmem_shared>>
      tpu.enqueue_indirect_dma source(%dma_start3A_176 : memref<128x72xf32, #tpu.memory_space<vmem>>) target(%dma_start3A_182 : memref<10016x72xf32, #tpu.memory_space<vmem_shared>>) offsets(%dma_start3A_179 : memref<128xi32, #tpu.memory_space<vmem>>) semaphore(%arg23 : memref<!tpu.dma_semaphore, #tpu.memory_space<semaphore_mem>>) {add = true}
      %mul3A_183 = arith.constant 4 : i32
      %mul3A_184 = arith.muli %scan3A_91, %mul3A_183 : i32
      %add3A_185 = arith.constant 1 : i32
      %add3A_186 = arith.addi %mul3A_184, %add3A_185 : i32
      %gt3A_187 = arith.constant 0 : i32
      %gt3A_188 = arith.cmpi sgt, %scan3A_91, %gt3A_187 : i32
      %convert_element_type3A_189 = arith.extui %gt3A_188 : i1 to i32
      %cond3A_190 = arith.constant 0 : i32
      %cond3A_191 = arith.cmpi ne, %convert_element_type3A_189, %cond3A_190 : i32
      scf.if %cond3A_191 {
        %dma_wait3A_496 = arith.constant 0 : i32
        %dma_wait3A_497 = arith.constant 0 : i32
        %dma_wait3A_498 = tpu.memref_slice %arg16[%dma_wait3A_496, %dma_wait3A_497] : memref<256x72xf32, #tpu.memory_space<vmem>> -> memref<128x72xf32, #tpu.memory_space<vmem>>
        %dma_wait3A_499 = arith.constant 0 : i32
        %dma_wait3A_500 = arith.constant 0 : i32
        %dma_wait3A_501 = tpu.memref_slice %arg17[%dma_wait3A_499, %dma_wait3A_500] : memref<10016x72xf32, #tpu.memory_space<vmem_shared>> -> memref<128x72xf32, #tpu.memory_space<vmem_shared>>
        %dma_wait3A_502 = arith.constant 0 : i32
        %dma_wait3A_503 = arith.constant 0 : i32
        %dma_wait3A_504 = tpu.memref_slice %arg17[%dma_wait3A_502, %dma_wait3A_503] : memref<10016x72xf32, #tpu.memory_space<vmem_shared>> -> memref<128x72xf32, #tpu.memory_space<vmem_shared>>
        %dma_wait3A_505 = arith.constant 0 : i32
        %dma_wait3A_506 = arith.constant 0 : i32
        %dma_wait3A_507 = tpu.memref_slice %arg16[%dma_wait3A_505, %dma_wait3A_506] : memref<256x72xf32, #tpu.memory_space<vmem>> -> memref<128x72xf32, #tpu.memory_space<vmem>>
        tpu.wait_dma2 semaphore(%arg24 : memref<!tpu.dma_semaphore, #tpu.memory_space<semaphore_mem>>) src(%dma_wait3A_507 : memref<128x72xf32, #tpu.memory_space<vmem>>) dst(%dma_wait3A_504 : memref<128x72xf32, #tpu.memory_space<vmem_shared>>)
        %dma_wait3A_508 = arith.constant 128 : i32
        %dma_wait3A_509 = arith.constant 0 : i32
        %dma_wait3A_510 = tpu.memref_slice %arg16[%dma_wait3A_508, %dma_wait3A_509] : memref<256x72xf32, #tpu.memory_space<vmem>> -> memref<128x72xf32, #tpu.memory_space<vmem>>
        %dma_wait3A_511 = arith.constant 0 : i32
        %dma_wait3A_512 = arith.constant 0 : i32
        %dma_wait3A_513 = tpu.memref_slice %arg17[%dma_wait3A_511, %dma_wait3A_512] : memref<10016x72xf32, #tpu.memory_space<vmem_shared>> -> memref<128x72xf32, #tpu.memory_space<vmem_shared>>
        %dma_wait3A_514 = arith.constant 0 : i32
        %dma_wait3A_515 = arith.constant 0 : i32
        %dma_wait3A_516 = tpu.memref_slice %arg17[%dma_wait3A_514, %dma_wait3A_515] : memref<10016x72xf32, #tpu.memory_space<vmem_shared>> -> memref<128x72xf32, #tpu.memory_space<vmem_shared>>
        %dma_wait3A_517 = arith.constant 128 : i32
        %dma_wait3A_518 = arith.constant 0 : i32
        %dma_wait3A_519 = tpu.memref_slice %arg16[%dma_wait3A_517, %dma_wait3A_518] : memref<256x72xf32, #tpu.memory_space<vmem>> -> memref<128x72xf32, #tpu.memory_space<vmem>>
        tpu.wait_dma2 semaphore(%arg24 : memref<!tpu.dma_semaphore, #tpu.memory_space<semaphore_mem>>) src(%dma_wait3A_519 : memref<128x72xf32, #tpu.memory_space<vmem>>) dst(%dma_wait3A_516 : memref<128x72xf32, #tpu.memory_space<vmem_shared>>)
      } else {
      }
      %dma_wait3A_192 = arith.constant 0 : i32
      %dma_wait3A_193 = arith.constant 0 : i32
      %dma_wait3A_194 = tpu.memref_slice %arg3[%dma_wait3A_192, %dma_wait3A_193] : memref<5120x128xi32, #tpu.memory_space<hbm>> -> memref<2x128xi32, #tpu.memory_space<hbm>>
      %dma_wait3A_195 = arith.constant 0 : i32
      %dma_wait3A_196 = arith.constant 0 : i32
      %dma_wait3A_197 = tpu.memref_slice %arg3[%dma_wait3A_195, %dma_wait3A_196] : memref<5120x128xi32, #tpu.memory_space<hbm>> -> memref<2x128xi32, #tpu.memory_space<hbm>>
      tpu.wait_dma2 semaphore(%arg20 : memref<!tpu.dma_semaphore, #tpu.memory_space<semaphore_mem>>) src(%dma_wait3A_197 : memref<2x128xi32, #tpu.memory_space<hbm>>) dst(%arg8 : memref<2x128xi32, #tpu.memory_space<vmem>>)
      %dma_wait3A_198 = arith.constant 0 : i32
      %dma_wait3A_199 = arith.constant 0 : i32
      %dma_wait3A_200 = tpu.memref_slice %arg4[%dma_wait3A_198, %dma_wait3A_199] : memref<5120x128xi32, #tpu.memory_space<hbm>> -> memref<2x128xi32, #tpu.memory_space<hbm>>
      %dma_wait3A_201 = arith.constant 0 : i32
      %dma_wait3A_202 = arith.constant 0 : i32
      %dma_wait3A_203 = tpu.memref_slice %arg4[%dma_wait3A_201, %dma_wait3A_202] : memref<5120x128xi32, #tpu.memory_space<hbm>> -> memref<2x128xi32, #tpu.memory_space<hbm>>
      tpu.wait_dma2 semaphore(%arg20 : memref<!tpu.dma_semaphore, #tpu.memory_space<semaphore_mem>>) src(%dma_wait3A_203 : memref<2x128xi32, #tpu.memory_space<hbm>>) dst(%arg12 : memref<2x128xi32, #tpu.memory_space<vmem>>)
      %dma_start3A_204 = arith.constant 0 : i32
      %dma_start3A_205 = arith.constant 0 : i32
      %dma_start3A_206 = arith.constant 0 : i32
      %dma_start3A_207 = tpu.memref_slice %arg16[%dma_start3A_205, %dma_start3A_206] : memref<256x72xf32, #tpu.memory_space<vmem>> -> memref<128x72xf32, #tpu.memory_space<vmem>>
      %dma_start3A_208 = arith.constant 0 : i32
      %dma_start3A_209 = tpu.memref_slice %arg8[%dma_start3A_204, %dma_start3A_208] : memref<2x128xi32, #tpu.memory_space<vmem>> -> memref<1x128xi32, #tpu.memory_space<vmem>>
      %dma_start3A_210 = tpu.memref_squeeze %dma_start3A_209 : memref<1x128xi32, #tpu.memory_space<vmem>> -> memref<128xi32, #tpu.memory_space<vmem>>
      %dma_start3A_211 = arith.constant 0 : i32
      %dma_start3A_212 = arith.constant 0 : i32
      %dma_start3A_213 = tpu.memref_slice %arg18[%dma_start3A_211, %dma_start3A_212] : memref<10016x72xf32, #tpu.memory_space<vmem_shared>> -> memref<10016x72xf32, #tpu.memory_space<vmem_shared>>
      tpu.enqueue_indirect_dma source(%dma_start3A_213 : memref<10016x72xf32, #tpu.memory_space<vmem_shared>>) target(%dma_start3A_207 : memref<128x72xf32, #tpu.memory_space<vmem>>) offsets(%dma_start3A_210 : memref<128xi32, #tpu.memory_space<vmem>>) semaphore(%arg25 : memref<!tpu.dma_semaphore, #tpu.memory_space<semaphore_mem>>)
      %dma_start3A_214 = arith.constant 1 : i32
      %dma_start3A_215 = arith.constant 128 : i32
      %dma_start3A_216 = arith.constant 0 : i32
      %dma_start3A_217 = tpu.memref_slice %arg16[%dma_start3A_215, %dma_start3A_216] : memref<256x72xf32, #tpu.memory_space<vmem>> -> memref<128x72xf32, #tpu.memory_space<vmem>>
      %dma_start3A_218 = arith.constant 0 : i32
      %dma_start3A_219 = tpu.memref_slice %arg8[%dma_start3A_214, %dma_start3A_218] : memref<2x128xi32, #tpu.memory_space<vmem>> -> memref<1x128xi32, #tpu.memory_space<vmem>>
      %dma_start3A_220 = tpu.memref_squeeze %dma_start3A_219 : memref<1x128xi32, #tpu.memory_space<vmem>> -> memref<128xi32, #tpu.memory_space<vmem>>
      %dma_start3A_221 = arith.constant 0 : i32
      %dma_start3A_222 = arith.constant 0 : i32
      %dma_start3A_223 = tpu.memref_slice %arg18[%dma_start3A_221, %dma_start3A_222] : memref<10016x72xf32, #tpu.memory_space<vmem_shared>> -> memref<10016x72xf32, #tpu.memory_space<vmem_shared>>
      tpu.enqueue_indirect_dma source(%dma_start3A_223 : memref<10016x72xf32, #tpu.memory_space<vmem_shared>>) target(%dma_start3A_217 : memref<128x72xf32, #tpu.memory_space<vmem>>) offsets(%dma_start3A_220 : memref<128xi32, #tpu.memory_space<vmem>>) semaphore(%arg25 : memref<!tpu.dma_semaphore, #tpu.memory_space<semaphore_mem>>)
      %add3A_224 = arith.constant 2 : i32
      %add3A_225 = arith.addi %add3A_186, %add3A_224 : i32
      %mul3A_226 = arith.constant 2 : i32
      %mul3A_227 = arith.muli %add3A_225, %mul3A_226 : i32
      %add3A_228 = arith.addi %mul3A_18, %mul3A_227 : i32
      %dma_start3A_229 = arith.constant 0 : i32
      %dma_start3A_230 = tpu.memref_slice %arg3[%add3A_228, %dma_start3A_229] : memref<5120x128xi32, #tpu.memory_space<hbm>> -> memref<2x128xi32, #tpu.memory_space<hbm>>
      %dma_start3A_231 = arith.constant 0 : i32
      %dma_start3A_232 = tpu.memref_slice %arg3[%add3A_228, %dma_start3A_231] : memref<5120x128xi32, #tpu.memory_space<hbm>> -> memref<2x128xi32, #tpu.memory_space<hbm>>
      tpu.enqueue_dma source(%dma_start3A_232 : memref<2x128xi32, #tpu.memory_space<hbm>>) target(%arg10 : memref<2x128xi32, #tpu.memory_space<vmem>>) target_semaphore(%arg22 : memref<!tpu.dma_semaphore, #tpu.memory_space<semaphore_mem>>)
      %dma_start3A_233 = arith.constant 0 : i32
      %dma_start3A_234 = tpu.memref_slice %arg4[%add3A_228, %dma_start3A_233] : memref<5120x128xi32, #tpu.memory_space<hbm>> -> memref<2x128xi32, #tpu.memory_space<hbm>>
      %dma_start3A_235 = arith.constant 0 : i32
      %dma_start3A_236 = tpu.memref_slice %arg4[%add3A_228, %dma_start3A_235] : memref<5120x128xi32, #tpu.memory_space<hbm>> -> memref<2x128xi32, #tpu.memory_space<hbm>>
      tpu.enqueue_dma source(%dma_start3A_236 : memref<2x128xi32, #tpu.memory_space<hbm>>) target(%arg14 : memref<2x128xi32, #tpu.memory_space<vmem>>) target_semaphore(%arg22 : memref<!tpu.dma_semaphore, #tpu.memory_space<semaphore_mem>>)
      %dma_wait3A_237 = arith.constant 0 : i32
      %dma_wait3A_238 = arith.constant 0 : i32
      %dma_wait3A_239 = arith.constant 0 : i32
      %dma_wait3A_240 = tpu.memref_slice %arg16[%dma_wait3A_238, %dma_wait3A_239] : memref<256x72xf32, #tpu.memory_space<vmem>> -> memref<128x72xf32, #tpu.memory_space<vmem>>
      %dma_wait3A_241 = arith.constant 0 : i32
      %dma_wait3A_242 = tpu.memref_slice %arg8[%dma_wait3A_237, %dma_wait3A_241] : memref<2x128xi32, #tpu.memory_space<vmem>> -> memref<1x128xi32, #tpu.memory_space<vmem>>
      %dma_wait3A_243 = tpu.memref_squeeze %dma_wait3A_242 : memref<1x128xi32, #tpu.memory_space<vmem>> -> memref<128xi32, #tpu.memory_space<vmem>>
      %dma_wait3A_244 = arith.constant 0 : i32
      %dma_wait3A_245 = arith.constant 0 : i32
      %dma_wait3A_246 = tpu.memref_slice %arg18[%dma_wait3A_244, %dma_wait3A_245] : memref<10016x72xf32, #tpu.memory_space<vmem_shared>> -> memref<10016x72xf32, #tpu.memory_space<vmem_shared>>
      tpu.wait_indirect_dma semaphore(%arg25 : memref<!tpu.dma_semaphore, #tpu.memory_space<semaphore_mem>>) src(%dma_wait3A_246 : memref<10016x72xf32, #tpu.memory_space<vmem_shared>>) dst(%dma_wait3A_240 : memref<128x72xf32, #tpu.memory_space<vmem>>)
      %dma_wait3A_247 = arith.constant 1 : i32
      %dma_wait3A_248 = arith.constant 128 : i32
      %dma_wait3A_249 = arith.constant 0 : i32
      %dma_wait3A_250 = tpu.memref_slice %arg16[%dma_wait3A_248, %dma_wait3A_249] : memref<256x72xf32, #tpu.memory_space<vmem>> -> memref<128x72xf32, #tpu.memory_space<vmem>>
      %dma_wait3A_251 = arith.constant 0 : i32
      %dma_wait3A_252 = tpu.memref_slice %arg8[%dma_wait3A_247, %dma_wait3A_251] : memref<2x128xi32, #tpu.memory_space<vmem>> -> memref<1x128xi32, #tpu.memory_space<vmem>>
      %dma_wait3A_253 = tpu.memref_squeeze %dma_wait3A_252 : memref<1x128xi32, #tpu.memory_space<vmem>> -> memref<128xi32, #tpu.memory_space<vmem>>
      %dma_wait3A_254 = arith.constant 0 : i32
      %dma_wait3A_255 = arith.constant 0 : i32
      %dma_wait3A_256 = tpu.memref_slice %arg18[%dma_wait3A_254, %dma_wait3A_255] : memref<10016x72xf32, #tpu.memory_space<vmem_shared>> -> memref<10016x72xf32, #tpu.memory_space<vmem_shared>>
      tpu.wait_indirect_dma semaphore(%arg25 : memref<!tpu.dma_semaphore, #tpu.memory_space<semaphore_mem>>) src(%dma_wait3A_256 : memref<10016x72xf32, #tpu.memory_space<vmem_shared>>) dst(%dma_wait3A_250 : memref<128x72xf32, #tpu.memory_space<vmem>>)
      %dma_start3A_257 = arith.constant 0 : i32
      %dma_start3A_258 = arith.constant 0 : i32
      %dma_start3A_259 = arith.constant 0 : i32
      %dma_start3A_260 = tpu.memref_slice %arg16[%dma_start3A_258, %dma_start3A_259] : memref<256x72xf32, #tpu.memory_space<vmem>> -> memref<128x72xf32, #tpu.memory_space<vmem>>
      %dma_start3A_261 = arith.constant 0 : i32
      %dma_start3A_262 = tpu.memref_slice %arg12[%dma_start3A_257, %dma_start3A_261] : memref<2x128xi32, #tpu.memory_space<vmem>> -> memref<1x128xi32, #tpu.memory_space<vmem>>
      %dma_start3A_263 = tpu.memref_squeeze %dma_start3A_262 : memref<1x128xi32, #tpu.memory_space<vmem>> -> memref<128xi32, #tpu.memory_space<vmem>>
      %dma_start3A_264 = arith.constant 0 : i32
      %dma_start3A_265 = arith.constant 0 : i32
      %dma_start3A_266 = tpu.memref_slice %arg17[%dma_start3A_264, %dma_start3A_265] : memref<10016x72xf32, #tpu.memory_space<vmem_shared>> -> memref<10016x72xf32, #tpu.memory_space<vmem_shared>>
      tpu.enqueue_indirect_dma source(%dma_start3A_260 : memref<128x72xf32, #tpu.memory_space<vmem>>) target(%dma_start3A_266 : memref<10016x72xf32, #tpu.memory_space<vmem_shared>>) offsets(%dma_start3A_263 : memref<128xi32, #tpu.memory_space<vmem>>) semaphore(%arg24 : memref<!tpu.dma_semaphore, #tpu.memory_space<semaphore_mem>>) {add = true}
      %dma_start3A_267 = arith.constant 1 : i32
      %dma_start3A_268 = arith.constant 128 : i32
      %dma_start3A_269 = arith.constant 0 : i32
      %dma_start3A_270 = tpu.memref_slice %arg16[%dma_start3A_268, %dma_start3A_269] : memref<256x72xf32, #tpu.memory_space<vmem>> -> memref<128x72xf32, #tpu.memory_space<vmem>>
      %dma_start3A_271 = arith.constant 0 : i32
      %dma_start3A_272 = tpu.memref_slice %arg12[%dma_start3A_267, %dma_start3A_271] : memref<2x128xi32, #tpu.memory_space<vmem>> -> memref<1x128xi32, #tpu.memory_space<vmem>>
      %dma_start3A_273 = tpu.memref_squeeze %dma_start3A_272 : memref<1x128xi32, #tpu.memory_space<vmem>> -> memref<128xi32, #tpu.memory_space<vmem>>
      %dma_start3A_274 = arith.constant 0 : i32
      %dma_start3A_275 = arith.constant 0 : i32
      %dma_start3A_276 = tpu.memref_slice %arg17[%dma_start3A_274, %dma_start3A_275] : memref<10016x72xf32, #tpu.memory_space<vmem_shared>> -> memref<10016x72xf32, #tpu.memory_space<vmem_shared>>
      tpu.enqueue_indirect_dma source(%dma_start3A_270 : memref<128x72xf32, #tpu.memory_space<vmem>>) target(%dma_start3A_276 : memref<10016x72xf32, #tpu.memory_space<vmem_shared>>) offsets(%dma_start3A_273 : memref<128xi32, #tpu.memory_space<vmem>>) semaphore(%arg24 : memref<!tpu.dma_semaphore, #tpu.memory_space<semaphore_mem>>) {add = true}
      %mul3A_277 = arith.constant 4 : i32
      %mul3A_278 = arith.muli %scan3A_91, %mul3A_277 : i32
      %add3A_279 = arith.constant 2 : i32
      %add3A_280 = arith.addi %mul3A_278, %add3A_279 : i32
      %dma_wait3A_281 = arith.constant 0 : i32
      %dma_wait3A_282 = arith.constant 0 : i32
      %dma_wait3A_283 = tpu.memref_slice %arg15[%dma_wait3A_281, %dma_wait3A_282] : memref<256x72xf32, #tpu.memory_space<vmem>> -> memref<128x72xf32, #tpu.memory_space<vmem>>
      %dma_wait3A_284 = arith.constant 0 : i32
      %dma_wait3A_285 = arith.constant 0 : i32
      %dma_wait3A_286 = tpu.memref_slice %arg17[%dma_wait3A_284, %dma_wait3A_285] : memref<10016x72xf32, #tpu.memory_space<vmem_shared>> -> memref<128x72xf32, #tpu.memory_space<vmem_shared>>
      %dma_wait3A_287 = arith.constant 0 : i32
      %dma_wait3A_288 = arith.constant 0 : i32
      %dma_wait3A_289 = tpu.memref_slice %arg17[%dma_wait3A_287, %dma_wait3A_288] : memref<10016x72xf32, #tpu.memory_space<vmem_shared>> -> memref<128x72xf32, #tpu.memory_space<vmem_shared>>
      %dma_wait3A_290 = arith.constant 0 : i32
      %dma_wait3A_291 = arith.constant 0 : i32
      %dma_wait3A_292 = tpu.memref_slice %arg15[%dma_wait3A_290, %dma_wait3A_291] : memref<256x72xf32, #tpu.memory_space<vmem>> -> memref<128x72xf32, #tpu.memory_space<vmem>>
      tpu.wait_dma2 semaphore(%arg23 : memref<!tpu.dma_semaphore, #tpu.memory_space<semaphore_mem>>) src(%dma_wait3A_292 : memref<128x72xf32, #tpu.memory_space<vmem>>) dst(%dma_wait3A_289 : memref<128x72xf32, #tpu.memory_space<vmem_shared>>)
      %dma_wait3A_293 = arith.constant 128 : i32
      %dma_wait3A_294 = arith.constant 0 : i32
      %dma_wait3A_295 = tpu.memref_slice %arg15[%dma_wait3A_293, %dma_wait3A_294] : memref<256x72xf32, #tpu.memory_space<vmem>> -> memref<128x72xf32, #tpu.memory_space<vmem>>
      %dma_wait3A_296 = arith.constant 0 : i32
      %dma_wait3A_297 = arith.constant 0 : i32
      %dma_wait3A_298 = tpu.memref_slice %arg17[%dma_wait3A_296, %dma_wait3A_297] : memref<10016x72xf32, #tpu.memory_space<vmem_shared>> -> memref<128x72xf32, #tpu.memory_space<vmem_shared>>
      %dma_wait3A_299 = arith.constant 0 : i32
      %dma_wait3A_300 = arith.constant 0 : i32
      %dma_wait3A_301 = tpu.memref_slice %arg17[%dma_wait3A_299, %dma_wait3A_300] : memref<10016x72xf32, #tpu.memory_space<vmem_shared>> -> memref<128x72xf32, #tpu.memory_space<vmem_shared>>
      %dma_wait3A_302 = arith.constant 128 : i32
      %dma_wait3A_303 = arith.constant 0 : i32
      %dma_wait3A_304 = tpu.memref_slice %arg15[%dma_wait3A_302, %dma_wait3A_303] : memref<256x72xf32, #tpu.memory_space<vmem>> -> memref<128x72xf32, #tpu.memory_space<vmem>>
      tpu.wait_dma2 semaphore(%arg23 : memref<!tpu.dma_semaphore, #tpu.memory_space<semaphore_mem>>) src(%dma_wait3A_304 : memref<128x72xf32, #tpu.memory_space<vmem>>) dst(%dma_wait3A_301 : memref<128x72xf32, #tpu.memory_space<vmem_shared>>)
      %dma_wait3A_305 = arith.constant 0 : i32
      %dma_wait3A_306 = arith.constant 0 : i32
      %dma_wait3A_307 = tpu.memref_slice %arg3[%dma_wait3A_305, %dma_wait3A_306] : memref<5120x128xi32, #tpu.memory_space<hbm>> -> memref<2x128xi32, #tpu.memory_space<hbm>>
      %dma_wait3A_308 = arith.constant 0 : i32
      %dma_wait3A_309 = arith.constant 0 : i32
      %dma_wait3A_310 = tpu.memref_slice %arg3[%dma_wait3A_308, %dma_wait3A_309] : memref<5120x128xi32, #tpu.memory_space<hbm>> -> memref<2x128xi32, #tpu.memory_space<hbm>>
      tpu.wait_dma2 semaphore(%arg21 : memref<!tpu.dma_semaphore, #tpu.memory_space<semaphore_mem>>) src(%dma_wait3A_310 : memref<2x128xi32, #tpu.memory_space<hbm>>) dst(%arg9 : memref<2x128xi32, #tpu.memory_space<vmem>>)
      %dma_wait3A_311 = arith.constant 0 : i32
      %dma_wait3A_312 = arith.constant 0 : i32
      %dma_wait3A_313 = tpu.memref_slice %arg4[%dma_wait3A_311, %dma_wait3A_312] : memref<5120x128xi32, #tpu.memory_space<hbm>> -> memref<2x128xi32, #tpu.memory_space<hbm>>
      %dma_wait3A_314 = arith.constant 0 : i32
      %dma_wait3A_315 = arith.constant 0 : i32
      %dma_wait3A_316 = tpu.memref_slice %arg4[%dma_wait3A_314, %dma_wait3A_315] : memref<5120x128xi32, #tpu.memory_space<hbm>> -> memref<2x128xi32, #tpu.memory_space<hbm>>
      tpu.wait_dma2 semaphore(%arg21 : memref<!tpu.dma_semaphore, #tpu.memory_space<semaphore_mem>>) src(%dma_wait3A_316 : memref<2x128xi32, #tpu.memory_space<hbm>>) dst(%arg13 : memref<2x128xi32, #tpu.memory_space<vmem>>)
      %dma_start3A_317 = arith.constant 0 : i32
      %dma_start3A_318 = arith.constant 0 : i32
      %dma_start3A_319 = arith.constant 0 : i32
      %dma_start3A_320 = tpu.memref_slice %arg15[%dma_start3A_318, %dma_start3A_319] : memref<256x72xf32, #tpu.memory_space<vmem>> -> memref<128x72xf32, #tpu.memory_space<vmem>>
      %dma_start3A_321 = arith.constant 0 : i32
      %dma_start3A_322 = tpu.memref_slice %arg9[%dma_start3A_317, %dma_start3A_321] : memref<2x128xi32, #tpu.memory_space<vmem>> -> memref<1x128xi32, #tpu.memory_space<vmem>>
      %dma_start3A_323 = tpu.memref_squeeze %dma_start3A_322 : memref<1x128xi32, #tpu.memory_space<vmem>> -> memref<128xi32, #tpu.memory_space<vmem>>
      %dma_start3A_324 = arith.constant 0 : i32
      %dma_start3A_325 = arith.constant 0 : i32
      %dma_start3A_326 = tpu.memref_slice %arg18[%dma_start3A_324, %dma_start3A_325] : memref<10016x72xf32, #tpu.memory_space<vmem_shared>> -> memref<10016x72xf32, #tpu.memory_space<vmem_shared>>
      tpu.enqueue_indirect_dma source(%dma_start3A_326 : memref<10016x72xf32, #tpu.memory_space<vmem_shared>>) target(%dma_start3A_320 : memref<128x72xf32, #tpu.memory_space<vmem>>) offsets(%dma_start3A_323 : memref<128xi32, #tpu.memory_space<vmem>>) semaphore(%arg25 : memref<!tpu.dma_semaphore, #tpu.memory_space<semaphore_mem>>)
      %dma_start3A_327 = arith.constant 1 : i32
      %dma_start3A_328 = arith.constant 128 : i32
      %dma_start3A_329 = arith.constant 0 : i32
      %dma_start3A_330 = tpu.memref_slice %arg15[%dma_start3A_328, %dma_start3A_329] : memref<256x72xf32, #tpu.memory_space<vmem>> -> memref<128x72xf32, #tpu.memory_space<vmem>>
      %dma_start3A_331 = arith.constant 0 : i32
      %dma_start3A_332 = tpu.memref_slice %arg9[%dma_start3A_327, %dma_start3A_331] : memref<2x128xi32, #tpu.memory_space<vmem>> -> memref<1x128xi32, #tpu.memory_space<vmem>>
      %dma_start3A_333 = tpu.memref_squeeze %dma_start3A_332 : memref<1x128xi32, #tpu.memory_space<vmem>> -> memref<128xi32, #tpu.memory_space<vmem>>
      %dma_start3A_334 = arith.constant 0 : i32
      %dma_start3A_335 = arith.constant 0 : i32
      %dma_start3A_336 = tpu.memref_slice %arg18[%dma_start3A_334, %dma_start3A_335] : memref<10016x72xf32, #tpu.memory_space<vmem_shared>> -> memref<10016x72xf32, #tpu.memory_space<vmem_shared>>
      tpu.enqueue_indirect_dma source(%dma_start3A_336 : memref<10016x72xf32, #tpu.memory_space<vmem_shared>>) target(%dma_start3A_330 : memref<128x72xf32, #tpu.memory_space<vmem>>) offsets(%dma_start3A_333 : memref<128xi32, #tpu.memory_space<vmem>>) semaphore(%arg25 : memref<!tpu.dma_semaphore, #tpu.memory_space<semaphore_mem>>)
      %add3A_337 = arith.constant 2 : i32
      %add3A_338 = arith.addi %add3A_280, %add3A_337 : i32
      %mul3A_339 = arith.constant 2 : i32
      %mul3A_340 = arith.muli %add3A_338, %mul3A_339 : i32
      %add3A_341 = arith.addi %mul3A_18, %mul3A_340 : i32
      %lt3A = arith.constant 19 : i32
      %lt3A_342 = arith.cmpi slt, %scan3A_91, %lt3A : i32
      %convert_element_type3A_343 = arith.extui %lt3A_342 : i1 to i32
      %cond3A_344 = arith.constant 0 : i32
      %cond3A_345 = arith.cmpi ne, %convert_element_type3A_343, %cond3A_344 : i32
      scf.if %cond3A_345 {
        %dma_start3A_496 = arith.constant 0 : i32
        %dma_start3A_497 = tpu.memref_slice %arg3[%add3A_341, %dma_start3A_496] : memref<5120x128xi32, #tpu.memory_space<hbm>> -> memref<2x128xi32, #tpu.memory_space<hbm>>
        %dma_start3A_498 = arith.constant 0 : i32
        %dma_start3A_499 = tpu.memref_slice %arg3[%add3A_341, %dma_start3A_498] : memref<5120x128xi32, #tpu.memory_space<hbm>> -> memref<2x128xi32, #tpu.memory_space<hbm>>
        tpu.enqueue_dma source(%dma_start3A_499 : memref<2x128xi32, #tpu.memory_space<hbm>>) target(%arg7 : memref<2x128xi32, #tpu.memory_space<vmem>>) target_semaphore(%arg19 : memref<!tpu.dma_semaphore, #tpu.memory_space<semaphore_mem>>)
        %dma_start3A_500 = arith.constant 0 : i32
        %dma_start3A_501 = tpu.memref_slice %arg4[%add3A_341, %dma_start3A_500] : memref<5120x128xi32, #tpu.memory_space<hbm>> -> memref<2x128xi32, #tpu.memory_space<hbm>>
        %dma_start3A_502 = arith.constant 0 : i32
        %dma_start3A_503 = tpu.memref_slice %arg4[%add3A_341, %dma_start3A_502] : memref<5120x128xi32, #tpu.memory_space<hbm>> -> memref<2x128xi32, #tpu.memory_space<hbm>>
        tpu.enqueue_dma source(%dma_start3A_503 : memref<2x128xi32, #tpu.memory_space<hbm>>) target(%arg11 : memref<2x128xi32, #tpu.memory_space<vmem>>) target_semaphore(%arg19 : memref<!tpu.dma_semaphore, #tpu.memory_space<semaphore_mem>>)
      } else {
      }
      %dma_wait3A_346 = arith.constant 0 : i32
      %dma_wait3A_347 = arith.constant 0 : i32
      %dma_wait3A_348 = arith.constant 0 : i32
      %dma_wait3A_349 = tpu.memref_slice %arg15[%dma_wait3A_347, %dma_wait3A_348] : memref<256x72xf32, #tpu.memory_space<vmem>> -> memref<128x72xf32, #tpu.memory_space<vmem>>
      %dma_wait3A_350 = arith.constant 0 : i32
      %dma_wait3A_351 = tpu.memref_slice %arg9[%dma_wait3A_346, %dma_wait3A_350] : memref<2x128xi32, #tpu.memory_space<vmem>> -> memref<1x128xi32, #tpu.memory_space<vmem>>
      %dma_wait3A_352 = tpu.memref_squeeze %dma_wait3A_351 : memref<1x128xi32, #tpu.memory_space<vmem>> -> memref<128xi32, #tpu.memory_space<vmem>>
      %dma_wait3A_353 = arith.constant 0 : i32
      %dma_wait3A_354 = arith.constant 0 : i32
      %dma_wait3A_355 = tpu.memref_slice %arg18[%dma_wait3A_353, %dma_wait3A_354] : memref<10016x72xf32, #tpu.memory_space<vmem_shared>> -> memref<10016x72xf32, #tpu.memory_space<vmem_shared>>
      tpu.wait_indirect_dma semaphore(%arg25 : memref<!tpu.dma_semaphore, #tpu.memory_space<semaphore_mem>>) src(%dma_wait3A_355 : memref<10016x72xf32, #tpu.memory_space<vmem_shared>>) dst(%dma_wait3A_349 : memref<128x72xf32, #tpu.memory_space<vmem>>)
      %dma_wait3A_356 = arith.constant 1 : i32
      %dma_wait3A_357 = arith.constant 128 : i32
      %dma_wait3A_358 = arith.constant 0 : i32
      %dma_wait3A_359 = tpu.memref_slice %arg15[%dma_wait3A_357, %dma_wait3A_358] : memref<256x72xf32, #tpu.memory_space<vmem>> -> memref<128x72xf32, #tpu.memory_space<vmem>>
      %dma_wait3A_360 = arith.constant 0 : i32
      %dma_wait3A_361 = tpu.memref_slice %arg9[%dma_wait3A_356, %dma_wait3A_360] : memref<2x128xi32, #tpu.memory_space<vmem>> -> memref<1x128xi32, #tpu.memory_space<vmem>>
      %dma_wait3A_362 = tpu.memref_squeeze %dma_wait3A_361 : memref<1x128xi32, #tpu.memory_space<vmem>> -> memref<128xi32, #tpu.memory_space<vmem>>
      %dma_wait3A_363 = arith.constant 0 : i32
      %dma_wait3A_364 = arith.constant 0 : i32
      %dma_wait3A_365 = tpu.memref_slice %arg18[%dma_wait3A_363, %dma_wait3A_364] : memref<10016x72xf32, #tpu.memory_space<vmem_shared>> -> memref<10016x72xf32, #tpu.memory_space<vmem_shared>>
      tpu.wait_indirect_dma semaphore(%arg25 : memref<!tpu.dma_semaphore, #tpu.memory_space<semaphore_mem>>) src(%dma_wait3A_365 : memref<10016x72xf32, #tpu.memory_space<vmem_shared>>) dst(%dma_wait3A_359 : memref<128x72xf32, #tpu.memory_space<vmem>>)
      %dma_start3A_366 = arith.constant 0 : i32
      %dma_start3A_367 = arith.constant 0 : i32
      %dma_start3A_368 = arith.constant 0 : i32
      %dma_start3A_369 = tpu.memref_slice %arg15[%dma_start3A_367, %dma_start3A_368] : memref<256x72xf32, #tpu.memory_space<vmem>> -> memref<128x72xf32, #tpu.memory_space<vmem>>
      %dma_start3A_370 = arith.constant 0 : i32
      %dma_start3A_371 = tpu.memref_slice %arg13[%dma_start3A_366, %dma_start3A_370] : memref<2x128xi32, #tpu.memory_space<vmem>> -> memref<1x128xi32, #tpu.memory_space<vmem>>
      %dma_start3A_372 = tpu.memref_squeeze %dma_start3A_371 : memref<1x128xi32, #tpu.memory_space<vmem>> -> memref<128xi32, #tpu.memory_space<vmem>>
      %dma_start3A_373 = arith.constant 0 : i32
      %dma_start3A_374 = arith.constant 0 : i32
      %dma_start3A_375 = tpu.memref_slice %arg17[%dma_start3A_373, %dma_start3A_374] : memref<10016x72xf32, #tpu.memory_space<vmem_shared>> -> memref<10016x72xf32, #tpu.memory_space<vmem_shared>>
      tpu.enqueue_indirect_dma source(%dma_start3A_369 : memref<128x72xf32, #tpu.memory_space<vmem>>) target(%dma_start3A_375 : memref<10016x72xf32, #tpu.memory_space<vmem_shared>>) offsets(%dma_start3A_372 : memref<128xi32, #tpu.memory_space<vmem>>) semaphore(%arg23 : memref<!tpu.dma_semaphore, #tpu.memory_space<semaphore_mem>>) {add = true}
      %dma_start3A_376 = arith.constant 1 : i32
      %dma_start3A_377 = arith.constant 128 : i32
      %dma_start3A_378 = arith.constant 0 : i32
      %dma_start3A_379 = tpu.memref_slice %arg15[%dma_start3A_377, %dma_start3A_378] : memref<256x72xf32, #tpu.memory_space<vmem>> -> memref<128x72xf32, #tpu.memory_space<vmem>>
      %dma_start3A_380 = arith.constant 0 : i32
      %dma_start3A_381 = tpu.memref_slice %arg13[%dma_start3A_376, %dma_start3A_380] : memref<2x128xi32, #tpu.memory_space<vmem>> -> memref<1x128xi32, #tpu.memory_space<vmem>>
      %dma_start3A_382 = tpu.memref_squeeze %dma_start3A_381 : memref<1x128xi32, #tpu.memory_space<vmem>> -> memref<128xi32, #tpu.memory_space<vmem>>
      %dma_start3A_383 = arith.constant 0 : i32
      %dma_start3A_384 = arith.constant 0 : i32
      %dma_start3A_385 = tpu.memref_slice %arg17[%dma_start3A_383, %dma_start3A_384] : memref<10016x72xf32, #tpu.memory_space<vmem_shared>> -> memref<10016x72xf32, #tpu.memory_space<vmem_shared>>
      tpu.enqueue_indirect_dma source(%dma_start3A_379 : memref<128x72xf32, #tpu.memory_space<vmem>>) target(%dma_start3A_385 : memref<10016x72xf32, #tpu.memory_space<vmem_shared>>) offsets(%dma_start3A_382 : memref<128xi32, #tpu.memory_space<vmem>>) semaphore(%arg23 : memref<!tpu.dma_semaphore, #tpu.memory_space<semaphore_mem>>) {add = true}
      %mul3A_386 = arith.constant 4 : i32
      %mul3A_387 = arith.muli %scan3A_91, %mul3A_386 : i32
      %add3A_388 = arith.constant 3 : i32
      %add3A_389 = arith.addi %mul3A_387, %add3A_388 : i32
      %dma_wait3A_390 = arith.constant 0 : i32
      %dma_wait3A_391 = arith.constant 0 : i32
      %dma_wait3A_392 = tpu.memref_slice %arg16[%dma_wait3A_390, %dma_wait3A_391] : memref<256x72xf32, #tpu.memory_space<vmem>> -> memref<128x72xf32, #tpu.memory_space<vmem>>
      %dma_wait3A_393 = arith.constant 0 : i32
      %dma_wait3A_394 = arith.constant 0 : i32
      %dma_wait3A_395 = tpu.memref_slice %arg17[%dma_wait3A_393, %dma_wait3A_394] : memref<10016x72xf32, #tpu.memory_space<vmem_shared>> -> memref<128x72xf32, #tpu.memory_space<vmem_shared>>
      %dma_wait3A_396 = arith.constant 0 : i32
      %dma_wait3A_397 = arith.constant 0 : i32
      %dma_wait3A_398 = tpu.memref_slice %arg17[%dma_wait3A_396, %dma_wait3A_397] : memref<10016x72xf32, #tpu.memory_space<vmem_shared>> -> memref<128x72xf32, #tpu.memory_space<vmem_shared>>
      %dma_wait3A_399 = arith.constant 0 : i32
      %dma_wait3A_400 = arith.constant 0 : i32
      %dma_wait3A_401 = tpu.memref_slice %arg16[%dma_wait3A_399, %dma_wait3A_400] : memref<256x72xf32, #tpu.memory_space<vmem>> -> memref<128x72xf32, #tpu.memory_space<vmem>>
      tpu.wait_dma2 semaphore(%arg24 : memref<!tpu.dma_semaphore, #tpu.memory_space<semaphore_mem>>) src(%dma_wait3A_401 : memref<128x72xf32, #tpu.memory_space<vmem>>) dst(%dma_wait3A_398 : memref<128x72xf32, #tpu.memory_space<vmem_shared>>)
      %dma_wait3A_402 = arith.constant 128 : i32
      %dma_wait3A_403 = arith.constant 0 : i32
      %dma_wait3A_404 = tpu.memref_slice %arg16[%dma_wait3A_402, %dma_wait3A_403] : memref<256x72xf32, #tpu.memory_space<vmem>> -> memref<128x72xf32, #tpu.memory_space<vmem>>
      %dma_wait3A_405 = arith.constant 0 : i32
      %dma_wait3A_406 = arith.constant 0 : i32
      %dma_wait3A_407 = tpu.memref_slice %arg17[%dma_wait3A_405, %dma_wait3A_406] : memref<10016x72xf32, #tpu.memory_space<vmem_shared>> -> memref<128x72xf32, #tpu.memory_space<vmem_shared>>
      %dma_wait3A_408 = arith.constant 0 : i32
      %dma_wait3A_409 = arith.constant 0 : i32
      %dma_wait3A_410 = tpu.memref_slice %arg17[%dma_wait3A_408, %dma_wait3A_409] : memref<10016x72xf32, #tpu.memory_space<vmem_shared>> -> memref<128x72xf32, #tpu.memory_space<vmem_shared>>
      %dma_wait3A_411 = arith.constant 128 : i32
      %dma_wait3A_412 = arith.constant 0 : i32
      %dma_wait3A_413 = tpu.memref_slice %arg16[%dma_wait3A_411, %dma_wait3A_412] : memref<256x72xf32, #tpu.memory_space<vmem>> -> memref<128x72xf32, #tpu.memory_space<vmem>>
      tpu.wait_dma2 semaphore(%arg24 : memref<!tpu.dma_semaphore, #tpu.memory_space<semaphore_mem>>) src(%dma_wait3A_413 : memref<128x72xf32, #tpu.memory_space<vmem>>) dst(%dma_wait3A_410 : memref<128x72xf32, #tpu.memory_space<vmem_shared>>)
      %dma_wait3A_414 = arith.constant 0 : i32
      %dma_wait3A_415 = arith.constant 0 : i32
      %dma_wait3A_416 = tpu.memref_slice %arg3[%dma_wait3A_414, %dma_wait3A_415] : memref<5120x128xi32, #tpu.memory_space<hbm>> -> memref<2x128xi32, #tpu.memory_space<hbm>>
      %dma_wait3A_417 = arith.constant 0 : i32
      %dma_wait3A_418 = arith.constant 0 : i32
      %dma_wait3A_419 = tpu.memref_slice %arg3[%dma_wait3A_417, %dma_wait3A_418] : memref<5120x128xi32, #tpu.memory_space<hbm>> -> memref<2x128xi32, #tpu.memory_space<hbm>>
      tpu.wait_dma2 semaphore(%arg22 : memref<!tpu.dma_semaphore, #tpu.memory_space<semaphore_mem>>) src(%dma_wait3A_419 : memref<2x128xi32, #tpu.memory_space<hbm>>) dst(%arg10 : memref<2x128xi32, #tpu.memory_space<vmem>>)
      %dma_wait3A_420 = arith.constant 0 : i32
      %dma_wait3A_421 = arith.constant 0 : i32
      %dma_wait3A_422 = tpu.memref_slice %arg4[%dma_wait3A_420, %dma_wait3A_421] : memref<5120x128xi32, #tpu.memory_space<hbm>> -> memref<2x128xi32, #tpu.memory_space<hbm>>
      %dma_wait3A_423 = arith.constant 0 : i32
      %dma_wait3A_424 = arith.constant 0 : i32
      %dma_wait3A_425 = tpu.memref_slice %arg4[%dma_wait3A_423, %dma_wait3A_424] : memref<5120x128xi32, #tpu.memory_space<hbm>> -> memref<2x128xi32, #tpu.memory_space<hbm>>
      tpu.wait_dma2 semaphore(%arg22 : memref<!tpu.dma_semaphore, #tpu.memory_space<semaphore_mem>>) src(%dma_wait3A_425 : memref<2x128xi32, #tpu.memory_space<hbm>>) dst(%arg14 : memref<2x128xi32, #tpu.memory_space<vmem>>)
      %dma_start3A_426 = arith.constant 0 : i32
      %dma_start3A_427 = arith.constant 0 : i32
      %dma_start3A_428 = arith.constant 0 : i32
      %dma_start3A_429 = tpu.memref_slice %arg16[%dma_start3A_427, %dma_start3A_428] : memref<256x72xf32, #tpu.memory_space<vmem>> -> memref<128x72xf32, #tpu.memory_space<vmem>>
      %dma_start3A_430 = arith.constant 0 : i32
      %dma_start3A_431 = tpu.memref_slice %arg10[%dma_start3A_426, %dma_start3A_430] : memref<2x128xi32, #tpu.memory_space<vmem>> -> memref<1x128xi32, #tpu.memory_space<vmem>>
      %dma_start3A_432 = tpu.memref_squeeze %dma_start3A_431 : memref<1x128xi32, #tpu.memory_space<vmem>> -> memref<128xi32, #tpu.memory_space<vmem>>
      %dma_start3A_433 = arith.constant 0 : i32
      %dma_start3A_434 = arith.constant 0 : i32
      %dma_start3A_435 = tpu.memref_slice %arg18[%dma_start3A_433, %dma_start3A_434] : memref<10016x72xf32, #tpu.memory_space<vmem_shared>> -> memref<10016x72xf32, #tpu.memory_space<vmem_shared>>
      tpu.enqueue_indirect_dma source(%dma_start3A_435 : memref<10016x72xf32, #tpu.memory_space<vmem_shared>>) target(%dma_start3A_429 : memref<128x72xf32, #tpu.memory_space<vmem>>) offsets(%dma_start3A_432 : memref<128xi32, #tpu.memory_space<vmem>>) semaphore(%arg25 : memref<!tpu.dma_semaphore, #tpu.memory_space<semaphore_mem>>)
      %dma_start3A_436 = arith.constant 1 : i32
      %dma_start3A_437 = arith.constant 128 : i32
      %dma_start3A_438 = arith.constant 0 : i32
      %dma_start3A_439 = tpu.memref_slice %arg16[%dma_start3A_437, %dma_start3A_438] : memref<256x72xf32, #tpu.memory_space<vmem>> -> memref<128x72xf32, #tpu.memory_space<vmem>>
      %dma_start3A_440 = arith.constant 0 : i32
      %dma_start3A_441 = tpu.memref_slice %arg10[%dma_start3A_436, %dma_start3A_440] : memref<2x128xi32, #tpu.memory_space<vmem>> -> memref<1x128xi32, #tpu.memory_space<vmem>>
      %dma_start3A_442 = tpu.memref_squeeze %dma_start3A_441 : memref<1x128xi32, #tpu.memory_space<vmem>> -> memref<128xi32, #tpu.memory_space<vmem>>
      %dma_start3A_443 = arith.constant 0 : i32
      %dma_start3A_444 = arith.constant 0 : i32
      %dma_start3A_445 = tpu.memref_slice %arg18[%dma_start3A_443, %dma_start3A_444] : memref<10016x72xf32, #tpu.memory_space<vmem_shared>> -> memref<10016x72xf32, #tpu.memory_space<vmem_shared>>
      tpu.enqueue_indirect_dma source(%dma_start3A_445 : memref<10016x72xf32, #tpu.memory_space<vmem_shared>>) target(%dma_start3A_439 : memref<128x72xf32, #tpu.memory_space<vmem>>) offsets(%dma_start3A_442 : memref<128xi32, #tpu.memory_space<vmem>>) semaphore(%arg25 : memref<!tpu.dma_semaphore, #tpu.memory_space<semaphore_mem>>)
      %add3A_446 = arith.constant 2 : i32
      %add3A_447 = arith.addi %add3A_389, %add3A_446 : i32
      %mul3A_448 = arith.constant 2 : i32
      %mul3A_449 = arith.muli %add3A_447, %mul3A_448 : i32
      %add3A_450 = arith.addi %mul3A_18, %mul3A_449 : i32
      %lt3A_451 = arith.constant 19 : i32
      %lt3A_452 = arith.cmpi slt, %scan3A_91, %lt3A_451 : i32
      %convert_element_type3A_453 = arith.extui %lt3A_452 : i1 to i32
      %cond3A_454 = arith.constant 0 : i32
      %cond3A_455 = arith.cmpi ne, %convert_element_type3A_453, %cond3A_454 : i32
      scf.if %cond3A_455 {
        %dma_start3A_496 = arith.constant 0 : i32
        %dma_start3A_497 = tpu.memref_slice %arg3[%add3A_450, %dma_start3A_496] : memref<5120x128xi32, #tpu.memory_space<hbm>> -> memref<2x128xi32, #tpu.memory_space<hbm>>
        %dma_start3A_498 = arith.constant 0 : i32
        %dma_start3A_499 = tpu.memref_slice %arg3[%add3A_450, %dma_start3A_498] : memref<5120x128xi32, #tpu.memory_space<hbm>> -> memref<2x128xi32, #tpu.memory_space<hbm>>
        tpu.enqueue_dma source(%dma_start3A_499 : memref<2x128xi32, #tpu.memory_space<hbm>>) target(%arg8 : memref<2x128xi32, #tpu.memory_space<vmem>>) target_semaphore(%arg20 : memref<!tpu.dma_semaphore, #tpu.memory_space<semaphore_mem>>)
        %dma_start3A_500 = arith.constant 0 : i32
        %dma_start3A_501 = tpu.memref_slice %arg4[%add3A_450, %dma_start3A_500] : memref<5120x128xi32, #tpu.memory_space<hbm>> -> memref<2x128xi32, #tpu.memory_space<hbm>>
        %dma_start3A_502 = arith.constant 0 : i32
        %dma_start3A_503 = tpu.memref_slice %arg4[%add3A_450, %dma_start3A_502] : memref<5120x128xi32, #tpu.memory_space<hbm>> -> memref<2x128xi32, #tpu.memory_space<hbm>>
        tpu.enqueue_dma source(%dma_start3A_503 : memref<2x128xi32, #tpu.memory_space<hbm>>) target(%arg12 : memref<2x128xi32, #tpu.memory_space<vmem>>) target_semaphore(%arg20 : memref<!tpu.dma_semaphore, #tpu.memory_space<semaphore_mem>>)
      } else {
      }
      %dma_wait3A_456 = arith.constant 0 : i32
      %dma_wait3A_457 = arith.constant 0 : i32
      %dma_wait3A_458 = arith.constant 0 : i32
      %dma_wait3A_459 = tpu.memref_slice %arg16[%dma_wait3A_457, %dma_wait3A_458] : memref<256x72xf32, #tpu.memory_space<vmem>> -> memref<128x72xf32, #tpu.memory_space<vmem>>
      %dma_wait3A_460 = arith.constant 0 : i32
      %dma_wait3A_461 = tpu.memref_slice %arg10[%dma_wait3A_456, %dma_wait3A_460] : memref<2x128xi32, #tpu.memory_space<vmem>> -> memref<1x128xi32, #tpu.memory_space<vmem>>
      %dma_wait3A_462 = tpu.memref_squeeze %dma_wait3A_461 : memref<1x128xi32, #tpu.memory_space<vmem>> -> memref<128xi32, #tpu.memory_space<vmem>>
      %dma_wait3A_463 = arith.constant 0 : i32
      %dma_wait3A_464 = arith.constant 0 : i32
      %dma_wait3A_465 = tpu.memref_slice %arg18[%dma_wait3A_463, %dma_wait3A_464] : memref<10016x72xf32, #tpu.memory_space<vmem_shared>> -> memref<10016x72xf32, #tpu.memory_space<vmem_shared>>
      tpu.wait_indirect_dma semaphore(%arg25 : memref<!tpu.dma_semaphore, #tpu.memory_space<semaphore_mem>>) src(%dma_wait3A_465 : memref<10016x72xf32, #tpu.memory_space<vmem_shared>>) dst(%dma_wait3A_459 : memref<128x72xf32, #tpu.memory_space<vmem>>)
      %dma_wait3A_466 = arith.constant 1 : i32
      %dma_wait3A_467 = arith.constant 128 : i32
      %dma_wait3A_468 = arith.constant 0 : i32
      %dma_wait3A_469 = tpu.memref_slice %arg16[%dma_wait3A_467, %dma_wait3A_468] : memref<256x72xf32, #tpu.memory_space<vmem>> -> memref<128x72xf32, #tpu.memory_space<vmem>>
      %dma_wait3A_470 = arith.constant 0 : i32
      %dma_wait3A_471 = tpu.memref_slice %arg10[%dma_wait3A_466, %dma_wait3A_470] : memref<2x128xi32, #tpu.memory_space<vmem>> -> memref<1x128xi32, #tpu.memory_space<vmem>>
      %dma_wait3A_472 = tpu.memref_squeeze %dma_wait3A_471 : memref<1x128xi32, #tpu.memory_space<vmem>> -> memref<128xi32, #tpu.memory_space<vmem>>
      %dma_wait3A_473 = arith.constant 0 : i32
      %dma_wait3A_474 = arith.constant 0 : i32
      %dma_wait3A_475 = tpu.memref_slice %arg18[%dma_wait3A_473, %dma_wait3A_474] : memref<10016x72xf32, #tpu.memory_space<vmem_shared>> -> memref<10016x72xf32, #tpu.memory_space<vmem_shared>>
      tpu.wait_indirect_dma semaphore(%arg25 : memref<!tpu.dma_semaphore, #tpu.memory_space<semaphore_mem>>) src(%dma_wait3A_475 : memref<10016x72xf32, #tpu.memory_space<vmem_shared>>) dst(%dma_wait3A_469 : memref<128x72xf32, #tpu.memory_space<vmem>>)
      %dma_start3A_476 = arith.constant 0 : i32
      %dma_start3A_477 = arith.constant 0 : i32
      %dma_start3A_478 = arith.constant 0 : i32
      %dma_start3A_479 = tpu.memref_slice %arg16[%dma_start3A_477, %dma_start3A_478] : memref<256x72xf32, #tpu.memory_space<vmem>> -> memref<128x72xf32, #tpu.memory_space<vmem>>
      %dma_start3A_480 = arith.constant 0 : i32
      %dma_start3A_481 = tpu.memref_slice %arg14[%dma_start3A_476, %dma_start3A_480] : memref<2x128xi32, #tpu.memory_space<vmem>> -> memref<1x128xi32, #tpu.memory_space<vmem>>
      %dma_start3A_482 = tpu.memref_squeeze %dma_start3A_481 : memref<1x128xi32, #tpu.memory_space<vmem>> -> memref<128xi32, #tpu.memory_space<vmem>>
      %dma_start3A_483 = arith.constant 0 : i32
      %dma_start3A_484 = arith.constant 0 : i32
      %dma_start3A_485 = tpu.memref_slice %arg17[%dma_start3A_483, %dma_start3A_484] : memref<10016x72xf32, #tpu.memory_space<vmem_shared>> -> memref<10016x72xf32, #tpu.memory_space<vmem_shared>>
      tpu.enqueue_indirect_dma source(%dma_start3A_479 : memref<128x72xf32, #tpu.memory_space<vmem>>) target(%dma_start3A_485 : memref<10016x72xf32, #tpu.memory_space<vmem_shared>>) offsets(%dma_start3A_482 : memref<128xi32, #tpu.memory_space<vmem>>) semaphore(%arg24 : memref<!tpu.dma_semaphore, #tpu.memory_space<semaphore_mem>>) {add = true}
      %dma_start3A_486 = arith.constant 1 : i32
      %dma_start3A_487 = arith.constant 128 : i32
      %dma_start3A_488 = arith.constant 0 : i32
      %dma_start3A_489 = tpu.memref_slice %arg16[%dma_start3A_487, %dma_start3A_488] : memref<256x72xf32, #tpu.memory_space<vmem>> -> memref<128x72xf32, #tpu.memory_space<vmem>>
      %dma_start3A_490 = arith.constant 0 : i32
      %dma_start3A_491 = tpu.memref_slice %arg14[%dma_start3A_486, %dma_start3A_490] : memref<2x128xi32, #tpu.memory_space<vmem>> -> memref<1x128xi32, #tpu.memory_space<vmem>>
      %dma_start3A_492 = tpu.memref_squeeze %dma_start3A_491 : memref<1x128xi32, #tpu.memory_space<vmem>> -> memref<128xi32, #tpu.memory_space<vmem>>
      %dma_start3A_493 = arith.constant 0 : i32
      %dma_start3A_494 = arith.constant 0 : i32
      %dma_start3A_495 = tpu.memref_slice %arg17[%dma_start3A_493, %dma_start3A_494] : memref<10016x72xf32, #tpu.memory_space<vmem_shared>> -> memref<10016x72xf32, #tpu.memory_space<vmem_shared>>
      tpu.enqueue_indirect_dma source(%dma_start3A_489 : memref<128x72xf32, #tpu.memory_space<vmem>>) target(%dma_start3A_495 : memref<10016x72xf32, #tpu.memory_space<vmem_shared>>) offsets(%dma_start3A_492 : memref<128xi32, #tpu.memory_space<vmem>>) semaphore(%arg24 : memref<!tpu.dma_semaphore, #tpu.memory_space<semaphore_mem>>) {add = true}
    }
    %scan3A_41 = arith.constant 20 : i32
    %dma_wait3A_42 = arith.constant 0 : i32
    %dma_wait3A_43 = arith.constant 0 : i32
    %dma_wait3A_44 = tpu.memref_slice %arg15[%dma_wait3A_42, %dma_wait3A_43] : memref<256x72xf32, #tpu.memory_space<vmem>> -> memref<128x72xf32, #tpu.memory_space<vmem>>
    %dma_wait3A_45 = arith.constant 0 : i32
    %dma_wait3A_46 = arith.constant 0 : i32
    %dma_wait3A_47 = tpu.memref_slice %arg17[%dma_wait3A_45, %dma_wait3A_46] : memref<10016x72xf32, #tpu.memory_space<vmem_shared>> -> memref<128x72xf32, #tpu.memory_space<vmem_shared>>
    %dma_wait3A_48 = arith.constant 0 : i32
    %dma_wait3A_49 = arith.constant 0 : i32
    %dma_wait3A_50 = tpu.memref_slice %arg17[%dma_wait3A_48, %dma_wait3A_49] : memref<10016x72xf32, #tpu.memory_space<vmem_shared>> -> memref<128x72xf32, #tpu.memory_space<vmem_shared>>
    %dma_wait3A_51 = arith.constant 0 : i32
    %dma_wait3A_52 = arith.constant 0 : i32
    %dma_wait3A_53 = tpu.memref_slice %arg15[%dma_wait3A_51, %dma_wait3A_52] : memref<256x72xf32, #tpu.memory_space<vmem>> -> memref<128x72xf32, #tpu.memory_space<vmem>>
    tpu.wait_dma2 semaphore(%arg23 : memref<!tpu.dma_semaphore, #tpu.memory_space<semaphore_mem>>) src(%dma_wait3A_53 : memref<128x72xf32, #tpu.memory_space<vmem>>) dst(%dma_wait3A_50 : memref<128x72xf32, #tpu.memory_space<vmem_shared>>)
    %dma_wait3A_54 = arith.constant 128 : i32
    %dma_wait3A_55 = arith.constant 0 : i32
    %dma_wait3A_56 = tpu.memref_slice %arg15[%dma_wait3A_54, %dma_wait3A_55] : memref<256x72xf32, #tpu.memory_space<vmem>> -> memref<128x72xf32, #tpu.memory_space<vmem>>
    %dma_wait3A_57 = arith.constant 0 : i32
    %dma_wait3A_58 = arith.constant 0 : i32
    %dma_wait3A_59 = tpu.memref_slice %arg17[%dma_wait3A_57, %dma_wait3A_58] : memref<10016x72xf32, #tpu.memory_space<vmem_shared>> -> memref<128x72xf32, #tpu.memory_space<vmem_shared>>
    %dma_wait3A_60 = arith.constant 0 : i32
    %dma_wait3A_61 = arith.constant 0 : i32
    %dma_wait3A_62 = tpu.memref_slice %arg17[%dma_wait3A_60, %dma_wait3A_61] : memref<10016x72xf32, #tpu.memory_space<vmem_shared>> -> memref<128x72xf32, #tpu.memory_space<vmem_shared>>
    %dma_wait3A_63 = arith.constant 128 : i32
    %dma_wait3A_64 = arith.constant 0 : i32
    %dma_wait3A_65 = tpu.memref_slice %arg15[%dma_wait3A_63, %dma_wait3A_64] : memref<256x72xf32, #tpu.memory_space<vmem>> -> memref<128x72xf32, #tpu.memory_space<vmem>>
    tpu.wait_dma2 semaphore(%arg23 : memref<!tpu.dma_semaphore, #tpu.memory_space<semaphore_mem>>) src(%dma_wait3A_65 : memref<128x72xf32, #tpu.memory_space<vmem>>) dst(%dma_wait3A_62 : memref<128x72xf32, #tpu.memory_space<vmem_shared>>)
    %dma_wait3A_66 = arith.constant 0 : i32
    %dma_wait3A_67 = arith.constant 0 : i32
    %dma_wait3A_68 = tpu.memref_slice %arg16[%dma_wait3A_66, %dma_wait3A_67] : memref<256x72xf32, #tpu.memory_space<vmem>> -> memref<128x72xf32, #tpu.memory_space<vmem>>
    %dma_wait3A_69 = arith.constant 0 : i32
    %dma_wait3A_70 = arith.constant 0 : i32
    %dma_wait3A_71 = tpu.memref_slice %arg17[%dma_wait3A_69, %dma_wait3A_70] : memref<10016x72xf32, #tpu.memory_space<vmem_shared>> -> memref<128x72xf32, #tpu.memory_space<vmem_shared>>
    %dma_wait3A_72 = arith.constant 0 : i32
    %dma_wait3A_73 = arith.constant 0 : i32
    %dma_wait3A_74 = tpu.memref_slice %arg17[%dma_wait3A_72, %dma_wait3A_73] : memref<10016x72xf32, #tpu.memory_space<vmem_shared>> -> memref<128x72xf32, #tpu.memory_space<vmem_shared>>
    %dma_wait3A_75 = arith.constant 0 : i32
    %dma_wait3A_76 = arith.constant 0 : i32
    %dma_wait3A_77 = tpu.memref_slice %arg16[%dma_wait3A_75, %dma_wait3A_76] : memref<256x72xf32, #tpu.memory_space<vmem>> -> memref<128x72xf32, #tpu.memory_space<vmem>>
    tpu.wait_dma2 semaphore(%arg24 : memref<!tpu.dma_semaphore, #tpu.memory_space<semaphore_mem>>) src(%dma_wait3A_77 : memref<128x72xf32, #tpu.memory_space<vmem>>) dst(%dma_wait3A_74 : memref<128x72xf32, #tpu.memory_space<vmem_shared>>)
    %dma_wait3A_78 = arith.constant 128 : i32
    %dma_wait3A_79 = arith.constant 0 : i32
    %dma_wait3A_80 = tpu.memref_slice %arg16[%dma_wait3A_78, %dma_wait3A_79] : memref<256x72xf32, #tpu.memory_space<vmem>> -> memref<128x72xf32, #tpu.memory_space<vmem>>
    %dma_wait3A_81 = arith.constant 0 : i32
    %dma_wait3A_82 = arith.constant 0 : i32
    %dma_wait3A_83 = tpu.memref_slice %arg17[%dma_wait3A_81, %dma_wait3A_82] : memref<10016x72xf32, #tpu.memory_space<vmem_shared>> -> memref<128x72xf32, #tpu.memory_space<vmem_shared>>
    %dma_wait3A_84 = arith.constant 0 : i32
    %dma_wait3A_85 = arith.constant 0 : i32
    %dma_wait3A_86 = tpu.memref_slice %arg17[%dma_wait3A_84, %dma_wait3A_85] : memref<10016x72xf32, #tpu.memory_space<vmem_shared>> -> memref<128x72xf32, #tpu.memory_space<vmem_shared>>
    %dma_wait3A_87 = arith.constant 128 : i32
    %dma_wait3A_88 = arith.constant 0 : i32
    %dma_wait3A_89 = tpu.memref_slice %arg16[%dma_wait3A_87, %dma_wait3A_88] : memref<256x72xf32, #tpu.memory_space<vmem>> -> memref<128x72xf32, #tpu.memory_space<vmem>>
    tpu.wait_dma2 semaphore(%arg24 : memref<!tpu.dma_semaphore, #tpu.memory_space<semaphore_mem>>) src(%dma_wait3A_89 : memref<128x72xf32, #tpu.memory_space<vmem>>) dst(%dma_wait3A_86 : memref<128x72xf32, #tpu.memory_space<vmem_shared>>)
    %barrier3A_90 = arith.constant 0 : index
    tpu.barrier barrier_id(%barrier3A_90)
    "tpu.region"() ({
      %run_scoped3A = tpu.sem_alloc : memref<!tpu.dma_semaphore, #tpu.memory_space<semaphore_mem>>
      %dma_start3A_91 = arith.constant 0 : i32
      %dma_start3A_92 = arith.constant 0 : i32
      %dma_start3A_93 = tpu.memref_slice %arg6[%arg0, %dma_start3A_91, %dma_start3A_92] : memref<2x10016x72xf32, #tpu.memory_space<hbm>> -> memref<1x10016x72xf32, #tpu.memory_space<hbm>>
      %dma_start3A_94 = tpu.memref_squeeze %dma_start3A_93 : memref<1x10016x72xf32, #tpu.memory_space<hbm>> -> memref<10016x72xf32, #tpu.memory_space<hbm>>
      %dma_start3A_95 = arith.constant 0 : i32
      %dma_start3A_96 = tpu.memref_slice %dma_start3A_94[%mul3A_0, %dma_start3A_95] : memref<10016x72xf32, #tpu.memory_space<hbm>> -> memref<626x72xf32, #tpu.memory_space<hbm>>
      %dma_start3A_97 = arith.constant 0 : i32
      %dma_start3A_98 = tpu.memref_slice %arg17[%mul3A_0, %dma_start3A_97] : memref<10016x72xf32, #tpu.memory_space<vmem_shared>> -> memref<626x72xf32, #tpu.memory_space<vmem_shared>>
      tpu.enqueue_dma source(%dma_start3A_98 : memref<626x72xf32, #tpu.memory_space<vmem_shared>>) target(%dma_start3A_96 : memref<626x72xf32, #tpu.memory_space<hbm>>) target_semaphore(%run_scoped3A : memref<!tpu.dma_semaphore, #tpu.memory_space<semaphore_mem>>)
      %dma_wait3A_99 = arith.constant 0 : i32
      %dma_wait3A_100 = arith.constant 0 : i32
      %dma_wait3A_101 = tpu.memref_slice %arg6[%arg0, %dma_wait3A_99, %dma_wait3A_100] : memref<2x10016x72xf32, #tpu.memory_space<hbm>> -> memref<1x10016x72xf32, #tpu.memory_space<hbm>>
      %dma_wait3A_102 = tpu.memref_squeeze %dma_wait3A_101 : memref<1x10016x72xf32, #tpu.memory_space<hbm>> -> memref<10016x72xf32, #tpu.memory_space<hbm>>
      %dma_wait3A_103 = arith.constant 0 : i32
      %dma_wait3A_104 = tpu.memref_slice %dma_wait3A_102[%mul3A_0, %dma_wait3A_103] : memref<10016x72xf32, #tpu.memory_space<hbm>> -> memref<626x72xf32, #tpu.memory_space<hbm>>
      %dma_wait3A_105 = arith.constant 0 : i32
      %dma_wait3A_106 = tpu.memref_slice %arg17[%mul3A_0, %dma_wait3A_105] : memref<10016x72xf32, #tpu.memory_space<vmem_shared>> -> memref<626x72xf32, #tpu.memory_space<vmem_shared>>
      tpu.wait_dma2 semaphore(%run_scoped3A : memref<!tpu.dma_semaphore, #tpu.memory_space<semaphore_mem>>) src(%dma_wait3A_106 : memref<626x72xf32, #tpu.memory_space<vmem_shared>>) dst(%dma_wait3A_104 : memref<626x72xf32, #tpu.memory_space<hbm>>)
      tpu.yield
    }) : () -> ()
    return
  }
}

#map = affine_map<(d0, d1) -> (0, 0)>
#map1 = affine_map<(d0, d1) -> (0, 0, 0)>
module attributes {stable_mosaic.version = 14 : i64} {
  func.func @body(%arg0: i32, %arg1: i32, %arg2: memref<10016x64xf32, #tpu.memory_space<hbm>>, %arg3: memref<5120x128xi32, #tpu.memory_space<hbm>>, %arg4: memref<5120x128xi32, #tpu.memory_space<hbm>>, %arg5: memref<10016x64xf32, #tpu.memory_space<hbm>>, %arg6: memref<2x10016x64xf32, #tpu.memory_space<hbm>>, %arg7: memref<2x128xi32, #tpu.memory_space<vmem>>, %arg8: memref<2x128xi32, #tpu.memory_space<vmem>>, %arg9: memref<2x128xi32, #tpu.memory_space<vmem>>, %arg10: memref<2x128xi32, #tpu.memory_space<vmem>>, %arg11: memref<2x128xi32, #tpu.memory_space<vmem>>, %arg12: memref<2x128xi32, #tpu.memory_space<vmem>>, %arg13: memref<2x128xi32, #tpu.memory_space<vmem>>, %arg14: memref<2x128xi32, #tpu.memory_space<vmem>>, %arg15: memref<256x64xf32, #tpu.memory_space<vmem>>, %arg16: memref<256x64xf32, #tpu.memory_space<vmem>>, %arg17: memref<10016x64xf32, #tpu.memory_space<vmem_shared>>, %arg18: memref<10016x64xf32, #tpu.memory_space<vmem_shared>>, %arg19: memref<!tpu.dma_semaphore, #tpu.memory_space<semaphore_mem>>, %arg20: memref<!tpu.dma_semaphore, #tpu.memory_space<semaphore_mem>>, %arg21: memref<!tpu.dma_semaphore, #tpu.memory_space<semaphore_mem>>, %arg22: memref<!tpu.dma_semaphore, #tpu.memory_space<semaphore_mem>>, %arg23: memref<!tpu.dma_semaphore, #tpu.memory_space<semaphore_mem>>, %arg24: memref<!tpu.dma_semaphore, #tpu.memory_space<semaphore_mem>>, %arg25: memref<!tpu.dma_semaphore, #tpu.memory_space<semaphore_mem>>) attributes {dimension_semantics = [#tpu.dimension_semantics<core_parallel>, #tpu.dimension_semantics<subcore_parallel>], iteration_bounds = array<i64: 2, 16>, scalar_prefetch = 0 : i64, scratch_operands = 19 : i64, tpu.core_type = #tpu.core_type<sc_vector_subcore>, window_params = [{transform_indices = #map}, {transform_indices = #map}, {transform_indices = #map}, {transform_indices = #map}, {transform_indices = #map1}]} {
    %mul3A = arith.constant 626 : i32
    %mul3A_0 = arith.muli %arg1, %mul3A : i32
    %dma_start3A = arith.constant 0 : i32
    %dma_start3A_1 = tpu.memref_slice %arg18[%mul3A_0, %dma_start3A] : memref<10016x64xf32, #tpu.memory_space<vmem_shared>> -> memref<626x64xf32, #tpu.memory_space<vmem_shared>>
    %dma_start3A_2 = arith.constant 0 : i32
    %dma_start3A_3 = tpu.memref_slice %arg2[%mul3A_0, %dma_start3A_2] : memref<10016x64xf32, #tpu.memory_space<hbm>> -> memref<626x64xf32, #tpu.memory_space<hbm>>
    tpu.enqueue_dma source(%dma_start3A_3 : memref<626x64xf32, #tpu.memory_space<hbm>>) target(%dma_start3A_1 : memref<626x64xf32, #tpu.memory_space<vmem_shared>>) target_semaphore(%arg25 : memref<!tpu.dma_semaphore, #tpu.memory_space<semaphore_mem>>)
    %dma_start3A_4 = arith.constant 0 : i32
    %dma_start3A_5 = tpu.memref_slice %arg17[%mul3A_0, %dma_start3A_4] : memref<10016x64xf32, #tpu.memory_space<vmem_shared>> -> memref<626x64xf32, #tpu.memory_space<vmem_shared>>
    %dma_start3A_6 = arith.constant 0 : i32
    %dma_start3A_7 = tpu.memref_slice %arg5[%mul3A_0, %dma_start3A_6] : memref<10016x64xf32, #tpu.memory_space<hbm>> -> memref<626x64xf32, #tpu.memory_space<hbm>>
    tpu.enqueue_dma source(%dma_start3A_7 : memref<626x64xf32, #tpu.memory_space<hbm>>) target(%dma_start3A_5 : memref<626x64xf32, #tpu.memory_space<vmem_shared>>) target_semaphore(%arg25 : memref<!tpu.dma_semaphore, #tpu.memory_space<semaphore_mem>>)
    %dma_wait3A = arith.constant 0 : i32
    %dma_wait3A_8 = tpu.memref_slice %arg18[%mul3A_0, %dma_wait3A] : memref<10016x64xf32, #tpu.memory_space<vmem_shared>> -> memref<626x64xf32, #tpu.memory_space<vmem_shared>>
    %dma_wait3A_9 = arith.constant 0 : i32
    %dma_wait3A_10 = tpu.memref_slice %arg2[%mul3A_0, %dma_wait3A_9] : memref<10016x64xf32, #tpu.memory_space<hbm>> -> memref<626x64xf32, #tpu.memory_space<hbm>>
    tpu.wait_dma2 semaphore(%arg25 : memref<!tpu.dma_semaphore, #tpu.memory_space<semaphore_mem>>) src(%dma_wait3A_10 : memref<626x64xf32, #tpu.memory_space<hbm>>) dst(%dma_wait3A_8 : memref<626x64xf32, #tpu.memory_space<vmem_shared>>)
    %dma_wait3A_11 = arith.constant 0 : i32
    %dma_wait3A_12 = tpu.memref_slice %arg17[%mul3A_0, %dma_wait3A_11] : memref<10016x64xf32, #tpu.memory_space<vmem_shared>> -> memref<626x64xf32, #tpu.memory_space<vmem_shared>>
    %dma_wait3A_13 = arith.constant 0 : i32
    %dma_wait3A_14 = tpu.memref_slice %arg5[%mul3A_0, %dma_wait3A_13] : memref<10016x64xf32, #tpu.memory_space<hbm>> -> memref<626x64xf32, #tpu.memory_space<hbm>>
    tpu.wait_dma2 semaphore(%arg25 : memref<!tpu.dma_semaphore, #tpu.memory_space<semaphore_mem>>) src(%dma_wait3A_14 : memref<626x64xf32, #tpu.memory_space<hbm>>) dst(%dma_wait3A_12 : memref<626x64xf32, #tpu.memory_space<vmem_shared>>)
    %barrier3A = arith.constant 0 : index
    tpu.barrier barrier_id(%barrier3A)
    %mul3A_15 = arith.constant 16 : i32
    %mul3A_16 = arith.muli %arg0, %mul3A_15 : i32
    %add3A = arith.addi %mul3A_16, %arg1 : i32
    %mul3A_17 = arith.constant 160 : i32
    %mul3A_18 = arith.muli %add3A, %mul3A_17 : i32
    %dma_start3A_19 = arith.constant 0 : i32
    %dma_start3A_20 = tpu.memref_slice %arg3[%mul3A_18, %dma_start3A_19] : memref<5120x128xi32, #tpu.memory_space<hbm>> -> memref<2x128xi32, #tpu.memory_space<hbm>>
    %dma_start3A_21 = arith.constant 0 : i32
    %dma_start3A_22 = tpu.memref_slice %arg3[%mul3A_18, %dma_start3A_21] : memref<5120x128xi32, #tpu.memory_space<hbm>> -> memref<2x128xi32, #tpu.memory_space<hbm>>
    tpu.enqueue_dma source(%dma_start3A_22 : memref<2x128xi32, #tpu.memory_space<hbm>>) target(%arg7 : memref<2x128xi32, #tpu.memory_space<vmem>>) target_semaphore(%arg19 : memref<!tpu.dma_semaphore, #tpu.memory_space<semaphore_mem>>)
    %dma_start3A_23 = arith.constant 0 : i32
    %dma_start3A_24 = tpu.memref_slice %arg4[%mul3A_18, %dma_start3A_23] : memref<5120x128xi32, #tpu.memory_space<hbm>> -> memref<2x128xi32, #tpu.memory_space<hbm>>
    %dma_start3A_25 = arith.constant 0 : i32
    %dma_start3A_26 = tpu.memref_slice %arg4[%mul3A_18, %dma_start3A_25] : memref<5120x128xi32, #tpu.memory_space<hbm>> -> memref<2x128xi32, #tpu.memory_space<hbm>>
    tpu.enqueue_dma source(%dma_start3A_26 : memref<2x128xi32, #tpu.memory_space<hbm>>) target(%arg11 : memref<2x128xi32, #tpu.memory_space<vmem>>) target_semaphore(%arg19 : memref<!tpu.dma_semaphore, #tpu.memory_space<semaphore_mem>>)
    %add3A_27 = arith.constant 2 : i32
    %add3A_28 = arith.addi %mul3A_18, %add3A_27 : i32
    %dma_start3A_29 = arith.constant 0 : i32
    %dma_start3A_30 = tpu.memref_slice %arg3[%add3A_28, %dma_start3A_29] : memref<5120x128xi32, #tpu.memory_space<hbm>> -> memref<2x128xi32, #tpu.memory_space<hbm>>
    %dma_start3A_31 = arith.constant 0 : i32
    %dma_start3A_32 = tpu.memref_slice %arg3[%add3A_28, %dma_start3A_31] : memref<5120x128xi32, #tpu.memory_space<hbm>> -> memref<2x128xi32, #tpu.memory_space<hbm>>
    tpu.enqueue_dma source(%dma_start3A_32 : memref<2x128xi32, #tpu.memory_space<hbm>>) target(%arg8 : memref<2x128xi32, #tpu.memory_space<vmem>>) target_semaphore(%arg20 : memref<!tpu.dma_semaphore, #tpu.memory_space<semaphore_mem>>)
    %dma_start3A_33 = arith.constant 0 : i32
    %dma_start3A_34 = tpu.memref_slice %arg4[%add3A_28, %dma_start3A_33] : memref<5120x128xi32, #tpu.memory_space<hbm>> -> memref<2x128xi32, #tpu.memory_space<hbm>>
    %dma_start3A_35 = arith.constant 0 : i32
    %dma_start3A_36 = tpu.memref_slice %arg4[%add3A_28, %dma_start3A_35] : memref<5120x128xi32, #tpu.memory_space<hbm>> -> memref<2x128xi32, #tpu.memory_space<hbm>>
    tpu.enqueue_dma source(%dma_start3A_36 : memref<2x128xi32, #tpu.memory_space<hbm>>) target(%arg12 : memref<2x128xi32, #tpu.memory_space<vmem>>) target_semaphore(%arg20 : memref<!tpu.dma_semaphore, #tpu.memory_space<semaphore_mem>>)
    %scan3A = arith.constant 0 : i32
    %scan3A_37 = arith.constant 0 : i32
    %scan3A_38 = arith.constant 20 : i32
    %scan3A_39 = arith.addi %scan3A_37, %scan3A_38 : i32
    %scan3A_40 = arith.constant 1 : i32
    scf.for %scan3A_91 = %scan3A_37 to %scan3A_39 step %scan3A_40  : i32 {
      %mul3A_92 = arith.constant 4 : i32
      %mul3A_93 = arith.muli %scan3A_91, %mul3A_92 : i32
      %add3A_94 = arith.constant 0 : i32
      %add3A_95 = arith.addi %mul3A_93, %add3A_94 : i32
      %gt3A = arith.constant 0 : i32
      %gt3A_96 = arith.cmpi sgt, %scan3A_91, %gt3A : i32
      %convert_element_type3A = arith.extui %gt3A_96 : i1 to i32
      %cond3A = arith.constant 0 : i32
      %cond3A_97 = arith.cmpi ne, %convert_element_type3A, %cond3A : i32
      scf.if %cond3A_97 {
        %dma_wait3A_496 = arith.constant 0 : i32
        %dma_wait3A_497 = arith.constant 0 : i32
        %dma_wait3A_498 = tpu.memref_slice %arg15[%dma_wait3A_496, %dma_wait3A_497] : memref<256x64xf32, #tpu.memory_space<vmem>> -> memref<128x64xf32, #tpu.memory_space<vmem>>
        %dma_wait3A_499 = arith.constant 0 : i32
        %dma_wait3A_500 = arith.constant 0 : i32
        %dma_wait3A_501 = tpu.memref_slice %arg17[%dma_wait3A_499, %dma_wait3A_500] : memref<10016x64xf32, #tpu.memory_space<vmem_shared>> -> memref<128x64xf32, #tpu.memory_space<vmem_shared>>
        %dma_wait3A_502 = arith.constant 0 : i32
        %dma_wait3A_503 = arith.constant 0 : i32
        %dma_wait3A_504 = tpu.memref_slice %arg17[%dma_wait3A_502, %dma_wait3A_503] : memref<10016x64xf32, #tpu.memory_space<vmem_shared>> -> memref<128x64xf32, #tpu.memory_space<vmem_shared>>
        %dma_wait3A_505 = arith.constant 0 : i32
        %dma_wait3A_506 = arith.constant 0 : i32
        %dma_wait3A_507 = tpu.memref_slice %arg15[%dma_wait3A_505, %dma_wait3A_506] : memref<256x64xf32, #tpu.memory_space<vmem>> -> memref<128x64xf32, #tpu.memory_space<vmem>>
        tpu.wait_dma2 semaphore(%arg23 : memref<!tpu.dma_semaphore, #tpu.memory_space<semaphore_mem>>) src(%dma_wait3A_507 : memref<128x64xf32, #tpu.memory_space<vmem>>) dst(%dma_wait3A_504 : memref<128x64xf32, #tpu.memory_space<vmem_shared>>)
        %dma_wait3A_508 = arith.constant 128 : i32
        %dma_wait3A_509 = arith.constant 0 : i32
        %dma_wait3A_510 = tpu.memref_slice %arg15[%dma_wait3A_508, %dma_wait3A_509] : memref<256x64xf32, #tpu.memory_space<vmem>> -> memref<128x64xf32, #tpu.memory_space<vmem>>
        %dma_wait3A_511 = arith.constant 0 : i32
        %dma_wait3A_512 = arith.constant 0 : i32
        %dma_wait3A_513 = tpu.memref_slice %arg17[%dma_wait3A_511, %dma_wait3A_512] : memref<10016x64xf32, #tpu.memory_space<vmem_shared>> -> memref<128x64xf32, #tpu.memory_space<vmem_shared>>
        %dma_wait3A_514 = arith.constant 0 : i32
        %dma_wait3A_515 = arith.constant 0 : i32
        %dma_wait3A_516 = tpu.memref_slice %arg17[%dma_wait3A_514, %dma_wait3A_515] : memref<10016x64xf32, #tpu.memory_space<vmem_shared>> -> memref<128x64xf32, #tpu.memory_space<vmem_shared>>
        %dma_wait3A_517 = arith.constant 128 : i32
        %dma_wait3A_518 = arith.constant 0 : i32
        %dma_wait3A_519 = tpu.memref_slice %arg15[%dma_wait3A_517, %dma_wait3A_518] : memref<256x64xf32, #tpu.memory_space<vmem>> -> memref<128x64xf32, #tpu.memory_space<vmem>>
        tpu.wait_dma2 semaphore(%arg23 : memref<!tpu.dma_semaphore, #tpu.memory_space<semaphore_mem>>) src(%dma_wait3A_519 : memref<128x64xf32, #tpu.memory_space<vmem>>) dst(%dma_wait3A_516 : memref<128x64xf32, #tpu.memory_space<vmem_shared>>)
      } else {
      }
      %dma_wait3A_98 = arith.constant 0 : i32
      %dma_wait3A_99 = arith.constant 0 : i32
      %dma_wait3A_100 = tpu.memref_slice %arg3[%dma_wait3A_98, %dma_wait3A_99] : memref<5120x128xi32, #tpu.memory_space<hbm>> -> memref<2x128xi32, #tpu.memory_space<hbm>>
      %dma_wait3A_101 = arith.constant 0 : i32
      %dma_wait3A_102 = arith.constant 0 : i32
      %dma_wait3A_103 = tpu.memref_slice %arg3[%dma_wait3A_101, %dma_wait3A_102] : memref<5120x128xi32, #tpu.memory_space<hbm>> -> memref<2x128xi32, #tpu.memory_space<hbm>>
      tpu.wait_dma2 semaphore(%arg19 : memref<!tpu.dma_semaphore, #tpu.memory_space<semaphore_mem>>) src(%dma_wait3A_103 : memref<2x128xi32, #tpu.memory_space<hbm>>) dst(%arg7 : memref<2x128xi32, #tpu.memory_space<vmem>>)
      %dma_wait3A_104 = arith.constant 0 : i32
      %dma_wait3A_105 = arith.constant 0 : i32
      %dma_wait3A_106 = tpu.memref_slice %arg4[%dma_wait3A_104, %dma_wait3A_105] : memref<5120x128xi32, #tpu.memory_space<hbm>> -> memref<2x128xi32, #tpu.memory_space<hbm>>
      %dma_wait3A_107 = arith.constant 0 : i32
      %dma_wait3A_108 = arith.constant 0 : i32
      %dma_wait3A_109 = tpu.memref_slice %arg4[%dma_wait3A_107, %dma_wait3A_108] : memref<5120x128xi32, #tpu.memory_space<hbm>> -> memref<2x128xi32, #tpu.memory_space<hbm>>
      tpu.wait_dma2 semaphore(%arg19 : memref<!tpu.dma_semaphore, #tpu.memory_space<semaphore_mem>>) src(%dma_wait3A_109 : memref<2x128xi32, #tpu.memory_space<hbm>>) dst(%arg11 : memref<2x128xi32, #tpu.memory_space<vmem>>)
      %dma_start3A_110 = arith.constant 0 : i32
      %dma_start3A_111 = arith.constant 0 : i32
      %dma_start3A_112 = arith.constant 0 : i32
      %dma_start3A_113 = tpu.memref_slice %arg15[%dma_start3A_111, %dma_start3A_112] : memref<256x64xf32, #tpu.memory_space<vmem>> -> memref<128x64xf32, #tpu.memory_space<vmem>>
      %dma_start3A_114 = arith.constant 0 : i32
      %dma_start3A_115 = tpu.memref_slice %arg7[%dma_start3A_110, %dma_start3A_114] : memref<2x128xi32, #tpu.memory_space<vmem>> -> memref<1x128xi32, #tpu.memory_space<vmem>>
      %dma_start3A_116 = tpu.memref_squeeze %dma_start3A_115 : memref<1x128xi32, #tpu.memory_space<vmem>> -> memref<128xi32, #tpu.memory_space<vmem>>
      %dma_start3A_117 = arith.constant 0 : i32
      %dma_start3A_118 = arith.constant 0 : i32
      %dma_start3A_119 = tpu.memref_slice %arg18[%dma_start3A_117, %dma_start3A_118] : memref<10016x64xf32, #tpu.memory_space<vmem_shared>> -> memref<10016x64xf32, #tpu.memory_space<vmem_shared>>
      tpu.enqueue_indirect_dma source(%dma_start3A_119 : memref<10016x64xf32, #tpu.memory_space<vmem_shared>>) target(%dma_start3A_113 : memref<128x64xf32, #tpu.memory_space<vmem>>) offsets(%dma_start3A_116 : memref<128xi32, #tpu.memory_space<vmem>>) semaphore(%arg25 : memref<!tpu.dma_semaphore, #tpu.memory_space<semaphore_mem>>)
      %dma_start3A_120 = arith.constant 1 : i32
      %dma_start3A_121 = arith.constant 128 : i32
      %dma_start3A_122 = arith.constant 0 : i32
      %dma_start3A_123 = tpu.memref_slice %arg15[%dma_start3A_121, %dma_start3A_122] : memref<256x64xf32, #tpu.memory_space<vmem>> -> memref<128x64xf32, #tpu.memory_space<vmem>>
      %dma_start3A_124 = arith.constant 0 : i32
      %dma_start3A_125 = tpu.memref_slice %arg7[%dma_start3A_120, %dma_start3A_124] : memref<2x128xi32, #tpu.memory_space<vmem>> -> memref<1x128xi32, #tpu.memory_space<vmem>>
      %dma_start3A_126 = tpu.memref_squeeze %dma_start3A_125 : memref<1x128xi32, #tpu.memory_space<vmem>> -> memref<128xi32, #tpu.memory_space<vmem>>
      %dma_start3A_127 = arith.constant 0 : i32
      %dma_start3A_128 = arith.constant 0 : i32
      %dma_start3A_129 = tpu.memref_slice %arg18[%dma_start3A_127, %dma_start3A_128] : memref<10016x64xf32, #tpu.memory_space<vmem_shared>> -> memref<10016x64xf32, #tpu.memory_space<vmem_shared>>
      tpu.enqueue_indirect_dma source(%dma_start3A_129 : memref<10016x64xf32, #tpu.memory_space<vmem_shared>>) target(%dma_start3A_123 : memref<128x64xf32, #tpu.memory_space<vmem>>) offsets(%dma_start3A_126 : memref<128xi32, #tpu.memory_space<vmem>>) semaphore(%arg25 : memref<!tpu.dma_semaphore, #tpu.memory_space<semaphore_mem>>)
      %add3A_130 = arith.constant 2 : i32
      %add3A_131 = arith.addi %add3A_95, %add3A_130 : i32
      %mul3A_132 = arith.constant 2 : i32
      %mul3A_133 = arith.muli %add3A_131, %mul3A_132 : i32
      %add3A_134 = arith.addi %mul3A_18, %mul3A_133 : i32
      %dma_start3A_135 = arith.constant 0 : i32
      %dma_start3A_136 = tpu.memref_slice %arg3[%add3A_134, %dma_start3A_135] : memref<5120x128xi32, #tpu.memory_space<hbm>> -> memref<2x128xi32, #tpu.memory_space<hbm>>
      %dma_start3A_137 = arith.constant 0 : i32
      %dma_start3A_138 = tpu.memref_slice %arg3[%add3A_134, %dma_start3A_137] : memref<5120x128xi32, #tpu.memory_space<hbm>> -> memref<2x128xi32, #tpu.memory_space<hbm>>
      tpu.enqueue_dma source(%dma_start3A_138 : memref<2x128xi32, #tpu.memory_space<hbm>>) target(%arg9 : memref<2x128xi32, #tpu.memory_space<vmem>>) target_semaphore(%arg21 : memref<!tpu.dma_semaphore, #tpu.memory_space<semaphore_mem>>)
      %dma_start3A_139 = arith.constant 0 : i32
      %dma_start3A_140 = tpu.memref_slice %arg4[%add3A_134, %dma_start3A_139] : memref<5120x128xi32, #tpu.memory_space<hbm>> -> memref<2x128xi32, #tpu.memory_space<hbm>>
      %dma_start3A_141 = arith.constant 0 : i32
      %dma_start3A_142 = tpu.memref_slice %arg4[%add3A_134, %dma_start3A_141] : memref<5120x128xi32, #tpu.memory_space<hbm>> -> memref<2x128xi32, #tpu.memory_space<hbm>>
      tpu.enqueue_dma source(%dma_start3A_142 : memref<2x128xi32, #tpu.memory_space<hbm>>) target(%arg13 : memref<2x128xi32, #tpu.memory_space<vmem>>) target_semaphore(%arg21 : memref<!tpu.dma_semaphore, #tpu.memory_space<semaphore_mem>>)
      %dma_wait3A_143 = arith.constant 0 : i32
      %dma_wait3A_144 = arith.constant 0 : i32
      %dma_wait3A_145 = arith.constant 0 : i32
      %dma_wait3A_146 = tpu.memref_slice %arg15[%dma_wait3A_144, %dma_wait3A_145] : memref<256x64xf32, #tpu.memory_space<vmem>> -> memref<128x64xf32, #tpu.memory_space<vmem>>
      %dma_wait3A_147 = arith.constant 0 : i32
      %dma_wait3A_148 = tpu.memref_slice %arg7[%dma_wait3A_143, %dma_wait3A_147] : memref<2x128xi32, #tpu.memory_space<vmem>> -> memref<1x128xi32, #tpu.memory_space<vmem>>
      %dma_wait3A_149 = tpu.memref_squeeze %dma_wait3A_148 : memref<1x128xi32, #tpu.memory_space<vmem>> -> memref<128xi32, #tpu.memory_space<vmem>>
      %dma_wait3A_150 = arith.constant 0 : i32
      %dma_wait3A_151 = arith.constant 0 : i32
      %dma_wait3A_152 = tpu.memref_slice %arg18[%dma_wait3A_150, %dma_wait3A_151] : memref<10016x64xf32, #tpu.memory_space<vmem_shared>> -> memref<10016x64xf32, #tpu.memory_space<vmem_shared>>
      tpu.wait_indirect_dma semaphore(%arg25 : memref<!tpu.dma_semaphore, #tpu.memory_space<semaphore_mem>>) src(%dma_wait3A_152 : memref<10016x64xf32, #tpu.memory_space<vmem_shared>>) dst(%dma_wait3A_146 : memref<128x64xf32, #tpu.memory_space<vmem>>)
      %dma_wait3A_153 = arith.constant 1 : i32
      %dma_wait3A_154 = arith.constant 128 : i32
      %dma_wait3A_155 = arith.constant 0 : i32
      %dma_wait3A_156 = tpu.memref_slice %arg15[%dma_wait3A_154, %dma_wait3A_155] : memref<256x64xf32, #tpu.memory_space<vmem>> -> memref<128x64xf32, #tpu.memory_space<vmem>>
      %dma_wait3A_157 = arith.constant 0 : i32
      %dma_wait3A_158 = tpu.memref_slice %arg7[%dma_wait3A_153, %dma_wait3A_157] : memref<2x128xi32, #tpu.memory_space<vmem>> -> memref<1x128xi32, #tpu.memory_space<vmem>>
      %dma_wait3A_159 = tpu.memref_squeeze %dma_wait3A_158 : memref<1x128xi32, #tpu.memory_space<vmem>> -> memref<128xi32, #tpu.memory_space<vmem>>
      %dma_wait3A_160 = arith.constant 0 : i32
      %dma_wait3A_161 = arith.constant 0 : i32
      %dma_wait3A_162 = tpu.memref_slice %arg18[%dma_wait3A_160, %dma_wait3A_161] : memref<10016x64xf32, #tpu.memory_space<vmem_shared>> -> memref<10016x64xf32, #tpu.memory_space<vmem_shared>>
      tpu.wait_indirect_dma semaphore(%arg25 : memref<!tpu.dma_semaphore, #tpu.memory_space<semaphore_mem>>) src(%dma_wait3A_162 : memref<10016x64xf32, #tpu.memory_space<vmem_shared>>) dst(%dma_wait3A_156 : memref<128x64xf32, #tpu.memory_space<vmem>>)
      %dma_start3A_163 = arith.constant 0 : i32
      %dma_start3A_164 = arith.constant 0 : i32
      %dma_start3A_165 = arith.constant 0 : i32
      %dma_start3A_166 = tpu.memref_slice %arg15[%dma_start3A_164, %dma_start3A_165] : memref<256x64xf32, #tpu.memory_space<vmem>> -> memref<128x64xf32, #tpu.memory_space<vmem>>
      %dma_start3A_167 = arith.constant 0 : i32
      %dma_start3A_168 = tpu.memref_slice %arg11[%dma_start3A_163, %dma_start3A_167] : memref<2x128xi32, #tpu.memory_space<vmem>> -> memref<1x128xi32, #tpu.memory_space<vmem>>
      %dma_start3A_169 = tpu.memref_squeeze %dma_start3A_168 : memref<1x128xi32, #tpu.memory_space<vmem>> -> memref<128xi32, #tpu.memory_space<vmem>>
      %dma_start3A_170 = arith.constant 0 : i32
      %dma_start3A_171 = arith.constant 0 : i32
      %dma_start3A_172 = tpu.memref_slice %arg17[%dma_start3A_170, %dma_start3A_171] : memref<10016x64xf32, #tpu.memory_space<vmem_shared>> -> memref<10016x64xf32, #tpu.memory_space<vmem_shared>>
      tpu.enqueue_indirect_dma source(%dma_start3A_166 : memref<128x64xf32, #tpu.memory_space<vmem>>) target(%dma_start3A_172 : memref<10016x64xf32, #tpu.memory_space<vmem_shared>>) offsets(%dma_start3A_169 : memref<128xi32, #tpu.memory_space<vmem>>) semaphore(%arg23 : memref<!tpu.dma_semaphore, #tpu.memory_space<semaphore_mem>>) {add = true}
      %dma_start3A_173 = arith.constant 1 : i32
      %dma_start3A_174 = arith.constant 128 : i32
      %dma_start3A_175 = arith.constant 0 : i32
      %dma_start3A_176 = tpu.memref_slice %arg15[%dma_start3A_174, %dma_start3A_175] : memref<256x64xf32, #tpu.memory_space<vmem>> -> memref<128x64xf32, #tpu.memory_space<vmem>>
      %dma_start3A_177 = arith.constant 0 : i32
      %dma_start3A_178 = tpu.memref_slice %arg11[%dma_start3A_173, %dma_start3A_177] : memref<2x128xi32, #tpu.memory_space<vmem>> -> memref<1x128xi32, #tpu.memory_space<vmem>>
      %dma_start3A_179 = tpu.memref_squeeze %dma_start3A_178 : memref<1x128xi32, #tpu.memory_space<vmem>> -> memref<128xi32, #tpu.memory_space<vmem>>
      %dma_start3A_180 = arith.constant 0 : i32
      %dma_start3A_181 = arith.constant 0 : i32
      %dma_start3A_182 = tpu.memref_slice %arg17[%dma_start3A_180, %dma_start3A_181] : memref<10016x64xf32, #tpu.memory_space<vmem_shared>> -> memref<10016x64xf32, #tpu.memory_space<vmem_shared>>
      tpu.enqueue_indirect_dma source(%dma_start3A_176 : memref<128x64xf32, #tpu.memory_space<vmem>>) target(%dma_start3A_182 : memref<10016x64xf32, #tpu.memory_space<vmem_shared>>) offsets(%dma_start3A_179 : memref<128xi32, #tpu.memory_space<vmem>>) semaphore(%arg23 : memref<!tpu.dma_semaphore, #tpu.memory_space<semaphore_mem>>) {add = true}
      %mul3A_183 = arith.constant 4 : i32
      %mul3A_184 = arith.muli %scan3A_91, %mul3A_183 : i32
      %add3A_185 = arith.constant 1 : i32
      %add3A_186 = arith.addi %mul3A_184, %add3A_185 : i32
      %gt3A_187 = arith.constant 0 : i32
      %gt3A_188 = arith.cmpi sgt, %scan3A_91, %gt3A_187 : i32
      %convert_element_type3A_189 = arith.extui %gt3A_188 : i1 to i32
      %cond3A_190 = arith.constant 0 : i32
      %cond3A_191 = arith.cmpi ne, %convert_element_type3A_189, %cond3A_190 : i32
      scf.if %cond3A_191 {
        %dma_wait3A_496 = arith.constant 0 : i32
        %dma_wait3A_497 = arith.constant 0 : i32
        %dma_wait3A_498 = tpu.memref_slice %arg16[%dma_wait3A_496, %dma_wait3A_497] : memref<256x64xf32, #tpu.memory_space<vmem>> -> memref<128x64xf32, #tpu.memory_space<vmem>>
        %dma_wait3A_499 = arith.constant 0 : i32
        %dma_wait3A_500 = arith.constant 0 : i32
        %dma_wait3A_501 = tpu.memref_slice %arg17[%dma_wait3A_499, %dma_wait3A_500] : memref<10016x64xf32, #tpu.memory_space<vmem_shared>> -> memref<128x64xf32, #tpu.memory_space<vmem_shared>>
        %dma_wait3A_502 = arith.constant 0 : i32
        %dma_wait3A_503 = arith.constant 0 : i32
        %dma_wait3A_504 = tpu.memref_slice %arg17[%dma_wait3A_502, %dma_wait3A_503] : memref<10016x64xf32, #tpu.memory_space<vmem_shared>> -> memref<128x64xf32, #tpu.memory_space<vmem_shared>>
        %dma_wait3A_505 = arith.constant 0 : i32
        %dma_wait3A_506 = arith.constant 0 : i32
        %dma_wait3A_507 = tpu.memref_slice %arg16[%dma_wait3A_505, %dma_wait3A_506] : memref<256x64xf32, #tpu.memory_space<vmem>> -> memref<128x64xf32, #tpu.memory_space<vmem>>
        tpu.wait_dma2 semaphore(%arg24 : memref<!tpu.dma_semaphore, #tpu.memory_space<semaphore_mem>>) src(%dma_wait3A_507 : memref<128x64xf32, #tpu.memory_space<vmem>>) dst(%dma_wait3A_504 : memref<128x64xf32, #tpu.memory_space<vmem_shared>>)
        %dma_wait3A_508 = arith.constant 128 : i32
        %dma_wait3A_509 = arith.constant 0 : i32
        %dma_wait3A_510 = tpu.memref_slice %arg16[%dma_wait3A_508, %dma_wait3A_509] : memref<256x64xf32, #tpu.memory_space<vmem>> -> memref<128x64xf32, #tpu.memory_space<vmem>>
        %dma_wait3A_511 = arith.constant 0 : i32
        %dma_wait3A_512 = arith.constant 0 : i32
        %dma_wait3A_513 = tpu.memref_slice %arg17[%dma_wait3A_511, %dma_wait3A_512] : memref<10016x64xf32, #tpu.memory_space<vmem_shared>> -> memref<128x64xf32, #tpu.memory_space<vmem_shared>>
        %dma_wait3A_514 = arith.constant 0 : i32
        %dma_wait3A_515 = arith.constant 0 : i32
        %dma_wait3A_516 = tpu.memref_slice %arg17[%dma_wait3A_514, %dma_wait3A_515] : memref<10016x64xf32, #tpu.memory_space<vmem_shared>> -> memref<128x64xf32, #tpu.memory_space<vmem_shared>>
        %dma_wait3A_517 = arith.constant 128 : i32
        %dma_wait3A_518 = arith.constant 0 : i32
        %dma_wait3A_519 = tpu.memref_slice %arg16[%dma_wait3A_517, %dma_wait3A_518] : memref<256x64xf32, #tpu.memory_space<vmem>> -> memref<128x64xf32, #tpu.memory_space<vmem>>
        tpu.wait_dma2 semaphore(%arg24 : memref<!tpu.dma_semaphore, #tpu.memory_space<semaphore_mem>>) src(%dma_wait3A_519 : memref<128x64xf32, #tpu.memory_space<vmem>>) dst(%dma_wait3A_516 : memref<128x64xf32, #tpu.memory_space<vmem_shared>>)
      } else {
      }
      %dma_wait3A_192 = arith.constant 0 : i32
      %dma_wait3A_193 = arith.constant 0 : i32
      %dma_wait3A_194 = tpu.memref_slice %arg3[%dma_wait3A_192, %dma_wait3A_193] : memref<5120x128xi32, #tpu.memory_space<hbm>> -> memref<2x128xi32, #tpu.memory_space<hbm>>
      %dma_wait3A_195 = arith.constant 0 : i32
      %dma_wait3A_196 = arith.constant 0 : i32
      %dma_wait3A_197 = tpu.memref_slice %arg3[%dma_wait3A_195, %dma_wait3A_196] : memref<5120x128xi32, #tpu.memory_space<hbm>> -> memref<2x128xi32, #tpu.memory_space<hbm>>
      tpu.wait_dma2 semaphore(%arg20 : memref<!tpu.dma_semaphore, #tpu.memory_space<semaphore_mem>>) src(%dma_wait3A_197 : memref<2x128xi32, #tpu.memory_space<hbm>>) dst(%arg8 : memref<2x128xi32, #tpu.memory_space<vmem>>)
      %dma_wait3A_198 = arith.constant 0 : i32
      %dma_wait3A_199 = arith.constant 0 : i32
      %dma_wait3A_200 = tpu.memref_slice %arg4[%dma_wait3A_198, %dma_wait3A_199] : memref<5120x128xi32, #tpu.memory_space<hbm>> -> memref<2x128xi32, #tpu.memory_space<hbm>>
      %dma_wait3A_201 = arith.constant 0 : i32
      %dma_wait3A_202 = arith.constant 0 : i32
      %dma_wait3A_203 = tpu.memref_slice %arg4[%dma_wait3A_201, %dma_wait3A_202] : memref<5120x128xi32, #tpu.memory_space<hbm>> -> memref<2x128xi32, #tpu.memory_space<hbm>>
      tpu.wait_dma2 semaphore(%arg20 : memref<!tpu.dma_semaphore, #tpu.memory_space<semaphore_mem>>) src(%dma_wait3A_203 : memref<2x128xi32, #tpu.memory_space<hbm>>) dst(%arg12 : memref<2x128xi32, #tpu.memory_space<vmem>>)
      %dma_start3A_204 = arith.constant 0 : i32
      %dma_start3A_205 = arith.constant 0 : i32
      %dma_start3A_206 = arith.constant 0 : i32
      %dma_start3A_207 = tpu.memref_slice %arg16[%dma_start3A_205, %dma_start3A_206] : memref<256x64xf32, #tpu.memory_space<vmem>> -> memref<128x64xf32, #tpu.memory_space<vmem>>
      %dma_start3A_208 = arith.constant 0 : i32
      %dma_start3A_209 = tpu.memref_slice %arg8[%dma_start3A_204, %dma_start3A_208] : memref<2x128xi32, #tpu.memory_space<vmem>> -> memref<1x128xi32, #tpu.memory_space<vmem>>
      %dma_start3A_210 = tpu.memref_squeeze %dma_start3A_209 : memref<1x128xi32, #tpu.memory_space<vmem>> -> memref<128xi32, #tpu.memory_space<vmem>>
      %dma_start3A_211 = arith.constant 0 : i32
      %dma_start3A_212 = arith.constant 0 : i32
      %dma_start3A_213 = tpu.memref_slice %arg18[%dma_start3A_211, %dma_start3A_212] : memref<10016x64xf32, #tpu.memory_space<vmem_shared>> -> memref<10016x64xf32, #tpu.memory_space<vmem_shared>>
      tpu.enqueue_indirect_dma source(%dma_start3A_213 : memref<10016x64xf32, #tpu.memory_space<vmem_shared>>) target(%dma_start3A_207 : memref<128x64xf32, #tpu.memory_space<vmem>>) offsets(%dma_start3A_210 : memref<128xi32, #tpu.memory_space<vmem>>) semaphore(%arg25 : memref<!tpu.dma_semaphore, #tpu.memory_space<semaphore_mem>>)
      %dma_start3A_214 = arith.constant 1 : i32
      %dma_start3A_215 = arith.constant 128 : i32
      %dma_start3A_216 = arith.constant 0 : i32
      %dma_start3A_217 = tpu.memref_slice %arg16[%dma_start3A_215, %dma_start3A_216] : memref<256x64xf32, #tpu.memory_space<vmem>> -> memref<128x64xf32, #tpu.memory_space<vmem>>
      %dma_start3A_218 = arith.constant 0 : i32
      %dma_start3A_219 = tpu.memref_slice %arg8[%dma_start3A_214, %dma_start3A_218] : memref<2x128xi32, #tpu.memory_space<vmem>> -> memref<1x128xi32, #tpu.memory_space<vmem>>
      %dma_start3A_220 = tpu.memref_squeeze %dma_start3A_219 : memref<1x128xi32, #tpu.memory_space<vmem>> -> memref<128xi32, #tpu.memory_space<vmem>>
      %dma_start3A_221 = arith.constant 0 : i32
      %dma_start3A_222 = arith.constant 0 : i32
      %dma_start3A_223 = tpu.memref_slice %arg18[%dma_start3A_221, %dma_start3A_222] : memref<10016x64xf32, #tpu.memory_space<vmem_shared>> -> memref<10016x64xf32, #tpu.memory_space<vmem_shared>>
      tpu.enqueue_indirect_dma source(%dma_start3A_223 : memref<10016x64xf32, #tpu.memory_space<vmem_shared>>) target(%dma_start3A_217 : memref<128x64xf32, #tpu.memory_space<vmem>>) offsets(%dma_start3A_220 : memref<128xi32, #tpu.memory_space<vmem>>) semaphore(%arg25 : memref<!tpu.dma_semaphore, #tpu.memory_space<semaphore_mem>>)
      %add3A_224 = arith.constant 2 : i32
      %add3A_225 = arith.addi %add3A_186, %add3A_224 : i32
      %mul3A_226 = arith.constant 2 : i32
      %mul3A_227 = arith.muli %add3A_225, %mul3A_226 : i32
      %add3A_228 = arith.addi %mul3A_18, %mul3A_227 : i32
      %dma_start3A_229 = arith.constant 0 : i32
      %dma_start3A_230 = tpu.memref_slice %arg3[%add3A_228, %dma_start3A_229] : memref<5120x128xi32, #tpu.memory_space<hbm>> -> memref<2x128xi32, #tpu.memory_space<hbm>>
      %dma_start3A_231 = arith.constant 0 : i32
      %dma_start3A_232 = tpu.memref_slice %arg3[%add3A_228, %dma_start3A_231] : memref<5120x128xi32, #tpu.memory_space<hbm>> -> memref<2x128xi32, #tpu.memory_space<hbm>>
      tpu.enqueue_dma source(%dma_start3A_232 : memref<2x128xi32, #tpu.memory_space<hbm>>) target(%arg10 : memref<2x128xi32, #tpu.memory_space<vmem>>) target_semaphore(%arg22 : memref<!tpu.dma_semaphore, #tpu.memory_space<semaphore_mem>>)
      %dma_start3A_233 = arith.constant 0 : i32
      %dma_start3A_234 = tpu.memref_slice %arg4[%add3A_228, %dma_start3A_233] : memref<5120x128xi32, #tpu.memory_space<hbm>> -> memref<2x128xi32, #tpu.memory_space<hbm>>
      %dma_start3A_235 = arith.constant 0 : i32
      %dma_start3A_236 = tpu.memref_slice %arg4[%add3A_228, %dma_start3A_235] : memref<5120x128xi32, #tpu.memory_space<hbm>> -> memref<2x128xi32, #tpu.memory_space<hbm>>
      tpu.enqueue_dma source(%dma_start3A_236 : memref<2x128xi32, #tpu.memory_space<hbm>>) target(%arg14 : memref<2x128xi32, #tpu.memory_space<vmem>>) target_semaphore(%arg22 : memref<!tpu.dma_semaphore, #tpu.memory_space<semaphore_mem>>)
      %dma_wait3A_237 = arith.constant 0 : i32
      %dma_wait3A_238 = arith.constant 0 : i32
      %dma_wait3A_239 = arith.constant 0 : i32
      %dma_wait3A_240 = tpu.memref_slice %arg16[%dma_wait3A_238, %dma_wait3A_239] : memref<256x64xf32, #tpu.memory_space<vmem>> -> memref<128x64xf32, #tpu.memory_space<vmem>>
      %dma_wait3A_241 = arith.constant 0 : i32
      %dma_wait3A_242 = tpu.memref_slice %arg8[%dma_wait3A_237, %dma_wait3A_241] : memref<2x128xi32, #tpu.memory_space<vmem>> -> memref<1x128xi32, #tpu.memory_space<vmem>>
      %dma_wait3A_243 = tpu.memref_squeeze %dma_wait3A_242 : memref<1x128xi32, #tpu.memory_space<vmem>> -> memref<128xi32, #tpu.memory_space<vmem>>
      %dma_wait3A_244 = arith.constant 0 : i32
      %dma_wait3A_245 = arith.constant 0 : i32
      %dma_wait3A_246 = tpu.memref_slice %arg18[%dma_wait3A_244, %dma_wait3A_245] : memref<10016x64xf32, #tpu.memory_space<vmem_shared>> -> memref<10016x64xf32, #tpu.memory_space<vmem_shared>>
      tpu.wait_indirect_dma semaphore(%arg25 : memref<!tpu.dma_semaphore, #tpu.memory_space<semaphore_mem>>) src(%dma_wait3A_246 : memref<10016x64xf32, #tpu.memory_space<vmem_shared>>) dst(%dma_wait3A_240 : memref<128x64xf32, #tpu.memory_space<vmem>>)
      %dma_wait3A_247 = arith.constant 1 : i32
      %dma_wait3A_248 = arith.constant 128 : i32
      %dma_wait3A_249 = arith.constant 0 : i32
      %dma_wait3A_250 = tpu.memref_slice %arg16[%dma_wait3A_248, %dma_wait3A_249] : memref<256x64xf32, #tpu.memory_space<vmem>> -> memref<128x64xf32, #tpu.memory_space<vmem>>
      %dma_wait3A_251 = arith.constant 0 : i32
      %dma_wait3A_252 = tpu.memref_slice %arg8[%dma_wait3A_247, %dma_wait3A_251] : memref<2x128xi32, #tpu.memory_space<vmem>> -> memref<1x128xi32, #tpu.memory_space<vmem>>
      %dma_wait3A_253 = tpu.memref_squeeze %dma_wait3A_252 : memref<1x128xi32, #tpu.memory_space<vmem>> -> memref<128xi32, #tpu.memory_space<vmem>>
      %dma_wait3A_254 = arith.constant 0 : i32
      %dma_wait3A_255 = arith.constant 0 : i32
      %dma_wait3A_256 = tpu.memref_slice %arg18[%dma_wait3A_254, %dma_wait3A_255] : memref<10016x64xf32, #tpu.memory_space<vmem_shared>> -> memref<10016x64xf32, #tpu.memory_space<vmem_shared>>
      tpu.wait_indirect_dma semaphore(%arg25 : memref<!tpu.dma_semaphore, #tpu.memory_space<semaphore_mem>>) src(%dma_wait3A_256 : memref<10016x64xf32, #tpu.memory_space<vmem_shared>>) dst(%dma_wait3A_250 : memref<128x64xf32, #tpu.memory_space<vmem>>)
      %dma_start3A_257 = arith.constant 0 : i32
      %dma_start3A_258 = arith.constant 0 : i32
      %dma_start3A_259 = arith.constant 0 : i32
      %dma_start3A_260 = tpu.memref_slice %arg16[%dma_start3A_258, %dma_start3A_259] : memref<256x64xf32, #tpu.memory_space<vmem>> -> memref<128x64xf32, #tpu.memory_space<vmem>>
      %dma_start3A_261 = arith.constant 0 : i32
      %dma_start3A_262 = tpu.memref_slice %arg12[%dma_start3A_257, %dma_start3A_261] : memref<2x128xi32, #tpu.memory_space<vmem>> -> memref<1x128xi32, #tpu.memory_space<vmem>>
      %dma_start3A_263 = tpu.memref_squeeze %dma_start3A_262 : memref<1x128xi32, #tpu.memory_space<vmem>> -> memref<128xi32, #tpu.memory_space<vmem>>
      %dma_start3A_264 = arith.constant 0 : i32
      %dma_start3A_265 = arith.constant 0 : i32
      %dma_start3A_266 = tpu.memref_slice %arg17[%dma_start3A_264, %dma_start3A_265] : memref<10016x64xf32, #tpu.memory_space<vmem_shared>> -> memref<10016x64xf32, #tpu.memory_space<vmem_shared>>
      tpu.enqueue_indirect_dma source(%dma_start3A_260 : memref<128x64xf32, #tpu.memory_space<vmem>>) target(%dma_start3A_266 : memref<10016x64xf32, #tpu.memory_space<vmem_shared>>) offsets(%dma_start3A_263 : memref<128xi32, #tpu.memory_space<vmem>>) semaphore(%arg24 : memref<!tpu.dma_semaphore, #tpu.memory_space<semaphore_mem>>) {add = true}
      %dma_start3A_267 = arith.constant 1 : i32
      %dma_start3A_268 = arith.constant 128 : i32
      %dma_start3A_269 = arith.constant 0 : i32
      %dma_start3A_270 = tpu.memref_slice %arg16[%dma_start3A_268, %dma_start3A_269] : memref<256x64xf32, #tpu.memory_space<vmem>> -> memref<128x64xf32, #tpu.memory_space<vmem>>
      %dma_start3A_271 = arith.constant 0 : i32
      %dma_start3A_272 = tpu.memref_slice %arg12[%dma_start3A_267, %dma_start3A_271] : memref<2x128xi32, #tpu.memory_space<vmem>> -> memref<1x128xi32, #tpu.memory_space<vmem>>
      %dma_start3A_273 = tpu.memref_squeeze %dma_start3A_272 : memref<1x128xi32, #tpu.memory_space<vmem>> -> memref<128xi32, #tpu.memory_space<vmem>>
      %dma_start3A_274 = arith.constant 0 : i32
      %dma_start3A_275 = arith.constant 0 : i32
      %dma_start3A_276 = tpu.memref_slice %arg17[%dma_start3A_274, %dma_start3A_275] : memref<10016x64xf32, #tpu.memory_space<vmem_shared>> -> memref<10016x64xf32, #tpu.memory_space<vmem_shared>>
      tpu.enqueue_indirect_dma source(%dma_start3A_270 : memref<128x64xf32, #tpu.memory_space<vmem>>) target(%dma_start3A_276 : memref<10016x64xf32, #tpu.memory_space<vmem_shared>>) offsets(%dma_start3A_273 : memref<128xi32, #tpu.memory_space<vmem>>) semaphore(%arg24 : memref<!tpu.dma_semaphore, #tpu.memory_space<semaphore_mem>>) {add = true}
      %mul3A_277 = arith.constant 4 : i32
      %mul3A_278 = arith.muli %scan3A_91, %mul3A_277 : i32
      %add3A_279 = arith.constant 2 : i32
      %add3A_280 = arith.addi %mul3A_278, %add3A_279 : i32
      %dma_wait3A_281 = arith.constant 0 : i32
      %dma_wait3A_282 = arith.constant 0 : i32
      %dma_wait3A_283 = tpu.memref_slice %arg15[%dma_wait3A_281, %dma_wait3A_282] : memref<256x64xf32, #tpu.memory_space<vmem>> -> memref<128x64xf32, #tpu.memory_space<vmem>>
      %dma_wait3A_284 = arith.constant 0 : i32
      %dma_wait3A_285 = arith.constant 0 : i32
      %dma_wait3A_286 = tpu.memref_slice %arg17[%dma_wait3A_284, %dma_wait3A_285] : memref<10016x64xf32, #tpu.memory_space<vmem_shared>> -> memref<128x64xf32, #tpu.memory_space<vmem_shared>>
      %dma_wait3A_287 = arith.constant 0 : i32
      %dma_wait3A_288 = arith.constant 0 : i32
      %dma_wait3A_289 = tpu.memref_slice %arg17[%dma_wait3A_287, %dma_wait3A_288] : memref<10016x64xf32, #tpu.memory_space<vmem_shared>> -> memref<128x64xf32, #tpu.memory_space<vmem_shared>>
      %dma_wait3A_290 = arith.constant 0 : i32
      %dma_wait3A_291 = arith.constant 0 : i32
      %dma_wait3A_292 = tpu.memref_slice %arg15[%dma_wait3A_290, %dma_wait3A_291] : memref<256x64xf32, #tpu.memory_space<vmem>> -> memref<128x64xf32, #tpu.memory_space<vmem>>
      tpu.wait_dma2 semaphore(%arg23 : memref<!tpu.dma_semaphore, #tpu.memory_space<semaphore_mem>>) src(%dma_wait3A_292 : memref<128x64xf32, #tpu.memory_space<vmem>>) dst(%dma_wait3A_289 : memref<128x64xf32, #tpu.memory_space<vmem_shared>>)
      %dma_wait3A_293 = arith.constant 128 : i32
      %dma_wait3A_294 = arith.constant 0 : i32
      %dma_wait3A_295 = tpu.memref_slice %arg15[%dma_wait3A_293, %dma_wait3A_294] : memref<256x64xf32, #tpu.memory_space<vmem>> -> memref<128x64xf32, #tpu.memory_space<vmem>>
      %dma_wait3A_296 = arith.constant 0 : i32
      %dma_wait3A_297 = arith.constant 0 : i32
      %dma_wait3A_298 = tpu.memref_slice %arg17[%dma_wait3A_296, %dma_wait3A_297] : memref<10016x64xf32, #tpu.memory_space<vmem_shared>> -> memref<128x64xf32, #tpu.memory_space<vmem_shared>>
      %dma_wait3A_299 = arith.constant 0 : i32
      %dma_wait3A_300 = arith.constant 0 : i32
      %dma_wait3A_301 = tpu.memref_slice %arg17[%dma_wait3A_299, %dma_wait3A_300] : memref<10016x64xf32, #tpu.memory_space<vmem_shared>> -> memref<128x64xf32, #tpu.memory_space<vmem_shared>>
      %dma_wait3A_302 = arith.constant 128 : i32
      %dma_wait3A_303 = arith.constant 0 : i32
      %dma_wait3A_304 = tpu.memref_slice %arg15[%dma_wait3A_302, %dma_wait3A_303] : memref<256x64xf32, #tpu.memory_space<vmem>> -> memref<128x64xf32, #tpu.memory_space<vmem>>
      tpu.wait_dma2 semaphore(%arg23 : memref<!tpu.dma_semaphore, #tpu.memory_space<semaphore_mem>>) src(%dma_wait3A_304 : memref<128x64xf32, #tpu.memory_space<vmem>>) dst(%dma_wait3A_301 : memref<128x64xf32, #tpu.memory_space<vmem_shared>>)
      %dma_wait3A_305 = arith.constant 0 : i32
      %dma_wait3A_306 = arith.constant 0 : i32
      %dma_wait3A_307 = tpu.memref_slice %arg3[%dma_wait3A_305, %dma_wait3A_306] : memref<5120x128xi32, #tpu.memory_space<hbm>> -> memref<2x128xi32, #tpu.memory_space<hbm>>
      %dma_wait3A_308 = arith.constant 0 : i32
      %dma_wait3A_309 = arith.constant 0 : i32
      %dma_wait3A_310 = tpu.memref_slice %arg3[%dma_wait3A_308, %dma_wait3A_309] : memref<5120x128xi32, #tpu.memory_space<hbm>> -> memref<2x128xi32, #tpu.memory_space<hbm>>
      tpu.wait_dma2 semaphore(%arg21 : memref<!tpu.dma_semaphore, #tpu.memory_space<semaphore_mem>>) src(%dma_wait3A_310 : memref<2x128xi32, #tpu.memory_space<hbm>>) dst(%arg9 : memref<2x128xi32, #tpu.memory_space<vmem>>)
      %dma_wait3A_311 = arith.constant 0 : i32
      %dma_wait3A_312 = arith.constant 0 : i32
      %dma_wait3A_313 = tpu.memref_slice %arg4[%dma_wait3A_311, %dma_wait3A_312] : memref<5120x128xi32, #tpu.memory_space<hbm>> -> memref<2x128xi32, #tpu.memory_space<hbm>>
      %dma_wait3A_314 = arith.constant 0 : i32
      %dma_wait3A_315 = arith.constant 0 : i32
      %dma_wait3A_316 = tpu.memref_slice %arg4[%dma_wait3A_314, %dma_wait3A_315] : memref<5120x128xi32, #tpu.memory_space<hbm>> -> memref<2x128xi32, #tpu.memory_space<hbm>>
      tpu.wait_dma2 semaphore(%arg21 : memref<!tpu.dma_semaphore, #tpu.memory_space<semaphore_mem>>) src(%dma_wait3A_316 : memref<2x128xi32, #tpu.memory_space<hbm>>) dst(%arg13 : memref<2x128xi32, #tpu.memory_space<vmem>>)
      %dma_start3A_317 = arith.constant 0 : i32
      %dma_start3A_318 = arith.constant 0 : i32
      %dma_start3A_319 = arith.constant 0 : i32
      %dma_start3A_320 = tpu.memref_slice %arg15[%dma_start3A_318, %dma_start3A_319] : memref<256x64xf32, #tpu.memory_space<vmem>> -> memref<128x64xf32, #tpu.memory_space<vmem>>
      %dma_start3A_321 = arith.constant 0 : i32
      %dma_start3A_322 = tpu.memref_slice %arg9[%dma_start3A_317, %dma_start3A_321] : memref<2x128xi32, #tpu.memory_space<vmem>> -> memref<1x128xi32, #tpu.memory_space<vmem>>
      %dma_start3A_323 = tpu.memref_squeeze %dma_start3A_322 : memref<1x128xi32, #tpu.memory_space<vmem>> -> memref<128xi32, #tpu.memory_space<vmem>>
      %dma_start3A_324 = arith.constant 0 : i32
      %dma_start3A_325 = arith.constant 0 : i32
      %dma_start3A_326 = tpu.memref_slice %arg18[%dma_start3A_324, %dma_start3A_325] : memref<10016x64xf32, #tpu.memory_space<vmem_shared>> -> memref<10016x64xf32, #tpu.memory_space<vmem_shared>>
      tpu.enqueue_indirect_dma source(%dma_start3A_326 : memref<10016x64xf32, #tpu.memory_space<vmem_shared>>) target(%dma_start3A_320 : memref<128x64xf32, #tpu.memory_space<vmem>>) offsets(%dma_start3A_323 : memref<128xi32, #tpu.memory_space<vmem>>) semaphore(%arg25 : memref<!tpu.dma_semaphore, #tpu.memory_space<semaphore_mem>>)
      %dma_start3A_327 = arith.constant 1 : i32
      %dma_start3A_328 = arith.constant 128 : i32
      %dma_start3A_329 = arith.constant 0 : i32
      %dma_start3A_330 = tpu.memref_slice %arg15[%dma_start3A_328, %dma_start3A_329] : memref<256x64xf32, #tpu.memory_space<vmem>> -> memref<128x64xf32, #tpu.memory_space<vmem>>
      %dma_start3A_331 = arith.constant 0 : i32
      %dma_start3A_332 = tpu.memref_slice %arg9[%dma_start3A_327, %dma_start3A_331] : memref<2x128xi32, #tpu.memory_space<vmem>> -> memref<1x128xi32, #tpu.memory_space<vmem>>
      %dma_start3A_333 = tpu.memref_squeeze %dma_start3A_332 : memref<1x128xi32, #tpu.memory_space<vmem>> -> memref<128xi32, #tpu.memory_space<vmem>>
      %dma_start3A_334 = arith.constant 0 : i32
      %dma_start3A_335 = arith.constant 0 : i32
      %dma_start3A_336 = tpu.memref_slice %arg18[%dma_start3A_334, %dma_start3A_335] : memref<10016x64xf32, #tpu.memory_space<vmem_shared>> -> memref<10016x64xf32, #tpu.memory_space<vmem_shared>>
      tpu.enqueue_indirect_dma source(%dma_start3A_336 : memref<10016x64xf32, #tpu.memory_space<vmem_shared>>) target(%dma_start3A_330 : memref<128x64xf32, #tpu.memory_space<vmem>>) offsets(%dma_start3A_333 : memref<128xi32, #tpu.memory_space<vmem>>) semaphore(%arg25 : memref<!tpu.dma_semaphore, #tpu.memory_space<semaphore_mem>>)
      %add3A_337 = arith.constant 2 : i32
      %add3A_338 = arith.addi %add3A_280, %add3A_337 : i32
      %mul3A_339 = arith.constant 2 : i32
      %mul3A_340 = arith.muli %add3A_338, %mul3A_339 : i32
      %add3A_341 = arith.addi %mul3A_18, %mul3A_340 : i32
      %lt3A = arith.constant 19 : i32
      %lt3A_342 = arith.cmpi slt, %scan3A_91, %lt3A : i32
      %convert_element_type3A_343 = arith.extui %lt3A_342 : i1 to i32
      %cond3A_344 = arith.constant 0 : i32
      %cond3A_345 = arith.cmpi ne, %convert_element_type3A_343, %cond3A_344 : i32
      scf.if %cond3A_345 {
        %dma_start3A_496 = arith.constant 0 : i32
        %dma_start3A_497 = tpu.memref_slice %arg3[%add3A_341, %dma_start3A_496] : memref<5120x128xi32, #tpu.memory_space<hbm>> -> memref<2x128xi32, #tpu.memory_space<hbm>>
        %dma_start3A_498 = arith.constant 0 : i32
        %dma_start3A_499 = tpu.memref_slice %arg3[%add3A_341, %dma_start3A_498] : memref<5120x128xi32, #tpu.memory_space<hbm>> -> memref<2x128xi32, #tpu.memory_space<hbm>>
        tpu.enqueue_dma source(%dma_start3A_499 : memref<2x128xi32, #tpu.memory_space<hbm>>) target(%arg7 : memref<2x128xi32, #tpu.memory_space<vmem>>) target_semaphore(%arg19 : memref<!tpu.dma_semaphore, #tpu.memory_space<semaphore_mem>>)
        %dma_start3A_500 = arith.constant 0 : i32
        %dma_start3A_501 = tpu.memref_slice %arg4[%add3A_341, %dma_start3A_500] : memref<5120x128xi32, #tpu.memory_space<hbm>> -> memref<2x128xi32, #tpu.memory_space<hbm>>
        %dma_start3A_502 = arith.constant 0 : i32
        %dma_start3A_503 = tpu.memref_slice %arg4[%add3A_341, %dma_start3A_502] : memref<5120x128xi32, #tpu.memory_space<hbm>> -> memref<2x128xi32, #tpu.memory_space<hbm>>
        tpu.enqueue_dma source(%dma_start3A_503 : memref<2x128xi32, #tpu.memory_space<hbm>>) target(%arg11 : memref<2x128xi32, #tpu.memory_space<vmem>>) target_semaphore(%arg19 : memref<!tpu.dma_semaphore, #tpu.memory_space<semaphore_mem>>)
      } else {
      }
      %dma_wait3A_346 = arith.constant 0 : i32
      %dma_wait3A_347 = arith.constant 0 : i32
      %dma_wait3A_348 = arith.constant 0 : i32
      %dma_wait3A_349 = tpu.memref_slice %arg15[%dma_wait3A_347, %dma_wait3A_348] : memref<256x64xf32, #tpu.memory_space<vmem>> -> memref<128x64xf32, #tpu.memory_space<vmem>>
      %dma_wait3A_350 = arith.constant 0 : i32
      %dma_wait3A_351 = tpu.memref_slice %arg9[%dma_wait3A_346, %dma_wait3A_350] : memref<2x128xi32, #tpu.memory_space<vmem>> -> memref<1x128xi32, #tpu.memory_space<vmem>>
      %dma_wait3A_352 = tpu.memref_squeeze %dma_wait3A_351 : memref<1x128xi32, #tpu.memory_space<vmem>> -> memref<128xi32, #tpu.memory_space<vmem>>
      %dma_wait3A_353 = arith.constant 0 : i32
      %dma_wait3A_354 = arith.constant 0 : i32
      %dma_wait3A_355 = tpu.memref_slice %arg18[%dma_wait3A_353, %dma_wait3A_354] : memref<10016x64xf32, #tpu.memory_space<vmem_shared>> -> memref<10016x64xf32, #tpu.memory_space<vmem_shared>>
      tpu.wait_indirect_dma semaphore(%arg25 : memref<!tpu.dma_semaphore, #tpu.memory_space<semaphore_mem>>) src(%dma_wait3A_355 : memref<10016x64xf32, #tpu.memory_space<vmem_shared>>) dst(%dma_wait3A_349 : memref<128x64xf32, #tpu.memory_space<vmem>>)
      %dma_wait3A_356 = arith.constant 1 : i32
      %dma_wait3A_357 = arith.constant 128 : i32
      %dma_wait3A_358 = arith.constant 0 : i32
      %dma_wait3A_359 = tpu.memref_slice %arg15[%dma_wait3A_357, %dma_wait3A_358] : memref<256x64xf32, #tpu.memory_space<vmem>> -> memref<128x64xf32, #tpu.memory_space<vmem>>
      %dma_wait3A_360 = arith.constant 0 : i32
      %dma_wait3A_361 = tpu.memref_slice %arg9[%dma_wait3A_356, %dma_wait3A_360] : memref<2x128xi32, #tpu.memory_space<vmem>> -> memref<1x128xi32, #tpu.memory_space<vmem>>
      %dma_wait3A_362 = tpu.memref_squeeze %dma_wait3A_361 : memref<1x128xi32, #tpu.memory_space<vmem>> -> memref<128xi32, #tpu.memory_space<vmem>>
      %dma_wait3A_363 = arith.constant 0 : i32
      %dma_wait3A_364 = arith.constant 0 : i32
      %dma_wait3A_365 = tpu.memref_slice %arg18[%dma_wait3A_363, %dma_wait3A_364] : memref<10016x64xf32, #tpu.memory_space<vmem_shared>> -> memref<10016x64xf32, #tpu.memory_space<vmem_shared>>
      tpu.wait_indirect_dma semaphore(%arg25 : memref<!tpu.dma_semaphore, #tpu.memory_space<semaphore_mem>>) src(%dma_wait3A_365 : memref<10016x64xf32, #tpu.memory_space<vmem_shared>>) dst(%dma_wait3A_359 : memref<128x64xf32, #tpu.memory_space<vmem>>)
      %dma_start3A_366 = arith.constant 0 : i32
      %dma_start3A_367 = arith.constant 0 : i32
      %dma_start3A_368 = arith.constant 0 : i32
      %dma_start3A_369 = tpu.memref_slice %arg15[%dma_start3A_367, %dma_start3A_368] : memref<256x64xf32, #tpu.memory_space<vmem>> -> memref<128x64xf32, #tpu.memory_space<vmem>>
      %dma_start3A_370 = arith.constant 0 : i32
      %dma_start3A_371 = tpu.memref_slice %arg13[%dma_start3A_366, %dma_start3A_370] : memref<2x128xi32, #tpu.memory_space<vmem>> -> memref<1x128xi32, #tpu.memory_space<vmem>>
      %dma_start3A_372 = tpu.memref_squeeze %dma_start3A_371 : memref<1x128xi32, #tpu.memory_space<vmem>> -> memref<128xi32, #tpu.memory_space<vmem>>
      %dma_start3A_373 = arith.constant 0 : i32
      %dma_start3A_374 = arith.constant 0 : i32
      %dma_start3A_375 = tpu.memref_slice %arg17[%dma_start3A_373, %dma_start3A_374] : memref<10016x64xf32, #tpu.memory_space<vmem_shared>> -> memref<10016x64xf32, #tpu.memory_space<vmem_shared>>
      tpu.enqueue_indirect_dma source(%dma_start3A_369 : memref<128x64xf32, #tpu.memory_space<vmem>>) target(%dma_start3A_375 : memref<10016x64xf32, #tpu.memory_space<vmem_shared>>) offsets(%dma_start3A_372 : memref<128xi32, #tpu.memory_space<vmem>>) semaphore(%arg23 : memref<!tpu.dma_semaphore, #tpu.memory_space<semaphore_mem>>) {add = true}
      %dma_start3A_376 = arith.constant 1 : i32
      %dma_start3A_377 = arith.constant 128 : i32
      %dma_start3A_378 = arith.constant 0 : i32
      %dma_start3A_379 = tpu.memref_slice %arg15[%dma_start3A_377, %dma_start3A_378] : memref<256x64xf32, #tpu.memory_space<vmem>> -> memref<128x64xf32, #tpu.memory_space<vmem>>
      %dma_start3A_380 = arith.constant 0 : i32
      %dma_start3A_381 = tpu.memref_slice %arg13[%dma_start3A_376, %dma_start3A_380] : memref<2x128xi32, #tpu.memory_space<vmem>> -> memref<1x128xi32, #tpu.memory_space<vmem>>
      %dma_start3A_382 = tpu.memref_squeeze %dma_start3A_381 : memref<1x128xi32, #tpu.memory_space<vmem>> -> memref<128xi32, #tpu.memory_space<vmem>>
      %dma_start3A_383 = arith.constant 0 : i32
      %dma_start3A_384 = arith.constant 0 : i32
      %dma_start3A_385 = tpu.memref_slice %arg17[%dma_start3A_383, %dma_start3A_384] : memref<10016x64xf32, #tpu.memory_space<vmem_shared>> -> memref<10016x64xf32, #tpu.memory_space<vmem_shared>>
      tpu.enqueue_indirect_dma source(%dma_start3A_379 : memref<128x64xf32, #tpu.memory_space<vmem>>) target(%dma_start3A_385 : memref<10016x64xf32, #tpu.memory_space<vmem_shared>>) offsets(%dma_start3A_382 : memref<128xi32, #tpu.memory_space<vmem>>) semaphore(%arg23 : memref<!tpu.dma_semaphore, #tpu.memory_space<semaphore_mem>>) {add = true}
      %mul3A_386 = arith.constant 4 : i32
      %mul3A_387 = arith.muli %scan3A_91, %mul3A_386 : i32
      %add3A_388 = arith.constant 3 : i32
      %add3A_389 = arith.addi %mul3A_387, %add3A_388 : i32
      %dma_wait3A_390 = arith.constant 0 : i32
      %dma_wait3A_391 = arith.constant 0 : i32
      %dma_wait3A_392 = tpu.memref_slice %arg16[%dma_wait3A_390, %dma_wait3A_391] : memref<256x64xf32, #tpu.memory_space<vmem>> -> memref<128x64xf32, #tpu.memory_space<vmem>>
      %dma_wait3A_393 = arith.constant 0 : i32
      %dma_wait3A_394 = arith.constant 0 : i32
      %dma_wait3A_395 = tpu.memref_slice %arg17[%dma_wait3A_393, %dma_wait3A_394] : memref<10016x64xf32, #tpu.memory_space<vmem_shared>> -> memref<128x64xf32, #tpu.memory_space<vmem_shared>>
      %dma_wait3A_396 = arith.constant 0 : i32
      %dma_wait3A_397 = arith.constant 0 : i32
      %dma_wait3A_398 = tpu.memref_slice %arg17[%dma_wait3A_396, %dma_wait3A_397] : memref<10016x64xf32, #tpu.memory_space<vmem_shared>> -> memref<128x64xf32, #tpu.memory_space<vmem_shared>>
      %dma_wait3A_399 = arith.constant 0 : i32
      %dma_wait3A_400 = arith.constant 0 : i32
      %dma_wait3A_401 = tpu.memref_slice %arg16[%dma_wait3A_399, %dma_wait3A_400] : memref<256x64xf32, #tpu.memory_space<vmem>> -> memref<128x64xf32, #tpu.memory_space<vmem>>
      tpu.wait_dma2 semaphore(%arg24 : memref<!tpu.dma_semaphore, #tpu.memory_space<semaphore_mem>>) src(%dma_wait3A_401 : memref<128x64xf32, #tpu.memory_space<vmem>>) dst(%dma_wait3A_398 : memref<128x64xf32, #tpu.memory_space<vmem_shared>>)
      %dma_wait3A_402 = arith.constant 128 : i32
      %dma_wait3A_403 = arith.constant 0 : i32
      %dma_wait3A_404 = tpu.memref_slice %arg16[%dma_wait3A_402, %dma_wait3A_403] : memref<256x64xf32, #tpu.memory_space<vmem>> -> memref<128x64xf32, #tpu.memory_space<vmem>>
      %dma_wait3A_405 = arith.constant 0 : i32
      %dma_wait3A_406 = arith.constant 0 : i32
      %dma_wait3A_407 = tpu.memref_slice %arg17[%dma_wait3A_405, %dma_wait3A_406] : memref<10016x64xf32, #tpu.memory_space<vmem_shared>> -> memref<128x64xf32, #tpu.memory_space<vmem_shared>>
      %dma_wait3A_408 = arith.constant 0 : i32
      %dma_wait3A_409 = arith.constant 0 : i32
      %dma_wait3A_410 = tpu.memref_slice %arg17[%dma_wait3A_408, %dma_wait3A_409] : memref<10016x64xf32, #tpu.memory_space<vmem_shared>> -> memref<128x64xf32, #tpu.memory_space<vmem_shared>>
      %dma_wait3A_411 = arith.constant 128 : i32
      %dma_wait3A_412 = arith.constant 0 : i32
      %dma_wait3A_413 = tpu.memref_slice %arg16[%dma_wait3A_411, %dma_wait3A_412] : memref<256x64xf32, #tpu.memory_space<vmem>> -> memref<128x64xf32, #tpu.memory_space<vmem>>
      tpu.wait_dma2 semaphore(%arg24 : memref<!tpu.dma_semaphore, #tpu.memory_space<semaphore_mem>>) src(%dma_wait3A_413 : memref<128x64xf32, #tpu.memory_space<vmem>>) dst(%dma_wait3A_410 : memref<128x64xf32, #tpu.memory_space<vmem_shared>>)
      %dma_wait3A_414 = arith.constant 0 : i32
      %dma_wait3A_415 = arith.constant 0 : i32
      %dma_wait3A_416 = tpu.memref_slice %arg3[%dma_wait3A_414, %dma_wait3A_415] : memref<5120x128xi32, #tpu.memory_space<hbm>> -> memref<2x128xi32, #tpu.memory_space<hbm>>
      %dma_wait3A_417 = arith.constant 0 : i32
      %dma_wait3A_418 = arith.constant 0 : i32
      %dma_wait3A_419 = tpu.memref_slice %arg3[%dma_wait3A_417, %dma_wait3A_418] : memref<5120x128xi32, #tpu.memory_space<hbm>> -> memref<2x128xi32, #tpu.memory_space<hbm>>
      tpu.wait_dma2 semaphore(%arg22 : memref<!tpu.dma_semaphore, #tpu.memory_space<semaphore_mem>>) src(%dma_wait3A_419 : memref<2x128xi32, #tpu.memory_space<hbm>>) dst(%arg10 : memref<2x128xi32, #tpu.memory_space<vmem>>)
      %dma_wait3A_420 = arith.constant 0 : i32
      %dma_wait3A_421 = arith.constant 0 : i32
      %dma_wait3A_422 = tpu.memref_slice %arg4[%dma_wait3A_420, %dma_wait3A_421] : memref<5120x128xi32, #tpu.memory_space<hbm>> -> memref<2x128xi32, #tpu.memory_space<hbm>>
      %dma_wait3A_423 = arith.constant 0 : i32
      %dma_wait3A_424 = arith.constant 0 : i32
      %dma_wait3A_425 = tpu.memref_slice %arg4[%dma_wait3A_423, %dma_wait3A_424] : memref<5120x128xi32, #tpu.memory_space<hbm>> -> memref<2x128xi32, #tpu.memory_space<hbm>>
      tpu.wait_dma2 semaphore(%arg22 : memref<!tpu.dma_semaphore, #tpu.memory_space<semaphore_mem>>) src(%dma_wait3A_425 : memref<2x128xi32, #tpu.memory_space<hbm>>) dst(%arg14 : memref<2x128xi32, #tpu.memory_space<vmem>>)
      %dma_start3A_426 = arith.constant 0 : i32
      %dma_start3A_427 = arith.constant 0 : i32
      %dma_start3A_428 = arith.constant 0 : i32
      %dma_start3A_429 = tpu.memref_slice %arg16[%dma_start3A_427, %dma_start3A_428] : memref<256x64xf32, #tpu.memory_space<vmem>> -> memref<128x64xf32, #tpu.memory_space<vmem>>
      %dma_start3A_430 = arith.constant 0 : i32
      %dma_start3A_431 = tpu.memref_slice %arg10[%dma_start3A_426, %dma_start3A_430] : memref<2x128xi32, #tpu.memory_space<vmem>> -> memref<1x128xi32, #tpu.memory_space<vmem>>
      %dma_start3A_432 = tpu.memref_squeeze %dma_start3A_431 : memref<1x128xi32, #tpu.memory_space<vmem>> -> memref<128xi32, #tpu.memory_space<vmem>>
      %dma_start3A_433 = arith.constant 0 : i32
      %dma_start3A_434 = arith.constant 0 : i32
      %dma_start3A_435 = tpu.memref_slice %arg18[%dma_start3A_433, %dma_start3A_434] : memref<10016x64xf32, #tpu.memory_space<vmem_shared>> -> memref<10016x64xf32, #tpu.memory_space<vmem_shared>>
      tpu.enqueue_indirect_dma source(%dma_start3A_435 : memref<10016x64xf32, #tpu.memory_space<vmem_shared>>) target(%dma_start3A_429 : memref<128x64xf32, #tpu.memory_space<vmem>>) offsets(%dma_start3A_432 : memref<128xi32, #tpu.memory_space<vmem>>) semaphore(%arg25 : memref<!tpu.dma_semaphore, #tpu.memory_space<semaphore_mem>>)
      %dma_start3A_436 = arith.constant 1 : i32
      %dma_start3A_437 = arith.constant 128 : i32
      %dma_start3A_438 = arith.constant 0 : i32
      %dma_start3A_439 = tpu.memref_slice %arg16[%dma_start3A_437, %dma_start3A_438] : memref<256x64xf32, #tpu.memory_space<vmem>> -> memref<128x64xf32, #tpu.memory_space<vmem>>
      %dma_start3A_440 = arith.constant 0 : i32
      %dma_start3A_441 = tpu.memref_slice %arg10[%dma_start3A_436, %dma_start3A_440] : memref<2x128xi32, #tpu.memory_space<vmem>> -> memref<1x128xi32, #tpu.memory_space<vmem>>
      %dma_start3A_442 = tpu.memref_squeeze %dma_start3A_441 : memref<1x128xi32, #tpu.memory_space<vmem>> -> memref<128xi32, #tpu.memory_space<vmem>>
      %dma_start3A_443 = arith.constant 0 : i32
      %dma_start3A_444 = arith.constant 0 : i32
      %dma_start3A_445 = tpu.memref_slice %arg18[%dma_start3A_443, %dma_start3A_444] : memref<10016x64xf32, #tpu.memory_space<vmem_shared>> -> memref<10016x64xf32, #tpu.memory_space<vmem_shared>>
      tpu.enqueue_indirect_dma source(%dma_start3A_445 : memref<10016x64xf32, #tpu.memory_space<vmem_shared>>) target(%dma_start3A_439 : memref<128x64xf32, #tpu.memory_space<vmem>>) offsets(%dma_start3A_442 : memref<128xi32, #tpu.memory_space<vmem>>) semaphore(%arg25 : memref<!tpu.dma_semaphore, #tpu.memory_space<semaphore_mem>>)
      %add3A_446 = arith.constant 2 : i32
      %add3A_447 = arith.addi %add3A_389, %add3A_446 : i32
      %mul3A_448 = arith.constant 2 : i32
      %mul3A_449 = arith.muli %add3A_447, %mul3A_448 : i32
      %add3A_450 = arith.addi %mul3A_18, %mul3A_449 : i32
      %lt3A_451 = arith.constant 19 : i32
      %lt3A_452 = arith.cmpi slt, %scan3A_91, %lt3A_451 : i32
      %convert_element_type3A_453 = arith.extui %lt3A_452 : i1 to i32
      %cond3A_454 = arith.constant 0 : i32
      %cond3A_455 = arith.cmpi ne, %convert_element_type3A_453, %cond3A_454 : i32
      scf.if %cond3A_455 {
        %dma_start3A_496 = arith.constant 0 : i32
        %dma_start3A_497 = tpu.memref_slice %arg3[%add3A_450, %dma_start3A_496] : memref<5120x128xi32, #tpu.memory_space<hbm>> -> memref<2x128xi32, #tpu.memory_space<hbm>>
        %dma_start3A_498 = arith.constant 0 : i32
        %dma_start3A_499 = tpu.memref_slice %arg3[%add3A_450, %dma_start3A_498] : memref<5120x128xi32, #tpu.memory_space<hbm>> -> memref<2x128xi32, #tpu.memory_space<hbm>>
        tpu.enqueue_dma source(%dma_start3A_499 : memref<2x128xi32, #tpu.memory_space<hbm>>) target(%arg8 : memref<2x128xi32, #tpu.memory_space<vmem>>) target_semaphore(%arg20 : memref<!tpu.dma_semaphore, #tpu.memory_space<semaphore_mem>>)
        %dma_start3A_500 = arith.constant 0 : i32
        %dma_start3A_501 = tpu.memref_slice %arg4[%add3A_450, %dma_start3A_500] : memref<5120x128xi32, #tpu.memory_space<hbm>> -> memref<2x128xi32, #tpu.memory_space<hbm>>
        %dma_start3A_502 = arith.constant 0 : i32
        %dma_start3A_503 = tpu.memref_slice %arg4[%add3A_450, %dma_start3A_502] : memref<5120x128xi32, #tpu.memory_space<hbm>> -> memref<2x128xi32, #tpu.memory_space<hbm>>
        tpu.enqueue_dma source(%dma_start3A_503 : memref<2x128xi32, #tpu.memory_space<hbm>>) target(%arg12 : memref<2x128xi32, #tpu.memory_space<vmem>>) target_semaphore(%arg20 : memref<!tpu.dma_semaphore, #tpu.memory_space<semaphore_mem>>)
      } else {
      }
      %dma_wait3A_456 = arith.constant 0 : i32
      %dma_wait3A_457 = arith.constant 0 : i32
      %dma_wait3A_458 = arith.constant 0 : i32
      %dma_wait3A_459 = tpu.memref_slice %arg16[%dma_wait3A_457, %dma_wait3A_458] : memref<256x64xf32, #tpu.memory_space<vmem>> -> memref<128x64xf32, #tpu.memory_space<vmem>>
      %dma_wait3A_460 = arith.constant 0 : i32
      %dma_wait3A_461 = tpu.memref_slice %arg10[%dma_wait3A_456, %dma_wait3A_460] : memref<2x128xi32, #tpu.memory_space<vmem>> -> memref<1x128xi32, #tpu.memory_space<vmem>>
      %dma_wait3A_462 = tpu.memref_squeeze %dma_wait3A_461 : memref<1x128xi32, #tpu.memory_space<vmem>> -> memref<128xi32, #tpu.memory_space<vmem>>
      %dma_wait3A_463 = arith.constant 0 : i32
      %dma_wait3A_464 = arith.constant 0 : i32
      %dma_wait3A_465 = tpu.memref_slice %arg18[%dma_wait3A_463, %dma_wait3A_464] : memref<10016x64xf32, #tpu.memory_space<vmem_shared>> -> memref<10016x64xf32, #tpu.memory_space<vmem_shared>>
      tpu.wait_indirect_dma semaphore(%arg25 : memref<!tpu.dma_semaphore, #tpu.memory_space<semaphore_mem>>) src(%dma_wait3A_465 : memref<10016x64xf32, #tpu.memory_space<vmem_shared>>) dst(%dma_wait3A_459 : memref<128x64xf32, #tpu.memory_space<vmem>>)
      %dma_wait3A_466 = arith.constant 1 : i32
      %dma_wait3A_467 = arith.constant 128 : i32
      %dma_wait3A_468 = arith.constant 0 : i32
      %dma_wait3A_469 = tpu.memref_slice %arg16[%dma_wait3A_467, %dma_wait3A_468] : memref<256x64xf32, #tpu.memory_space<vmem>> -> memref<128x64xf32, #tpu.memory_space<vmem>>
      %dma_wait3A_470 = arith.constant 0 : i32
      %dma_wait3A_471 = tpu.memref_slice %arg10[%dma_wait3A_466, %dma_wait3A_470] : memref<2x128xi32, #tpu.memory_space<vmem>> -> memref<1x128xi32, #tpu.memory_space<vmem>>
      %dma_wait3A_472 = tpu.memref_squeeze %dma_wait3A_471 : memref<1x128xi32, #tpu.memory_space<vmem>> -> memref<128xi32, #tpu.memory_space<vmem>>
      %dma_wait3A_473 = arith.constant 0 : i32
      %dma_wait3A_474 = arith.constant 0 : i32
      %dma_wait3A_475 = tpu.memref_slice %arg18[%dma_wait3A_473, %dma_wait3A_474] : memref<10016x64xf32, #tpu.memory_space<vmem_shared>> -> memref<10016x64xf32, #tpu.memory_space<vmem_shared>>
      tpu.wait_indirect_dma semaphore(%arg25 : memref<!tpu.dma_semaphore, #tpu.memory_space<semaphore_mem>>) src(%dma_wait3A_475 : memref<10016x64xf32, #tpu.memory_space<vmem_shared>>) dst(%dma_wait3A_469 : memref<128x64xf32, #tpu.memory_space<vmem>>)
      %dma_start3A_476 = arith.constant 0 : i32
      %dma_start3A_477 = arith.constant 0 : i32
      %dma_start3A_478 = arith.constant 0 : i32
      %dma_start3A_479 = tpu.memref_slice %arg16[%dma_start3A_477, %dma_start3A_478] : memref<256x64xf32, #tpu.memory_space<vmem>> -> memref<128x64xf32, #tpu.memory_space<vmem>>
      %dma_start3A_480 = arith.constant 0 : i32
      %dma_start3A_481 = tpu.memref_slice %arg14[%dma_start3A_476, %dma_start3A_480] : memref<2x128xi32, #tpu.memory_space<vmem>> -> memref<1x128xi32, #tpu.memory_space<vmem>>
      %dma_start3A_482 = tpu.memref_squeeze %dma_start3A_481 : memref<1x128xi32, #tpu.memory_space<vmem>> -> memref<128xi32, #tpu.memory_space<vmem>>
      %dma_start3A_483 = arith.constant 0 : i32
      %dma_start3A_484 = arith.constant 0 : i32
      %dma_start3A_485 = tpu.memref_slice %arg17[%dma_start3A_483, %dma_start3A_484] : memref<10016x64xf32, #tpu.memory_space<vmem_shared>> -> memref<10016x64xf32, #tpu.memory_space<vmem_shared>>
      tpu.enqueue_indirect_dma source(%dma_start3A_479 : memref<128x64xf32, #tpu.memory_space<vmem>>) target(%dma_start3A_485 : memref<10016x64xf32, #tpu.memory_space<vmem_shared>>) offsets(%dma_start3A_482 : memref<128xi32, #tpu.memory_space<vmem>>) semaphore(%arg24 : memref<!tpu.dma_semaphore, #tpu.memory_space<semaphore_mem>>) {add = true}
      %dma_start3A_486 = arith.constant 1 : i32
      %dma_start3A_487 = arith.constant 128 : i32
      %dma_start3A_488 = arith.constant 0 : i32
      %dma_start3A_489 = tpu.memref_slice %arg16[%dma_start3A_487, %dma_start3A_488] : memref<256x64xf32, #tpu.memory_space<vmem>> -> memref<128x64xf32, #tpu.memory_space<vmem>>
      %dma_start3A_490 = arith.constant 0 : i32
      %dma_start3A_491 = tpu.memref_slice %arg14[%dma_start3A_486, %dma_start3A_490] : memref<2x128xi32, #tpu.memory_space<vmem>> -> memref<1x128xi32, #tpu.memory_space<vmem>>
      %dma_start3A_492 = tpu.memref_squeeze %dma_start3A_491 : memref<1x128xi32, #tpu.memory_space<vmem>> -> memref<128xi32, #tpu.memory_space<vmem>>
      %dma_start3A_493 = arith.constant 0 : i32
      %dma_start3A_494 = arith.constant 0 : i32
      %dma_start3A_495 = tpu.memref_slice %arg17[%dma_start3A_493, %dma_start3A_494] : memref<10016x64xf32, #tpu.memory_space<vmem_shared>> -> memref<10016x64xf32, #tpu.memory_space<vmem_shared>>
      tpu.enqueue_indirect_dma source(%dma_start3A_489 : memref<128x64xf32, #tpu.memory_space<vmem>>) target(%dma_start3A_495 : memref<10016x64xf32, #tpu.memory_space<vmem_shared>>) offsets(%dma_start3A_492 : memref<128xi32, #tpu.memory_space<vmem>>) semaphore(%arg24 : memref<!tpu.dma_semaphore, #tpu.memory_space<semaphore_mem>>) {add = true}
    }
    %scan3A_41 = arith.constant 20 : i32
    %dma_wait3A_42 = arith.constant 0 : i32
    %dma_wait3A_43 = arith.constant 0 : i32
    %dma_wait3A_44 = tpu.memref_slice %arg15[%dma_wait3A_42, %dma_wait3A_43] : memref<256x64xf32, #tpu.memory_space<vmem>> -> memref<128x64xf32, #tpu.memory_space<vmem>>
    %dma_wait3A_45 = arith.constant 0 : i32
    %dma_wait3A_46 = arith.constant 0 : i32
    %dma_wait3A_47 = tpu.memref_slice %arg17[%dma_wait3A_45, %dma_wait3A_46] : memref<10016x64xf32, #tpu.memory_space<vmem_shared>> -> memref<128x64xf32, #tpu.memory_space<vmem_shared>>
    %dma_wait3A_48 = arith.constant 0 : i32
    %dma_wait3A_49 = arith.constant 0 : i32
    %dma_wait3A_50 = tpu.memref_slice %arg17[%dma_wait3A_48, %dma_wait3A_49] : memref<10016x64xf32, #tpu.memory_space<vmem_shared>> -> memref<128x64xf32, #tpu.memory_space<vmem_shared>>
    %dma_wait3A_51 = arith.constant 0 : i32
    %dma_wait3A_52 = arith.constant 0 : i32
    %dma_wait3A_53 = tpu.memref_slice %arg15[%dma_wait3A_51, %dma_wait3A_52] : memref<256x64xf32, #tpu.memory_space<vmem>> -> memref<128x64xf32, #tpu.memory_space<vmem>>
    tpu.wait_dma2 semaphore(%arg23 : memref<!tpu.dma_semaphore, #tpu.memory_space<semaphore_mem>>) src(%dma_wait3A_53 : memref<128x64xf32, #tpu.memory_space<vmem>>) dst(%dma_wait3A_50 : memref<128x64xf32, #tpu.memory_space<vmem_shared>>)
    %dma_wait3A_54 = arith.constant 128 : i32
    %dma_wait3A_55 = arith.constant 0 : i32
    %dma_wait3A_56 = tpu.memref_slice %arg15[%dma_wait3A_54, %dma_wait3A_55] : memref<256x64xf32, #tpu.memory_space<vmem>> -> memref<128x64xf32, #tpu.memory_space<vmem>>
    %dma_wait3A_57 = arith.constant 0 : i32
    %dma_wait3A_58 = arith.constant 0 : i32
    %dma_wait3A_59 = tpu.memref_slice %arg17[%dma_wait3A_57, %dma_wait3A_58] : memref<10016x64xf32, #tpu.memory_space<vmem_shared>> -> memref<128x64xf32, #tpu.memory_space<vmem_shared>>
    %dma_wait3A_60 = arith.constant 0 : i32
    %dma_wait3A_61 = arith.constant 0 : i32
    %dma_wait3A_62 = tpu.memref_slice %arg17[%dma_wait3A_60, %dma_wait3A_61] : memref<10016x64xf32, #tpu.memory_space<vmem_shared>> -> memref<128x64xf32, #tpu.memory_space<vmem_shared>>
    %dma_wait3A_63 = arith.constant 128 : i32
    %dma_wait3A_64 = arith.constant 0 : i32
    %dma_wait3A_65 = tpu.memref_slice %arg15[%dma_wait3A_63, %dma_wait3A_64] : memref<256x64xf32, #tpu.memory_space<vmem>> -> memref<128x64xf32, #tpu.memory_space<vmem>>
    tpu.wait_dma2 semaphore(%arg23 : memref<!tpu.dma_semaphore, #tpu.memory_space<semaphore_mem>>) src(%dma_wait3A_65 : memref<128x64xf32, #tpu.memory_space<vmem>>) dst(%dma_wait3A_62 : memref<128x64xf32, #tpu.memory_space<vmem_shared>>)
    %dma_wait3A_66 = arith.constant 0 : i32
    %dma_wait3A_67 = arith.constant 0 : i32
    %dma_wait3A_68 = tpu.memref_slice %arg16[%dma_wait3A_66, %dma_wait3A_67] : memref<256x64xf32, #tpu.memory_space<vmem>> -> memref<128x64xf32, #tpu.memory_space<vmem>>
    %dma_wait3A_69 = arith.constant 0 : i32
    %dma_wait3A_70 = arith.constant 0 : i32
    %dma_wait3A_71 = tpu.memref_slice %arg17[%dma_wait3A_69, %dma_wait3A_70] : memref<10016x64xf32, #tpu.memory_space<vmem_shared>> -> memref<128x64xf32, #tpu.memory_space<vmem_shared>>
    %dma_wait3A_72 = arith.constant 0 : i32
    %dma_wait3A_73 = arith.constant 0 : i32
    %dma_wait3A_74 = tpu.memref_slice %arg17[%dma_wait3A_72, %dma_wait3A_73] : memref<10016x64xf32, #tpu.memory_space<vmem_shared>> -> memref<128x64xf32, #tpu.memory_space<vmem_shared>>
    %dma_wait3A_75 = arith.constant 0 : i32
    %dma_wait3A_76 = arith.constant 0 : i32
    %dma_wait3A_77 = tpu.memref_slice %arg16[%dma_wait3A_75, %dma_wait3A_76] : memref<256x64xf32, #tpu.memory_space<vmem>> -> memref<128x64xf32, #tpu.memory_space<vmem>>
    tpu.wait_dma2 semaphore(%arg24 : memref<!tpu.dma_semaphore, #tpu.memory_space<semaphore_mem>>) src(%dma_wait3A_77 : memref<128x64xf32, #tpu.memory_space<vmem>>) dst(%dma_wait3A_74 : memref<128x64xf32, #tpu.memory_space<vmem_shared>>)
    %dma_wait3A_78 = arith.constant 128 : i32
    %dma_wait3A_79 = arith.constant 0 : i32
    %dma_wait3A_80 = tpu.memref_slice %arg16[%dma_wait3A_78, %dma_wait3A_79] : memref<256x64xf32, #tpu.memory_space<vmem>> -> memref<128x64xf32, #tpu.memory_space<vmem>>
    %dma_wait3A_81 = arith.constant 0 : i32
    %dma_wait3A_82 = arith.constant 0 : i32
    %dma_wait3A_83 = tpu.memref_slice %arg17[%dma_wait3A_81, %dma_wait3A_82] : memref<10016x64xf32, #tpu.memory_space<vmem_shared>> -> memref<128x64xf32, #tpu.memory_space<vmem_shared>>
    %dma_wait3A_84 = arith.constant 0 : i32
    %dma_wait3A_85 = arith.constant 0 : i32
    %dma_wait3A_86 = tpu.memref_slice %arg17[%dma_wait3A_84, %dma_wait3A_85] : memref<10016x64xf32, #tpu.memory_space<vmem_shared>> -> memref<128x64xf32, #tpu.memory_space<vmem_shared>>
    %dma_wait3A_87 = arith.constant 128 : i32
    %dma_wait3A_88 = arith.constant 0 : i32
    %dma_wait3A_89 = tpu.memref_slice %arg16[%dma_wait3A_87, %dma_wait3A_88] : memref<256x64xf32, #tpu.memory_space<vmem>> -> memref<128x64xf32, #tpu.memory_space<vmem>>
    tpu.wait_dma2 semaphore(%arg24 : memref<!tpu.dma_semaphore, #tpu.memory_space<semaphore_mem>>) src(%dma_wait3A_89 : memref<128x64xf32, #tpu.memory_space<vmem>>) dst(%dma_wait3A_86 : memref<128x64xf32, #tpu.memory_space<vmem_shared>>)
    %barrier3A_90 = arith.constant 0 : index
    tpu.barrier barrier_id(%barrier3A_90)
    "tpu.region"() ({
      %run_scoped3A = tpu.sem_alloc : memref<!tpu.dma_semaphore, #tpu.memory_space<semaphore_mem>>
      %dma_start3A_91 = arith.constant 0 : i32
      %dma_start3A_92 = arith.constant 0 : i32
      %dma_start3A_93 = tpu.memref_slice %arg6[%arg0, %dma_start3A_91, %dma_start3A_92] : memref<2x10016x64xf32, #tpu.memory_space<hbm>> -> memref<1x10016x64xf32, #tpu.memory_space<hbm>>
      %dma_start3A_94 = tpu.memref_squeeze %dma_start3A_93 : memref<1x10016x64xf32, #tpu.memory_space<hbm>> -> memref<10016x64xf32, #tpu.memory_space<hbm>>
      %dma_start3A_95 = arith.constant 0 : i32
      %dma_start3A_96 = tpu.memref_slice %dma_start3A_94[%mul3A_0, %dma_start3A_95] : memref<10016x64xf32, #tpu.memory_space<hbm>> -> memref<626x64xf32, #tpu.memory_space<hbm>>
      %dma_start3A_97 = arith.constant 0 : i32
      %dma_start3A_98 = tpu.memref_slice %arg17[%mul3A_0, %dma_start3A_97] : memref<10016x64xf32, #tpu.memory_space<vmem_shared>> -> memref<626x64xf32, #tpu.memory_space<vmem_shared>>
      tpu.enqueue_dma source(%dma_start3A_98 : memref<626x64xf32, #tpu.memory_space<vmem_shared>>) target(%dma_start3A_96 : memref<626x64xf32, #tpu.memory_space<hbm>>) target_semaphore(%run_scoped3A : memref<!tpu.dma_semaphore, #tpu.memory_space<semaphore_mem>>)
      %dma_wait3A_99 = arith.constant 0 : i32
      %dma_wait3A_100 = arith.constant 0 : i32
      %dma_wait3A_101 = tpu.memref_slice %arg6[%arg0, %dma_wait3A_99, %dma_wait3A_100] : memref<2x10016x64xf32, #tpu.memory_space<hbm>> -> memref<1x10016x64xf32, #tpu.memory_space<hbm>>
      %dma_wait3A_102 = tpu.memref_squeeze %dma_wait3A_101 : memref<1x10016x64xf32, #tpu.memory_space<hbm>> -> memref<10016x64xf32, #tpu.memory_space<hbm>>
      %dma_wait3A_103 = arith.constant 0 : i32
      %dma_wait3A_104 = tpu.memref_slice %dma_wait3A_102[%mul3A_0, %dma_wait3A_103] : memref<10016x64xf32, #tpu.memory_space<hbm>> -> memref<626x64xf32, #tpu.memory_space<hbm>>
      %dma_wait3A_105 = arith.constant 0 : i32
      %dma_wait3A_106 = tpu.memref_slice %arg17[%mul3A_0, %dma_wait3A_105] : memref<10016x64xf32, #tpu.memory_space<vmem_shared>> -> memref<626x64xf32, #tpu.memory_space<vmem_shared>>
      tpu.wait_dma2 semaphore(%run_scoped3A : memref<!tpu.dma_semaphore, #tpu.memory_space<semaphore_mem>>) src(%dma_wait3A_106 : memref<626x64xf32, #tpu.memory_space<vmem_shared>>) dst(%dma_wait3A_104 : memref<626x64xf32, #tpu.memory_space<hbm>>)
      tpu.yield
    }) : () -> ()
    return
  }
}

module attributes {stable_mosaic.version = 14 : i64} {
  func.func @_pre_body(%arg0: memref<10016x128xf32, #tpu.memory_space<vmem>>, %arg1: memref<128x64xf32, #tpu.memory_space<vmem>>, %arg2: memref<128x64xf32, #tpu.memory_space<vmem>>, %arg3: memref<1x8xf32, #tpu.memory_space<vmem>>, %arg4: memref<10016x72xf32, #tpu.memory_space<vmem>>, %arg5: memref<10016x64xf32, #tpu.memory_space<vmem>>) attributes {dimension_semantics = [], scalar_prefetch = 0 : i64, scratch_operands = 0 : i64, tpu.core_type = #tpu.core_type<tc>} {
    %get3A = arith.constant 0 : index
    %get3A_0 = arith.constant 0 : index
    %get3A_1 = vector.load %arg0[%get3A, %get3A_0] : memref<10016x128xf32, #tpu.memory_space<vmem>>, vector<10016x128xf32>
    %get3A_2 = arith.constant 0 : index
    %get3A_3 = arith.constant 0 : index
    %get3A_4 = vector.load %arg1[%get3A_2, %get3A_3] : memref<128x64xf32, #tpu.memory_space<vmem>>, vector<128x64xf32>
    %dot_general3A = arith.constant dense<0.000000e+00> : vector<10016x64xf32>
    %dot_general3A_5 = tpu.matmul %get3A_1, %get3A_4, %dot_general3A {dimension_numbers = #tpu.dot_dimension_numbers<[1], [0], [0], [1], [0, 0, 1, 1], [], []>, transpose_lhs_hint = false} : vector<10016x128xf32>, vector<128x64xf32>, vector<10016x64xf32> -> vector<10016x64xf32>
    %get3A_6 = arith.constant 0 : index
    %get3A_7 = arith.constant 0 : index
    %get3A_8 = vector.load %arg3[%get3A_6, %get3A_7] : memref<1x8xf32, #tpu.memory_space<vmem>>, vector<1x8xf32>
    %broadcast_in_dim3A = vector.shape_cast %get3A_8 : vector<1x8xf32> to vector<1x8xf32>
    %broadcast_in_dim3A_9 = vector.broadcast %broadcast_in_dim3A : vector<1x8xf32> to vector<10016x8xf32>
    %concatenate3A = tpu.concatenate %dot_general3A_5, %broadcast_in_dim3A_9 in 1 : vector<10016x64xf32>, vector<10016x8xf32> -> vector<10016x72xf32>
    %swap3A = arith.constant 0 : index
    %swap3A_10 = arith.constant 0 : index
    %swap3A_11 = vector.load %arg4[%swap3A, %swap3A_10] : memref<10016x72xf32, #tpu.memory_space<vmem>>, vector<10016x72xf32>
    tpu.vector_store %arg4[%swap3A, %swap3A_10], %concatenate3A {strides = array<i32>} : memref<10016x72xf32, #tpu.memory_space<vmem>>, vector<10016x72xf32>,
    %get3A_12 = arith.constant 0 : index
    %get3A_13 = arith.constant 0 : index
    %get3A_14 = vector.load %arg2[%get3A_12, %get3A_13] : memref<128x64xf32, #tpu.memory_space<vmem>>, vector<128x64xf32>
    %dot_general3A_15 = arith.constant dense<0.000000e+00> : vector<10016x64xf32>
    %dot_general3A_16 = tpu.matmul %get3A_1, %get3A_14, %dot_general3A_15 {dimension_numbers = #tpu.dot_dimension_numbers<[1], [0], [0], [1], [0, 0, 1, 1], [], []>, transpose_lhs_hint = false} : vector<10016x128xf32>, vector<128x64xf32>, vector<10016x64xf32> -> vector<10016x64xf32>
    %swap3A_17 = arith.constant 0 : index
    %swap3A_18 = arith.constant 0 : index
    %swap3A_19 = vector.load %arg5[%swap3A_17, %swap3A_18] : memref<10016x64xf32, #tpu.memory_space<vmem>>, vector<10016x64xf32>
    tpu.vector_store %arg5[%swap3A_17, %swap3A_18], %dot_general3A_16 {strides = array<i32>} : memref<10016x64xf32, #tpu.memory_space<vmem>>, vector<10016x64xf32>,
    return
  }
}

module attributes {stable_mosaic.version = 14 : i64} {
  func.func @_mid_body(%arg0: memref<2x10016x72xf32, #tpu.memory_space<vmem>>, %arg1: memref<10016x64xf32, #tpu.memory_space<vmem>>, %arg2: memref<1x64xf32, #tpu.memory_space<vmem>>, %arg3: memref<64x64xf32, #tpu.memory_space<vmem>>, %arg4: memref<64x64xf32, #tpu.memory_space<vmem>>, %arg5: memref<10016x64xf32, #tpu.memory_space<vmem>>, %arg6: memref<10016x64xf32, #tpu.memory_space<vmem>>, %arg7: memref<10016x8xf32, #tpu.memory_space<vmem>>) attributes {dimension_semantics = [], scalar_prefetch = 0 : i64, scratch_operands = 0 : i64, tpu.core_type = #tpu.core_type<tc>} {
    %get3A = arith.constant 0 : index
    %get3A_0 = arith.constant 0 : index
    %get3A_1 = arith.constant 0 : index
    %get3A_2 = vector.load %arg0[%get3A, %get3A_0, %get3A_1] : memref<2x10016x72xf32, #tpu.memory_space<vmem>>, vector<1x10016x72xf32>
    %get3A_3 = vector.shape_cast %get3A_2 : vector<1x10016x72xf32> to vector<10016x72xf32>
    %get3A_4 = arith.constant 1 : index
    %get3A_5 = arith.constant 0 : index
    %get3A_6 = arith.constant 0 : index
    %get3A_7 = vector.load %arg0[%get3A_4, %get3A_5, %get3A_6] : memref<2x10016x72xf32, #tpu.memory_space<vmem>>, vector<1x10016x72xf32>
    %get3A_8 = vector.shape_cast %get3A_7 : vector<1x10016x72xf32> to vector<10016x72xf32>
    %add3A = arith.addf %get3A_3, %get3A_8 : vector<10016x72xf32>
    %slice3A = vector.extract_strided_slice %add3A {offsets = [0, 64], sizes = [10016, 1], strides = [1, 1]} : vector<10016x72xf32> to vector<10016x1xf32>
    %slice3A_9 = vector.extract_strided_slice %add3A {offsets = [0, 0], sizes = [10016, 64], strides = [1, 1]} : vector<10016x72xf32> to vector<10016x64xf32>
    %max3A = arith.constant 1.000000e+00 : f32
    %max3A_10 = vector.broadcast %max3A : f32 to vector<10016x1xf32>
    %max3A_11 = arith.maximumf %slice3A, %max3A_10 : vector<10016x1xf32>
    %div3A = vector.broadcast %max3A_11 : vector<10016x1xf32> to vector<10016x64xf32>
    %div3A_12 = arith.divf %slice3A_9, %div3A : vector<10016x64xf32>
    %get3A_13 = arith.constant 0 : index
    %get3A_14 = arith.constant 0 : index
    %get3A_15 = vector.load %arg2[%get3A_13, %get3A_14] : memref<1x64xf32, #tpu.memory_space<vmem>>, vector<1x64xf32>
    %add3A_16 = vector.broadcast %get3A_15 : vector<1x64xf32> to vector<10016x64xf32>
    %add3A_17 = arith.addf %div3A_12, %add3A_16 : vector<10016x64xf32>
    %get3A_18 = arith.constant 0 : index
    %get3A_19 = arith.constant 0 : index
    %get3A_20 = vector.load %arg1[%get3A_18, %get3A_19] : memref<10016x64xf32, #tpu.memory_space<vmem>>, vector<10016x64xf32>
    %add3A_21 = arith.addf %add3A_17, %get3A_20 : vector<10016x64xf32>
    %max3A_22 = arith.constant 0.000000e+00 : f32
    %max3A_23 = vector.broadcast %max3A_22 : f32 to vector<10016x64xf32>
    %max3A_24 = arith.maximumf %add3A_21, %max3A_23 : vector<10016x64xf32>
    %get3A_25 = arith.constant 0 : index
    %get3A_26 = arith.constant 0 : index
    %get3A_27 = vector.load %arg3[%get3A_25, %get3A_26] : memref<64x64xf32, #tpu.memory_space<vmem>>, vector<64x64xf32>
    %dot_general3A = arith.constant dense<0.000000e+00> : vector<10016x64xf32>
    %dot_general3A_28 = tpu.matmul %max3A_24, %get3A_27, %dot_general3A {dimension_numbers = #tpu.dot_dimension_numbers<[1], [0], [0], [1], [0, 0, 1, 1], [], []>, transpose_lhs_hint = false} : vector<10016x64xf32>, vector<64x64xf32>, vector<10016x64xf32> -> vector<10016x64xf32>
    %swap3A = arith.constant 0 : index
    %swap3A_29 = arith.constant 0 : index
    %swap3A_30 = vector.load %arg5[%swap3A, %swap3A_29] : memref<10016x64xf32, #tpu.memory_space<vmem>>, vector<10016x64xf32>
    tpu.vector_store %arg5[%swap3A, %swap3A_29], %dot_general3A_28 {strides = array<i32>} : memref<10016x64xf32, #tpu.memory_space<vmem>>, vector<10016x64xf32>,
    %get3A_31 = arith.constant 0 : index
    %get3A_32 = arith.constant 0 : index
    %get3A_33 = vector.load %arg4[%get3A_31, %get3A_32] : memref<64x64xf32, #tpu.memory_space<vmem>>, vector<64x64xf32>
    %dot_general3A_34 = arith.constant dense<0.000000e+00> : vector<10016x64xf32>
    %dot_general3A_35 = tpu.matmul %max3A_24, %get3A_33, %dot_general3A_34 {dimension_numbers = #tpu.dot_dimension_numbers<[1], [0], [0], [1], [0, 0, 1, 1], [], []>, transpose_lhs_hint = false} : vector<10016x64xf32>, vector<64x64xf32>, vector<10016x64xf32> -> vector<10016x64xf32>
    %swap3A_36 = arith.constant 0 : index
    %swap3A_37 = arith.constant 0 : index
    %swap3A_38 = vector.load %arg6[%swap3A_36, %swap3A_37] : memref<10016x64xf32, #tpu.memory_space<vmem>>, vector<10016x64xf32>
    tpu.vector_store %arg6[%swap3A_36, %swap3A_37], %dot_general3A_35 {strides = array<i32>} : memref<10016x64xf32, #tpu.memory_space<vmem>>, vector<10016x64xf32>,
    %broadcast_in_dim3A = vector.shape_cast %slice3A : vector<10016x1xf32> to vector<10016x1xf32>
    %broadcast_in_dim3A_39 = vector.broadcast %broadcast_in_dim3A : vector<10016x1xf32> to vector<10016x8xf32>
    %swap3A_40 = arith.constant 0 : index
    %swap3A_41 = arith.constant 0 : index
    %swap3A_42 = vector.load %arg7[%swap3A_40, %swap3A_41] : memref<10016x8xf32, #tpu.memory_space<vmem>>, vector<10016x8xf32>
    tpu.vector_store %arg7[%swap3A_40, %swap3A_41], %broadcast_in_dim3A_39 {strides = array<i32>} : memref<10016x8xf32, #tpu.memory_space<vmem>>, vector<10016x8xf32>,
    return
  }
}

module attributes {stable_mosaic.version = 14 : i64} {
  func.func @_fin_body(%arg0: memref<2x10016x64xf32, #tpu.memory_space<vmem>>, %arg1: memref<10016x8xf32, #tpu.memory_space<vmem>>, %arg2: memref<10016x64xf32, #tpu.memory_space<vmem>>, %arg3: memref<1x64xf32, #tpu.memory_space<vmem>>, %arg4: memref<64x128xf32, #tpu.memory_space<vmem>>, %arg5: memref<1x128xf32, #tpu.memory_space<vmem>>, %arg6: memref<10016x128xf32, #tpu.memory_space<vmem>>) attributes {dimension_semantics = [], scalar_prefetch = 0 : i64, scratch_operands = 0 : i64, tpu.core_type = #tpu.core_type<tc>} {
    %get3A = arith.constant 0 : index
    %get3A_0 = arith.constant 0 : index
    %get3A_1 = arith.constant 0 : index
    %get3A_2 = vector.load %arg0[%get3A, %get3A_0, %get3A_1] : memref<2x10016x64xf32, #tpu.memory_space<vmem>>, vector<1x10016x64xf32>
    %get3A_3 = vector.shape_cast %get3A_2 : vector<1x10016x64xf32> to vector<10016x64xf32>
    %get3A_4 = arith.constant 1 : index
    %get3A_5 = arith.constant 0 : index
    %get3A_6 = arith.constant 0 : index
    %get3A_7 = vector.load %arg0[%get3A_4, %get3A_5, %get3A_6] : memref<2x10016x64xf32, #tpu.memory_space<vmem>>, vector<1x10016x64xf32>
    %get3A_8 = vector.shape_cast %get3A_7 : vector<1x10016x64xf32> to vector<10016x64xf32>
    %add3A = arith.addf %get3A_3, %get3A_8 : vector<10016x64xf32>
    %get3A_9 = arith.constant 0 : index
    %get3A_10 = arith.constant 0 : index
    %get3A_11 = vector.load %arg1[%get3A_9, %get3A_10] : memref<10016x8xf32, #tpu.memory_space<vmem>>, vector<10016x1xf32>
    %max3A = arith.constant 1.000000e+00 : f32
    %max3A_12 = vector.broadcast %max3A : f32 to vector<10016x1xf32>
    %max3A_13 = arith.maximumf %get3A_11, %max3A_12 : vector<10016x1xf32>
    %div3A = vector.broadcast %max3A_13 : vector<10016x1xf32> to vector<10016x64xf32>
    %div3A_14 = arith.divf %add3A, %div3A : vector<10016x64xf32>
    %get3A_15 = arith.constant 0 : index
    %get3A_16 = arith.constant 0 : index
    %get3A_17 = vector.load %arg3[%get3A_15, %get3A_16] : memref<1x64xf32, #tpu.memory_space<vmem>>, vector<1x64xf32>
    %add3A_18 = vector.broadcast %get3A_17 : vector<1x64xf32> to vector<10016x64xf32>
    %add3A_19 = arith.addf %div3A_14, %add3A_18 : vector<10016x64xf32>
    %get3A_20 = arith.constant 0 : index
    %get3A_21 = arith.constant 0 : index
    %get3A_22 = vector.load %arg2[%get3A_20, %get3A_21] : memref<10016x64xf32, #tpu.memory_space<vmem>>, vector<10016x64xf32>
    %add3A_23 = arith.addf %add3A_19, %get3A_22 : vector<10016x64xf32>
    %max3A_24 = arith.constant 0.000000e+00 : f32
    %max3A_25 = vector.broadcast %max3A_24 : f32 to vector<10016x64xf32>
    %max3A_26 = arith.maximumf %add3A_23, %max3A_25 : vector<10016x64xf32>
    %get3A_27 = arith.constant 0 : index
    %get3A_28 = arith.constant 0 : index
    %get3A_29 = vector.load %arg4[%get3A_27, %get3A_28] : memref<64x128xf32, #tpu.memory_space<vmem>>, vector<64x128xf32>
    %dot_general3A = arith.constant dense<0.000000e+00> : vector<10016x128xf32>
    %dot_general3A_30 = tpu.matmul %max3A_26, %get3A_29, %dot_general3A {dimension_numbers = #tpu.dot_dimension_numbers<[1], [0], [0], [1], [0, 0, 1, 1], [], []>, transpose_lhs_hint = false} : vector<10016x64xf32>, vector<64x128xf32>, vector<10016x128xf32> -> vector<10016x128xf32>
    %get3A_31 = arith.constant 0 : index
    %get3A_32 = arith.constant 0 : index
    %get3A_33 = vector.load %arg5[%get3A_31, %get3A_32] : memref<1x128xf32, #tpu.memory_space<vmem>>, vector<1x128xf32>
    %add3A_34 = vector.broadcast %get3A_33 : vector<1x128xf32> to vector<10016x128xf32>
    %add3A_35 = arith.addf %dot_general3A_30, %add3A_34 : vector<10016x128xf32>
    %swap3A = arith.constant 0 : index
    %swap3A_36 = arith.constant 0 : index
    %swap3A_37 = vector.load %arg6[%swap3A, %swap3A_36] : memref<10016x128xf32, #tpu.memory_space<vmem>>, vector<10016x128xf32>
    tpu.vector_store %arg6[%swap3A, %swap3A_36], %add3A_35 {strides = array<i32>} : memref<10016x128xf32, #tpu.memory_space<vmem>>, vector<10016x128xf32>,
    return
  }
}

</mosaic_0001>

<sc_bundles>
// kernel: kernel.10.cloned.1.call-start
scs
__scs_entry_jumppad:
0x0: {  	(pc) =	sbr.rel $0x88, $3  }
0x1: {  	(tag) =	ssettag $0x0;
	lr =	simm.s32 $0x1  }
0x2: {  	[smem:$0x3F97] =	sst lr;
	_ =	strace $0xD0000000  }
0x3: {  	_ = 	snop  }
0x4: {  	_ = 	snop  }
0x5: {  	_ = 	snop  }
0x6: {  	_ = 	snop  }
0x7: {  	_ = 	snop  }
__scs_overlays_trampoline_lowered:
0x8: {  	[smem:$0x3FA6] =	sst s0  }
0x9: {  	[smem:$0x3FA7] =	sst s1  }
0xa: {  	[smem:$0x3FA8] =	sst s2  }
0xb: {  	[smem:$0x3FA9] =	sst s3  }
0xc: {  	[smem:$0x3FAA] =	sst s4  }
0xd: {  	[smem:$0x3FAB] =	sst s5  }
0xe: {  	[smem:$0x3FAC] =	sst s6  }
0xf: {  	[smem:$0x3FAD] =	sst s7  }
0x10: {  	[smem:$0x3FAE] =	sst s8  }
0x11: {  	[smem:$0x3FAF] =	sst s9;
	s0 =	simm.s32 @!p0 $0x0  }
0x12: {  	s1 =	sld [smem:$0x3F95];
	s0 =	simm.s32 @p0 $0x1  }
0x13: {  	[smem:$0x3FB0] =	sst s0;
	s0 =	simm.s32 @!p1 $0x0  }
0x14: {  	s2 =	sld [smem:$0x3F94];
	s0 =	simm.s32 @p1 $0x1  }
0x15: {  	[smem:$0x3FB1] =	sst s0;
	s0 =	simm.s32 @!p2 $0x0  }
0x16: {  	s3 =	sld [smem:$0x3FDB];
	s0 =	simm.s32 @p2 $0x1  }
0x17: {  	s4 =	simm.s32 $0x1BF5;
	[smem:$0x3FB3] =	sst s0  }
0x18: {  	s0 =	sld [smem:$0x3F96];
	_ =	swait.ge [sflag:s4], $0x0  }
0x19: {  	s7 =	sld [smem:$0x3F97]  }
0x1a: {  	s8 =	sadd.s32 $0xFFFFE003, lr  }
0x1b: {  	s9 =	sadd.s32 $0xFFFFFEF7, lr;
	s5 =	simm.s32 $0xFFFFFFFF;
	p2 =	slt.u32 s8, $0xFFFFF086  }
0x1c: {  	p1 =	slt.u32 s9, $0xF7A;
	s5 =	simm.s32 @!p2 $0x0  }
0x1d: {  	s5 =	simm.s32 @p1 $0x1;
	p0 =	seq.s32 s7, s2  }
0x1e: {  	s7 =	smul.u32 @!p0 $0xF7A, s2;
	p2 =	seq.s32 @!p0 s5, $0x0  }
0x1f: {  	s9 =	smul.u32 $0xF7A, s1;
	s8 =	simm.s32 @!p0 $0x1BF5;
	p2 =	por !p2, p0  }
0x20: {  	[sflag:s8] =	ssyncset.s32 @!p0 $0xFFFFF086;
	s6 =	sadd.s32 @!p0 s3, s7;
	s7 =	simm.s32 @!p0 $0x108  }
0x21: {  	s3 =	sadd.s32 s3, s9;
	s6 =	sadd.s32 @!p0 $0x88, s6;
	s7 =	simm.s32 @p2 $0x1082  }
0x22: {  	[simem:s7], [sflag:s8] =	dma.local @!p0 [hbm:s6], $0xF7A  }
0x23: {  	s9 =	sor.u32 $0xD0000000, s2;
	s6 =	simm.s32 $0x108;
	_ =	swait.ge @!p0 [sflag:s8], $0x0  }
0x24: {  	s3 =	sadd.s32 $0x88, s3;
	s6 =	simm.s32 @!p1 $0x1082;
	[sflag:s4] =	ssyncset.s32 $0xFFFFF086  }
0x25: {  	[simem:s6], [sflag:s4] =	dma.local [hbm:s3], $0xF7A  }
0x26: {  	[smem:$0x3F97] =	sst s1;
	(tag) =	ssettag s2;
	_ =	strace s9  }
0x27: {  	s1 =	sld [smem:$0x3FA7]  }
0x28: {  	s2 =	sld [smem:$0x3FA8]  }
0x29: {  	s4 =	sld [smem:$0x3FAA]  }
0x2a: {  	p0 =	seq.s32 s5, $0x0;
	s5 =	sld [smem:$0x3FAB]  }
0x2b: {  	s6 =	sld [smem:$0x3FAC]  }
0x2c: {  	s7 =	sld [smem:$0x3FAD]  }
0x2d: {  	s3 =	simm.s32 $0x108;
	s8 =	sld [smem:$0x3FAE]  }
0x2e: {  	s3 =	simm.s32 @!p0 $0x1082;
	s9 =	sld [smem:$0x3FAF]  }
0x2f: {  	lr =	sadd.s32 s0, s3;
	s0 =	sld [smem:$0x3FA6]  }
0x30: {  	s3 =	sld [smem:$0x3FA9]  }
0x31: {  	[smem:$0x3FB2] =	sst s10  }
0x32: {  	s10 =	sld [smem:$0x3FB0];
	_ =	sdelay $0x3  }
0x33: {  	p0 =	seq.s32 s10, $0x1;
	s10 =	sld [smem:$0x3FB2];
	_ =	sdelay $0x3  }
0x34: {  	[smem:$0x3FB2] =	sst s10  }
0x35: {  	s10 =	sld [smem:$0x3FB1];
	_ =	sdelay $0x3  }
0x36: {  	p1 =	seq.s32 s10, $0x1;
	s10 =	sld [smem:$0x3FB2];
	_ =	sdelay $0x3  }
0x37: {  	[smem:$0x3FB2] =	sst s10  }
0x38: {  	s10 =	sld [smem:$0x3FB3]  }
0x39: {  	_ = 	snop;
	(pc) =	sbr.ind lr, $3  }
0x3a: {  	_ = 	snop  }
0x3b: {  	_ = 	snop  }
0x3c: {  	p2 =	seq.s32 s10, $0x1;
	s10 =	sld [smem:$0x3FB2]  }
0x3d: {  	_ =	shalt  }
0x3e: {  	_ =	shalt  }
0x3f: {  	_ =	shalt  }
0x40: {  	_ =	shalt  }
0x41: {  	_ =	shalt  }
0x42: {  	_ =	shalt  }
0x43: {  	_ =	shalt  }
0x44: {  	_ =	shalt  }
0x45: {  	_ =	shalt  }
0x46: {  	_ =	shalt  }
0x47: {  	_ =	shalt  }
0x48: {  	_ =	shalt  }
0x49: {  	_ =	shalt  }
0x4a: {  	_ =	shalt  }
0x4b: {  	_ =	shalt  }
0x4c: {  	_ =	shalt  }
0x4d: {  	_ =	shalt  }
0x4e: {  	_ =	shalt  }
0x4f: {  	_ =	shalt  }
0x50: {  	_ =	shalt  }
0x51: {  	_ =	shalt  }
0x52: {  	_ =	shalt  }
0x53: {  	_ =	shalt  }
0x54: {  	_ =	shalt  }
0x55: {  	_ =	shalt  }
0x56: {  	_ =	shalt  }
0x57: {  	_ =	shalt  }
0x58: {  	_ =	shalt  }
0x59: {  	_ =	shalt  }
0x5a: {  	_ =	shalt  }
0x5b: {  	_ =	shalt  }
0x5c: {  	_ =	shalt  }
0x5d: {  	_ =	shalt  }
0x5e: {  	_ =	shalt  }
0x5f: {  	_ =	shalt  }
0x60: {  	_ =	shalt  }
0x61: {  	_ =	shalt  }
0x62: {  	_ =	shalt  }
0x63: {  	_ =	shalt  }
0x64: {  	_ =	shalt  }
0x65: {  	_ =	shalt  }
0x66: {  	_ =	shalt  }
0x67: {  	_ =	shalt  }
0x68: {  	_ =	shalt  }
0x69: {  	_ =	shalt  }
0x6a: {  	_ =	shalt  }
0x6b: {  	_ =	shalt  }
0x6c: {  	_ =	shalt  }
0x6d: {  	_ =	shalt  }
0x6e: {  	_ =	shalt  }
0x6f: {  	_ =	shalt  }
0x70: {  	_ =	shalt  }
0x71: {  	_ =	shalt  }
0x72: {  	_ =	shalt  }
0x73: {  	_ =	shalt  }
0x74: {  	_ =	shalt  }
0x75: {  	_ =	shalt  }
0x76: {  	_ =	shalt  }
0x77: {  	_ =	shalt  }
0x78: {  	_ =	shalt  }
0x79: {  	_ =	shalt  }
0x7a: {  	_ =	shalt  }
0x7b: {  	_ =	shalt  }
0x7c: {  	_ =	shalt  }
0x7d: {  	_ =	shalt  }
0x7e: {  	_ =	shalt  }
0x7f: {  	_ =	shalt  }
0x80: {  	_ =	shalt  }
0x81: {  	_ =	shalt  }
0x82: {  	_ =	shalt  }
0x83: {  	_ =	shalt  }
0x84: {  	_ =	shalt  }
0x85: {  	_ =	shalt  }
0x86: {  	_ =	shalt  }
0x87: {  	_ =	shalt  }
.Lfunc_end0:
.L_simem_size_0:
called_computation.1_lowered:
.L_overlay_start_0:
0x88: {  	s2 =	sld [smem:$0x3FD9]  }
0x89: {  	s3 =	sld [smem:$0x3FFE];
	_ =	sdelay $0x1  }
0x8a: {  	s1 =	srdreg.scid  }
0x8b: {  	s0 =	sand.u32 $0x1, s1  }
0x8c: {  	s16 =	sshll.u32 s0, $0xA;
	s2 =	sadd.s32 s3, s2  }
0x8d: {  	s2 =	sadd.s32 s2, s16  }
0x8e: {  	[smem:$0x3FBE] =	sst s2  }
0x8f: {  	_ = 	snop  }
0x90: {  	(tm) =	ssettm $0x1  }
0x91: {  	s17 =	sld [smem:$0x3FFB];
	_ =	sdelay $0x3  }
0x92: {  	_ =	strace s17  }
0x93: {  	s2 =	sld [smem:$0x3FFC];
	_ =	sdelay $0x3  }
0x94: {  	_ =	strace s2  }
0x95: {  	s2 =	sld [smem:$0x3FFD];
	_ =	sdelay $0x3  }
0x96: {  	_ =	strace s2  }
0x97: {  	_ =	strace $0x8FFFFFFF  }
0x98: {  	s18 =	sld [smem:$0x3FDB];
	_ =	sdelay $0x1  }
0x99: {  	s19 =	simm.s32 $_scs_section_size  }
0x9a: {  	s4 =	simm.s32 $_size__tile_overlayer_lowered;
	s5 =	simm.s32 $_tile_overlayer_lowered  }
0x9b: {  	s22 =	simm.s32 $0x1BFF;
	s21 =	sshll.u32 s5, $0x1;
	s2 =	sadd.s32 s19, s18  }
0x9c: {  	s6 =	simm.s32 $0x0;
	s20 =	sshll.u32 s4, $0x1;
	s4 =	sadd.s32 s21, s2  }
0x9d: {  	[timem:s6], [sflag:s22] =	dma.local [hbm:s4], s20  }
0x9e: {  	_ =	swait.ge [sflag:s22], s20  }
0x9f: {  	s3 =	ssub.s32 $0x0, s20;
	[sflag:s22] =	ssyncset.done $0x0  }
0xa0: {  	[sflag:s22] =	ssyncadd.s32 s3;
	_ =	sdelay $0x1  }
0xa1: {  	s23 =	simm.s32 $0x1B8B  }
0xa2: {  	_ =	swait.ge [sflag:s23], $0x1  }
0xa3: {  	[sflag:s23] =	ssyncset.done $0x0  }
0xa4: {  	s25 =	simm.s32 $0x1B8E;
	s24 =	sld [smem:$0x3FFE];
	[sflag:s23] =	ssyncadd.s32 $0xFFFFFFFF  }
0xa5: {  	s26 =	simm.s32 $execute0_lowered;
	[smem:$0x3FD2] =	sst s25  }
0xa6: {  	s4 =	sshll.u32 s26, $0x1;
	_ =	strace $0x80000049;
	[dreg:$0x1] =	wrdreg $0xFFFFFFFF  }
0xa7: {  	s28 =	simm.s32 $_size_execute0_lowered;
	s2 =	sadd.s32 s2, s4;
	[dreg:$0x0] =	wrdreg $0x0  }
0xa8: {  	s4 =	sshll.u32 s28, $0x1;
	[dreg:$0x2] =	wrdreg s2  }
0xa9: {  	[dreg:$0x3] =	wrdreg s4  }
0xaa: {  	[dreg:$0x4] =	wrdreg $0xC0  }
0xab: {  	_ =	task [dreg:s6], $0x5FFFF  }
0xac: {  	[dreg:$0x1] =	wrdreg $0xFFFFFFFF  }
0xad: {  	[dreg:$0x0] =	wrdreg $0x60  }
0xae: {  	[dreg:$0x2] =	wrdreg s24  }
0xaf: {  	[dreg:$0x3] =	wrdreg $0x124800  }
0xb0: {  	[dreg:$0x4] =	wrdreg $0x88000  }
0xb1: {  	[dreg:$0x5] =	wrdreg $0x9  }
0xb2: {  	_ =	task.clear_ibuf [dreg:s6], $0x6FFFF;
	_ =	strace $0x90000049  }
0xb3: {  	s29 =	simm.s32 $0x9;
	_ =	strace $0x8000004B  }
0xb4: {  	_ =	swait.ge [sflag:s29], $0x1  }
0xb5: {  	[sflag:s29] =	ssyncadd.s32 $0xFFFFFFFF  }
0xb6: {  	_ =	strace $0x9000004B  }
0xb7: {  	_ =	sfence  }
0xb8: {  	s30 =	sld [smem:$0x0];
	_ =	sdelay $0x2  }
0xb9: {  	s31 =	sshll.u32 s1, $0xD;
	s1 =	sshrl.u32 s1, $0x2  }
0xba: {  	s3 =	sand.u32 $0x4000, s31;
	s1 =	sadd.s32 s1, s30  }
0xbb: {  	s0 =	sor.u32 s3, s0;
	s1 =	sshll.u32 s1, $0x11  }
0xbc: {  	s0 =	sor.u32 s1, s0  }
0xbd: {  	s0 =	sadd.s32 $0x8F2B, s0  }
0xbe: {  	[sflag:s0] =	ssyncadd.remote.s32 $0x1  }
0xbf: {  	_ =	sfence.sel $0xFFFF  }
0xc0: {  	[dreg:$0x0] =	wrdreg $0xFFFFFFFF;
	(pc) =	sbr.abs _section_cstart, $3  }
0xc1: {  	[dreg:$0x1] =	wrdreg $0xFFFFFFFF  }
0xc2: {  	_ =	task.clear_ibuf [dreg:s6], $0x2FFFF;
	_ =	strace $0x9FFFFFFF  }
0xc3: {  	(tm) =	ssettm $0x7FFFFFFF  }
tec
execute0_lowered:
.L_overlay_start_1:
0x0: {  	(tag) =	ssettag $0x1  }
0x1: {  	s2 =	rddreg [dreg:$0x0]  }
0x2: {  	s1 =	rddreg [dreg:$0x1]  }
0x3: {  	s3 =	rddreg [dreg:$0x2]  }
0x4: {  	s4 =	simm.s32 $0x0;
	s14 =	stileid.u32;
	s0 =	srdreg.scid  }
0x5: {  	[smem:$0x7FF] =	sst s4;
	s5 =	smul.u32 $0x9C80, s14  }
0x6: {  	s6 =	sadd.s32 $0x16800, s2;
	s7 =	sand.u32 $0x1, s0;
	s25 =	smul.u32 $0xA0, s14  }
0x7: {  	s8 =	sadd.s32 $0x2800, s2;
	s26 =	sshll.u32 s14, $0x6;
	s9 =	smul.u32 $0x13900, s7  }
0x8: {  	_ =	strace $0x8000004A;
	s10 =	ssub.s32 $0x2, s7;
	s13 =	smul.u32 $0xA00, s7  }
0x9: {  	s7 =	sshll.u32 s7, $0x4;
	[dreg:$0x14] =	wrdreg s26;
	s0 =	sshrl.u32 s5, $0x3  }
0xa: {  	s12 =	sshrl.u32 s10, $0x1;
	s11 =	sadd.s32 s0, s2;
	s2 =	sadd.s32 s9, s2  }
0xb: {  	s9 =	ssub.s32 s10, s12;
	s12 =	sadd.s32 s5, s1;
	s5 =	sadd.s32 s5, s3  }
0xc: {  	s14 =	sor.u32 s14, s7;
	s15 =	sadd.s32 $0x2A800, s11;
	[dreg:$0x16] =	wrdreg s5  }
0xd: {  	s16 =	smul.u32 $0xA00, s14;
	s17 =	sadd.s32 $0x3E200, s11;
	[dreg:$0x13] =	wrdreg s15  }
0xe: {  	s10 =	sadd.s32 s25, s13;
	s15 =	sor.u32 $0x1C07, s26;
	[dreg:$0x17] =	wrdreg s17  }
0xf: {  	s10 =	sshll.u32 s10, $0x4;
	s19 =	sadd.s32 s6, s16;
	[dreg:$0x15] =	wrdreg s15  }
0x10: {  	s2 =	sadd.s32 $0x51C00, s2;
	s20 =	sadd.s32 s8, s16;
	[dreg:$0x18] =	wrdreg s19  }
0x11: {  	s18 =	sor.u32 $0xA0, s10;
	s0 =	sadd.s32 s0, s2;
	[dreg:$0x19] =	wrdreg s20  }
0x12: {  	s28 =	simm.s32 $0x2;
	s21 =	sadd.s32 s18, s6;
	[dreg:$0x1e] =	wrdreg s0  }
0x13: {  	s22 =	sor.u32 $0x80, s10;
	s5 =	sadd.s32 s18, s8;
	[dreg:$0x4] =	wrdreg s21  }
0x14: {  	s13 =	sor.u32 $0x20, s16;
	s23 =	sadd.s32 s22, s6;
	[dreg:$0x5] =	wrdreg s5  }
0x15: {  	s29 =	simm.s32 $0x4800;
	s26 =	sadd.s32 s6, s13;
	[dreg:$0x6] =	wrdreg s23  }
0x16: {  	s25 =	sor.u32 $0x60, s10;
	s24 =	sadd.s32 s22, s8;
	[dreg:$0x1a] =	wrdreg s26  }
0x17: {  	s30 =	simm.s32 $0x6800;
	s7 =	sadd.s32 s25, s6;
	[dreg:$0x7] =	wrdreg s24  }
0x18: {  	s31 =	simm.s32 $0x300;
	s15 =	sadd.s32 s8, s13;
	[dreg:$0x8] =	wrdreg s7  }
0x19: {  	s10 =	sor.u32 $0x40, s10;
	s14 =	sadd.s32 s25, s8;
	[dreg:$0x1b] =	wrdreg s15  }
0x1a: {  	s11 =	simm.s32 $0x0;
	s16 =	sadd.s32 s10, s6;
	[dreg:$0x9] =	wrdreg s14  }
0x1b: {  	s2 =	simm.s32 $0x5;
	s18 =	smax.u32 s9, $0x1;
	[dreg:$0xa] =	wrdreg s16  }
0x1c: {  	s17 =	sadd.s32 s10, s8;
	s19 =	simm.s32 $0x480;
	[dreg:$0x1c] =	wrdreg s18  }
0x1d: {  	s20 =	sshrl.u32 s12, $0x3;
	s22 =	simm.s32 $0x580;
	[dreg:$0xb] =	wrdreg s17  }
0x1e: {  	s25 =	simm.s32 $0x380;
	s0 =	simm.s32 $0x700;
	[dreg:$0x1d] =	wrdreg s20  }
0x1f: {  	s8 =	simm.s32 $0x6;
	s9 =	simm.s32 $0x4;
	[dreg:$0xc] =	wrdreg s19  }
0x20: {  	s21 =	simm.s32 $0x180;
	s16 =	simm.s32 $0x7;
	s17 =	simm.s32 $0x400  }
0x21: {  	[dreg:$0xe] =	wrdreg s22;
	s23 =	simm.s32 $0x280;
	s18 =	simm.s32 $0x100  }
0x22: {  	s24 =	simm.s32 $0x680;
	s19 =	simm.s32 $0x500;
	[dreg:$0x11] =	wrdreg s25  }
0x23: {  	s20 =	simm.s32 $0x1;
	s26 =	simm.s32 $0x780;
	[dreg:$0xd] =	wrdreg s21  }
0x24: {  	s22 =	simm.s32 $0x800;
	s25 =	simm.s32 $0x200;
	[dreg:$0xf] =	wrdreg s23  }
0x25: {  	s5 =	simm.s32 $0x3;
	[dreg:$0x10] =	wrdreg s24;
	s21 =	simm.s32 $0x80  }
0x26: {  	[dreg:$0x12] =	wrdreg s26;
	s23 =	simm.s32 $0x2800;
	s26 =	simm.s32 $0x600  }
.LBB2_1:
0x27: {  	s6 =	rddreg [dreg:$0x13]  }
0x28: {  	s7 =	rddreg [dreg:$0x15]  }
0x29: {  	s10 =	rddreg [dreg:$0x1d]  }
0x2a: {  	[spmem:s10], [sflag:s7] =	dma.local [hbm:s6], $0x1390  }
0x2b: {  	s6 =	rddreg [dreg:$0x16]  }
0x2c: {  	s10 =	rddreg [dreg:$0x17];
	s6 =	sshrl.u32 s6, $0x3  }
0x2d: {  	[spmem:s6], [sflag:s7] =	dma.local [hbm:s10], $0x1390  }
0x2e: {  	_ =	swait.ge [sflag:s16], $0x1390  }
0x2f: {  	[sflag:s16] =	ssyncset.done $0x0  }
0x30: {  	[sflag:s16] =	ssyncadd.s32 $0xFFFFEC70  }
0x31: {  	_ =	swait.ge [sflag:s16], $0x1390  }
0x32: {  	[sflag:s16] =	ssyncset.done $0x0  }
0x33: {  	[sflag:s16] =	ssyncadd.s32 $0xFFFFEC70  }
0x34: {  	[bflag:$0x0] =	sbarrier.arrive $0xFFFF  }
0x35: {  	s10 =	rddreg [dreg:$0x18]  }
0x36: {  	[tilespmem:s4], [sflag:$0x1] =	stream.linear.gather [hbm4b:s10+s4], $0x100, $0x38;
	[tilespmem:$0x1C100] =	vst v63  }
0x37: {  	s12 =	rddreg [dreg:$0x19]  }
0x38: {  	[tilespmem:s17], [sflag:$0x1] =	stream.linear.gather [hbm4b:s12+s4], $0x100, $0x38;
	[tilespmem:$0x1C100] =	vst v63  }
0x39: {  	p0 =	por $0x1, $0x1;
	s13 =	rddreg [dreg:$0x1a]  }
0x3a: {  	[tilespmem:s18], [sflag:$0x2] =	stream.linear.gather [hbm4b:s13+s4], $0x100, $0x38;
	[tilespmem:$0x1C100] =	vst v63  }
0x3b: {  	s14 =	rddreg [dreg:$0x1b];
	s12 =	simm.s32 @!p0 $0x5  }
0x3c: {  	[tilespmem:s19], [sflag:$0x2] =	stream.linear.gather [hbm4b:s14+s4], $0x100, $0x38;
	[tilespmem:$0x1C100] =	vst v63  }
0x3d: {  	_ =	swait.ge @!p0 [sflag:s12], $0x2000  }
0x3e: {  	[sflag:s12] =	ssyncset.done @!p0 $0x0  }
0x3f: {  	[sflag:s12] =	ssyncadd.s32 @!p0 $0xFFFFE000  }
0x40: {  	_ =	swait.ge @!p0 [sflag:s12], $0x2000  }
0x41: {  	[sflag:s12] =	ssyncset.done @!p0 $0x0  }
0x42: {  	[sflag:s12] =	ssyncadd.s32 @!p0 $0xFFFFE000  }
0x43: {  	_ =	swait.ge [sflag:s20], $0x100  }
0x44: {  	[sflag:s20] =	ssyncset.done $0x0  }
0x45: {  	[sflag:s20] =	ssyncadd.s32 $0xFFFFFF00  }
0x46: {  	_ =	swait.ge [sflag:s20], $0x100  }
0x47: {  	[sflag:s20] =	ssyncset.done $0x0  }
0x48: {  	[sflag:s20] =	ssyncadd.s32 $0xFFFFFF00  }
0x49: {  	[tilespmem:s22], [sflag:$0x7] =	stream.indirect.gather [spmem:s1], $0x40, s4, s21, $0xb8;
	[tilespmem:$0x1C100] =	vst v63  }
0x4a: {  	s15 =	rddreg [dreg:$0xa]  }
0x4b: {  	[tilespmem:s23], [sflag:$0x7] =	stream.indirect.gather [spmem:s1], $0x40, s21, s21, $0xb8;
	[tilespmem:$0x1C100] =	vst v63  }
0x4c: {  	s13 =	rddreg [dreg:$0xb];
	s12 =	sadd.s32 $0x0, s15  }
0x4d: {  	[tilespmem:s25], [sflag:$0x3] =	stream.linear.gather [hbm4b:s12+s4], $0x100, $0x38;
	[tilespmem:$0x1C100] =	vst v63  }
0x4e: {  	s24 =	sadd.s32 $0x0, s13  }
0x4f: {  	[tilespmem:s26], [sflag:$0x3] =	stream.linear.gather [hbm4b:s24+s4], $0x100, $0x38;
	[tilespmem:$0x1C100] =	vst v63  }
0x50: {  	_ =	swait.ge [sflag:s16], $0x2000  }
0x51: {  	[sflag:s16] =	ssyncset.done $0x0  }
0x52: {  	[sflag:s16] =	ssyncadd.s32 $0xFFFFE000  }
0x53: {  	_ =	swait.ge [sflag:s16], $0x2000  }
0x54: {  	[sflag:s16] =	ssyncset.done $0x0  }
0x55: {  	[sflag:s16] =	ssyncadd.s32 $0xFFFFE000  }
0x56: {  	[spmem:s3] =	stream.indirect.scatter.add.f32 [tilespmem:s22], [sflag:$0x5], $0x40, s17, s21, $0xb8;
	[tilespmem:$0x1C100] =	vst v63  }
0x57: {  	s13 =	simm.s32 @!p0 $0x6;
	s7 =	rddreg [dreg:$0xc]  }
0x58: {  	[spmem:s3] =	stream.indirect.scatter.add.f32 [tilespmem:s23], [sflag:$0x5], $0x40, s7, s21, $0xb8;
	[tilespmem:$0x1C100] =	vst v63  }
0x59: {  	_ =	swait.ge @!p0 [sflag:s13], $0x2000  }
0x5a: {  	[sflag:s13] =	ssyncset.done @!p0 $0x0  }
0x5b: {  	[sflag:s13] =	ssyncadd.s32 @!p0 $0xFFFFE000  }
0x5c: {  	_ =	swait.ge @!p0 [sflag:s13], $0x2000  }
0x5d: {  	[sflag:s13] =	ssyncset.done @!p0 $0x0  }
0x5e: {  	[sflag:s13] =	ssyncadd.s32 @!p0 $0xFFFFE000  }
0x5f: {  	_ =	swait.ge [sflag:s28], $0x100  }
0x60: {  	[sflag:s28] =	ssyncset.done $0x0  }
0x61: {  	[sflag:s28] =	ssyncadd.s32 $0xFFFFFF00  }
0x62: {  	_ =	swait.ge [sflag:s28], $0x100  }
0x63: {  	[sflag:s28] =	ssyncset.done $0x0  }
0x64: {  	s10 =	rddreg [dreg:$0x8];
	[sflag:s28] =	ssyncadd.s32 $0xFFFFFF00  }
0x65: {  	[tilespmem:s29], [sflag:$0x7] =	stream.indirect.gather [spmem:s1], $0x40, s18, s21, $0xb8;
	[tilespmem:$0x1C100] =	vst v63  }
0x66: {  	s15 =	rddreg [dreg:$0xd]  }
0x67: {  	[tilespmem:s30], [sflag:$0x7] =	stream.indirect.gather [spmem:s1], $0x40, s15, s21, $0xb8;
	[tilespmem:$0x1C100] =	vst v63  }
0x68: {  	s14 =	rddreg [dreg:$0x9];
	s12 =	sadd.s32 $0x0, s10  }
0x69: {  	[tilespmem:s31], [sflag:$0x4] =	stream.linear.gather [hbm4b:s12+s4], $0x100, $0x38;
	[tilespmem:$0x1C100] =	vst v63  }
0x6a: {  	s24 =	sadd.s32 $0x0, s14  }
0x6b: {  	[tilespmem:s0], [sflag:$0x4] =	stream.linear.gather [hbm4b:s24+s4], $0x100, $0x38;
	[tilespmem:$0x1C100] =	vst v63  }
0x6c: {  	_ =	swait.ge [sflag:s16], $0x2000  }
0x6d: {  	[sflag:s16] =	ssyncset.done $0x0  }
0x6e: {  	[sflag:s16] =	ssyncadd.s32 $0xFFFFE000  }
0x6f: {  	_ =	swait.ge [sflag:s16], $0x2000  }
0x70: {  	[sflag:s16] =	ssyncset.done $0x0  }
0x71: {  	[sflag:s16] =	ssyncadd.s32 $0xFFFFE000  }
0x72: {  	[spmem:s3] =	stream.indirect.scatter.add.f32 [tilespmem:s29], [sflag:$0x6], $0x40, s19, s21, $0xb8;
	[tilespmem:$0x1C100] =	vst v63  }
0x73: {  	s7 =	rddreg [dreg:$0xe]  }
0x74: {  	[spmem:s3] =	stream.indirect.scatter.add.f32 [tilespmem:s30], [sflag:$0x6], $0x40, s7, s21, $0xb8;
	[tilespmem:$0x1C100] =	vst v63  }
0x75: {  	_ =	swait.ge [sflag:s2], $0x2000  }
0x76: {  	[sflag:s2] =	ssyncset.done $0x0  }
0x77: {  	[sflag:s2] =	ssyncadd.s32 $0xFFFFE000  }
0x78: {  	_ =	swait.ge [sflag:s2], $0x2000  }
0x79: {  	[sflag:s2] =	ssyncset.done $0x0  }
0x7a: {  	[sflag:s2] =	ssyncadd.s32 $0xFFFFE000  }
0x7b: {  	_ =	swait.ge [sflag:s5], $0x100  }
0x7c: {  	[sflag:s5] =	ssyncset.done $0x0  }
0x7d: {  	[sflag:s5] =	ssyncadd.s32 $0xFFFFFF00  }
0x7e: {  	_ =	swait.ge [sflag:s5], $0x100  }
0x7f: {  	[sflag:s5] =	ssyncset.done $0x0  }
0x80: {  	s12 =	rddreg [dreg:$0x6];
	[sflag:s5] =	ssyncadd.s32 $0xFFFFFF00  }
0x81: {  	[tilespmem:s22], [sflag:$0x7] =	stream.indirect.gather [spmem:s1], $0x40, s25, s21, $0xb8;
	[tilespmem:$0x1C100] =	vst v63  }
0x82: {  	p0 =	por $0x0, $0x0;
	s10 =	rddreg [dreg:$0xf]  }
0x83: {  	[tilespmem:s23], [sflag:$0x7] =	stream.indirect.gather [spmem:s1], $0x40, s10, s21, $0xb8;
	[tilespmem:$0x1C100] =	vst v63  }
0x84: {  	s13 =	simm.s32 @!p0 $0x0;
	s14 =	rddreg [dreg:$0x7];
	s12 =	sadd.s32 @!p0 $0x0, s12  }
0x85: {  	[tilespmem:s13], [sflag:$0x1] =	stream.linear.gather @!p0 [hbm4b:s12+s13], $0x100, $0x38;
	[tilespmem:$0x1C100] =	vst v63  }
0x86: {  	s12 =	sadd.s32 @!p0 $0x0, s14;
	s14 =	simm.s32 @!p0 $0x400  }
0x87: {  	[tilespmem:s14], [sflag:$0x1] =	stream.linear.gather @!p0 [hbm4b:s12+s13], $0x100, $0x38;
	[tilespmem:$0x1C100] =	vst v63  }
0x88: {  	_ =	swait.ge [sflag:s16], $0x2000  }
0x89: {  	[sflag:s16] =	ssyncset.done $0x0  }
0x8a: {  	[sflag:s16] =	ssyncadd.s32 $0xFFFFE000  }
0x8b: {  	_ =	swait.ge [sflag:s16], $0x2000  }
0x8c: {  	[sflag:s16] =	ssyncset.done $0x0  }
0x8d: {  	[sflag:s16] =	ssyncadd.s32 $0xFFFFE000  }
0x8e: {  	[spmem:s3] =	stream.indirect.scatter.add.f32 [tilespmem:s22], [sflag:$0x5], $0x40, s26, s21, $0xb8;
	[tilespmem:$0x1C100] =	vst v63  }
0x8f: {  	s15 =	rddreg [dreg:$0x10]  }
0x90: {  	[spmem:s3] =	stream.indirect.scatter.add.f32 [tilespmem:s23], [sflag:$0x5], $0x40, s15, s21, $0xb8;
	[tilespmem:$0x1C100] =	vst v63  }
0x91: {  	_ =	swait.ge [sflag:s8], $0x2000  }
0x92: {  	[sflag:s8] =	ssyncset.done $0x0  }
0x93: {  	[sflag:s8] =	ssyncadd.s32 $0xFFFFE000  }
0x94: {  	_ =	swait.ge [sflag:s8], $0x2000  }
0x95: {  	[sflag:s8] =	ssyncset.done $0x0  }
0x96: {  	[sflag:s8] =	ssyncadd.s32 $0xFFFFE000  }
0x97: {  	_ =	swait.ge [sflag:s9], $0x100  }
0x98: {  	[sflag:s9] =	ssyncset.done $0x0  }
0x99: {  	[sflag:s9] =	ssyncadd.s32 $0xFFFFFF00  }
0x9a: {  	_ =	swait.ge [sflag:s9], $0x100  }
0x9b: {  	[sflag:s9] =	ssyncset.done $0x0  }
0x9c: {  	s12 =	rddreg [dreg:$0x4];
	[sflag:s9] =	ssyncadd.s32 $0xFFFFFF00  }
0x9d: {  	[tilespmem:s29], [sflag:$0x7] =	stream.indirect.gather [spmem:s1], $0x40, s31, s21, $0xb8;
	[tilespmem:$0x1C100] =	vst v63  }
0x9e: {  	s24 =	rddreg [dreg:$0x11]  }
0x9f: {  	[tilespmem:s30], [sflag:$0x7] =	stream.indirect.gather [spmem:s1], $0x40, s24, s21, $0xb8;
	[tilespmem:$0x1C100] =	vst v63  }
0xa0: {  	s14 =	simm.s32 @!p0 $0x100;
	s15 =	rddreg [dreg:$0x5];
	s12 =	sadd.s32 @!p0 $0x0, s12  }
0xa1: {  	[tilespmem:s14], [sflag:$0x2] =	stream.linear.gather @!p0 [hbm4b:s12+s13], $0x100, $0x38;
	[tilespmem:$0x1C100] =	vst v63  }
0xa2: {  	s12 =	sadd.s32 @!p0 $0x0, s15;
	s14 =	simm.s32 @!p0 $0x500  }
0xa3: {  	[tilespmem:s14], [sflag:$0x2] =	stream.linear.gather @!p0 [hbm4b:s12+s13], $0x100, $0x38;
	[tilespmem:$0x1C100] =	vst v63  }
0xa4: {  	_ =	swait.ge [sflag:s16], $0x2000  }
0xa5: {  	[sflag:s16] =	ssyncset.done $0x0  }
0xa6: {  	[sflag:s16] =	ssyncadd.s32 $0xFFFFE000  }
0xa7: {  	_ =	swait.ge [sflag:s16], $0x2000  }
0xa8: {  	p1 =	por $0x0, $0x0;
	s12 =	simm.s32 $0x80;
	[sflag:s16] =	ssyncset.done $0x0  }
0xa9: {  	s13 =	simm.s32 $0x100;
	s15 =	rddreg [dreg:$0x12];
	[sflag:s16] =	ssyncadd.s32 $0xFFFFE000  }
0xaa: {  	[spmem:s3] =	stream.indirect.scatter.add.f32 [tilespmem:s29], [sflag:$0x6], $0x40, s0, s21, $0xb8;
	[tilespmem:$0x1C100] =	vst v63  }
.LBB2_2:
0xab: {  	s24 =	simm.s32 @!p1 $0x5  }
0xac: {  	[spmem:s3] =	stream.indirect.scatter.add.f32 [tilespmem:s30], [sflag:$0x6], $0x40, s15, s21, $0xb8;
	[tilespmem:$0x1C100] =	vst v63  }
0xad: {  	_ =	swait.ge @!p1 [sflag:s24], $0x2000  }
0xae: {  	[sflag:s24] =	ssyncset.done @!p1 $0x0  }
0xaf: {  	[sflag:s24] =	ssyncadd.s32 @!p1 $0xFFFFE000  }
0xb0: {  	_ =	swait.ge @!p1 [sflag:s24], $0x2000  }
0xb1: {  	[sflag:s24] =	ssyncset.done @!p1 $0x0  }
0xb2: {  	[sflag:s24] =	ssyncadd.s32 @!p1 $0xFFFFE000  }
0xb3: {  	_ =	swait.ge [sflag:s20], $0x100  }
0xb4: {  	[sflag:s20] =	ssyncset.done $0x0  }
0xb5: {  	[sflag:s20] =	ssyncadd.s32 $0xFFFFFF00  }
0xb6: {  	_ =	swait.ge [sflag:s20], $0x100  }
0xb7: {  	[sflag:s20] =	ssyncset.done $0x0  }
0xb8: {  	[sflag:s20] =	ssyncadd.s32 $0xFFFFFF00  }
0xb9: {  	[tilespmem:s22], [sflag:$0x7] =	stream.indirect.gather [spmem:s1], $0x40, s4, s21, $0xb8;
	[tilespmem:$0x1C100] =	vst v63  }
0xba: {  	s7 =	rddreg [dreg:$0xa]  }
0xbb: {  	[tilespmem:s23], [sflag:$0x7] =	stream.indirect.gather [spmem:s1], $0x40, s21, s21, $0xb8;
	[tilespmem:$0x1C100] =	vst v63  }
0xbc: {  	s10 =	rddreg [dreg:$0xb];
	s15 =	sadd.s32 s12, s7  }
0xbd: {  	[tilespmem:s25], [sflag:$0x3] =	stream.linear.gather [hbm4b:s15+s4], $0x100, $0x38;
	[tilespmem:$0x1C100] =	vst v63  }
0xbe: {  	s7 =	sadd.s32 s12, s10  }
0xbf: {  	[tilespmem:s26], [sflag:$0x3] =	stream.linear.gather [hbm4b:s7+s4], $0x100, $0x38;
	[tilespmem:$0x1C100] =	vst v63  }
0xc0: {  	_ =	swait.ge [sflag:s16], $0x2000  }
0xc1: {  	[sflag:s16] =	ssyncset.done $0x0  }
0xc2: {  	[sflag:s16] =	ssyncadd.s32 $0xFFFFE000  }
0xc3: {  	_ =	swait.ge [sflag:s16], $0x2000  }
0xc4: {  	[sflag:s16] =	ssyncset.done $0x0  }
0xc5: {  	[sflag:s16] =	ssyncadd.s32 $0xFFFFE000  }
0xc6: {  	[spmem:s3] =	stream.indirect.scatter.add.f32 [tilespmem:s22], [sflag:$0x5], $0x40, s17, s21, $0xb8;
	[tilespmem:$0x1C100] =	vst v63  }
0xc7: {  	s24 =	simm.s32 @!p1 $0x6;
	s10 =	rddreg [dreg:$0xc]  }
0xc8: {  	[spmem:s3] =	stream.indirect.scatter.add.f32 [tilespmem:s23], [sflag:$0x5], $0x40, s10, s21, $0xb8;
	[tilespmem:$0x1C100] =	vst v63  }
0xc9: {  	_ =	swait.ge @!p1 [sflag:s24], $0x2000  }
0xca: {  	[sflag:s24] =	ssyncset.done @!p1 $0x0  }
0xcb: {  	[sflag:s24] =	ssyncadd.s32 @!p1 $0xFFFFE000  }
0xcc: {  	_ =	swait.ge @!p1 [sflag:s24], $0x2000  }
0xcd: {  	[sflag:s24] =	ssyncset.done @!p1 $0x0  }
0xce: {  	[sflag:s24] =	ssyncadd.s32 @!p1 $0xFFFFE000  }
0xcf: {  	_ =	swait.ge [sflag:s28], $0x100  }
0xd0: {  	[sflag:s28] =	ssyncset.done $0x0  }
0xd1: {  	[sflag:s28] =	ssyncadd.s32 $0xFFFFFF00  }
0xd2: {  	_ =	swait.ge [sflag:s28], $0x100  }
0xd3: {  	[sflag:s28] =	ssyncset.done $0x0  }
0xd4: {  	s15 =	rddreg [dreg:$0x8];
	[sflag:s28] =	ssyncadd.s32 $0xFFFFFF00  }
0xd5: {  	[tilespmem:s29], [sflag:$0x7] =	stream.indirect.gather [spmem:s1], $0x40, s18, s21, $0xb8;
	[tilespmem:$0x1C100] =	vst v63  }
0xd6: {  	s7 =	rddreg [dreg:$0xd]  }
0xd7: {  	[tilespmem:s30], [sflag:$0x7] =	stream.indirect.gather [spmem:s1], $0x40, s7, s21, $0xb8;
	[tilespmem:$0x1C100] =	vst v63  }
0xd8: {  	s10 =	rddreg [dreg:$0x9];
	s15 =	sadd.s32 s12, s15  }
0xd9: {  	[tilespmem:s31], [sflag:$0x4] =	stream.linear.gather [hbm4b:s15+s4], $0x100, $0x38;
	[tilespmem:$0x1C100] =	vst v63  }
0xda: {  	s10 =	sadd.s32 s12, s10  }
0xdb: {  	[tilespmem:s0], [sflag:$0x4] =	stream.linear.gather [hbm4b:s10+s4], $0x100, $0x38;
	[tilespmem:$0x1C100] =	vst v63  }
0xdc: {  	_ =	swait.ge [sflag:s16], $0x2000  }
0xdd: {  	[sflag:s16] =	ssyncset.done $0x0  }
0xde: {  	[sflag:s16] =	ssyncadd.s32 $0xFFFFE000  }
0xdf: {  	_ =	swait.ge [sflag:s16], $0x2000  }
0xe0: {  	[sflag:s16] =	ssyncset.done $0x0  }
0xe1: {  	[sflag:s16] =	ssyncadd.s32 $0xFFFFE000  }
0xe2: {  	[spmem:s3] =	stream.indirect.scatter.add.f32 [tilespmem:s29], [sflag:$0x6], $0x40, s19, s21, $0xb8;
	[tilespmem:$0x1C100] =	vst v63  }
0xe3: {  	s24 =	rddreg [dreg:$0xe]  }
0xe4: {  	[spmem:s3] =	stream.indirect.scatter.add.f32 [tilespmem:s30], [sflag:$0x6], $0x40, s24, s21, $0xb8;
	[tilespmem:$0x1C100] =	vst v63  }
0xe5: {  	_ =	swait.ge [sflag:s2], $0x2000  }
0xe6: {  	[sflag:s2] =	ssyncset.done $0x0  }
0xe7: {  	[sflag:s2] =	ssyncadd.s32 $0xFFFFE000  }
0xe8: {  	_ =	swait.ge [sflag:s2], $0x2000  }
0xe9: {  	[sflag:s2] =	ssyncset.done $0x0  }
0xea: {  	[sflag:s2] =	ssyncadd.s32 $0xFFFFE000  }
0xeb: {  	_ =	swait.ge [sflag:s5], $0x100  }
0xec: {  	[sflag:s5] =	ssyncset.done $0x0  }
0xed: {  	[sflag:s5] =	ssyncadd.s32 $0xFFFFFF00  }
0xee: {  	_ =	swait.ge [sflag:s5], $0x100  }
0xef: {  	[sflag:s5] =	ssyncset.done $0x0  }
0xf0: {  	s10 =	rddreg [dreg:$0x6];
	[sflag:s5] =	ssyncadd.s32 $0xFFFFFF00  }
0xf1: {  	[tilespmem:s22], [sflag:$0x7] =	stream.indirect.gather [spmem:s1], $0x40, s25, s21, $0xb8;
	[tilespmem:$0x1C100] =	vst v63  }
0xf2: {  	p1 =	seq.s32 s12, $0x980;
	s7 =	rddreg [dreg:$0xf]  }
0xf3: {  	[tilespmem:s23], [sflag:$0x7] =	stream.indirect.gather [spmem:s1], $0x40, s7, s21, $0xb8;
	[tilespmem:$0x1C100] =	vst v63  }
0xf4: {  	s15 =	simm.s32 @!p1 $0x0;
	s24 =	rddreg [dreg:$0x7];
	s10 =	sadd.s32 @!p1 s12, s10  }
0xf5: {  	[tilespmem:s15], [sflag:$0x1] =	stream.linear.gather @!p1 [hbm4b:s10+s15], $0x100, $0x38;
	[tilespmem:$0x1C100] =	vst v63  }
0xf6: {  	s10 =	sadd.s32 @!p1 s12, s24;
	s24 =	simm.s32 @!p1 $0x400  }
0xf7: {  	[tilespmem:s24], [sflag:$0x1] =	stream.linear.gather @!p1 [hbm4b:s10+s15], $0x100, $0x38;
	[tilespmem:$0x1C100] =	vst v63  }
0xf8: {  	_ =	swait.ge [sflag:s16], $0x2000  }
0xf9: {  	[sflag:s16] =	ssyncset.done $0x0  }
0xfa: {  	[sflag:s16] =	ssyncadd.s32 $0xFFFFE000  }
0xfb: {  	_ =	swait.ge [sflag:s16], $0x2000  }
0xfc: {  	[sflag:s16] =	ssyncset.done $0x0  }
0xfd: {  	[sflag:s16] =	ssyncadd.s32 $0xFFFFE000  }
0xfe: {  	[spmem:s3] =	stream.indirect.scatter.add.f32 [tilespmem:s22], [sflag:$0x5], $0x40, s26, s21, $0xb8;
	[tilespmem:$0x1C100] =	vst v63  }
0xff: {  	s24 =	rddreg [dreg:$0x10]  }
0x100: {  	[spmem:s3] =	stream.indirect.scatter.add.f32 [tilespmem:s23], [sflag:$0x5], $0x40, s24, s21, $0xb8;
	[tilespmem:$0x1C100] =	vst v63  }
0x101: {  	_ =	swait.ge [sflag:s8], $0x2000  }
0x102: {  	[sflag:s8] =	ssyncset.done $0x0  }
0x103: {  	[sflag:s8] =	ssyncadd.s32 $0xFFFFE000  }
0x104: {  	_ =	swait.ge [sflag:s8], $0x2000  }
0x105: {  	[sflag:s8] =	ssyncset.done $0x0  }
0x106: {  	[sflag:s8] =	ssyncadd.s32 $0xFFFFE000  }
0x107: {  	_ =	swait.ge [sflag:s9], $0x100  }
0x108: {  	[sflag:s9] =	ssyncset.done $0x0  }
0x109: {  	[sflag:s9] =	ssyncadd.s32 $0xFFFFFF00  }
0x10a: {  	_ =	swait.ge [sflag:s9], $0x100  }
0x10b: {  	[sflag:s9] =	ssyncset.done $0x0  }
0x10c: {  	s10 =	rddreg [dreg:$0x4];
	[sflag:s9] =	ssyncadd.s32 $0xFFFFFF00  }
0x10d: {  	[tilespmem:s29], [sflag:$0x7] =	stream.indirect.gather [spmem:s1], $0x40, s31, s21, $0xb8;
	[tilespmem:$0x1C100] =	vst v63  }
0x10e: {  	s24 =	rddreg [dreg:$0x11]  }
0x10f: {  	[tilespmem:s30], [sflag:$0x7] =	stream.indirect.gather [spmem:s1], $0x40, s24, s21, $0xb8;
	[tilespmem:$0x1C100] =	vst v63  }
0x110: {  	s7 =	rddreg [dreg:$0x5];
	s10 =	sadd.s32 @!p1 s12, s10;
	s24 =	simm.s32 @!p1 $0x100  }
0x111: {  	[tilespmem:s24], [sflag:$0x2] =	stream.linear.gather @!p1 [hbm4b:s10+s15], $0x100, $0x38;
	[tilespmem:$0x1C100] =	vst v63  }
0x112: {  	s7 =	sadd.s32 @!p1 s12, s7;
	s10 =	simm.s32 @!p1 $0x500  }
0x113: {  	[tilespmem:s10], [sflag:$0x2] =	stream.linear.gather @!p1 [hbm4b:s7+s15], $0x100, $0x38;
	[tilespmem:$0x1C100] =	vst v63  }
0x114: {  	s14 =	smov.u32 s13;
	s13 =	sadd.s32 $0x80, s13;
	_ =	swait.ge [sflag:s16], $0x2000  }
0x115: {  	p0 =	sne.s32 s13, $0xA00;
	[sflag:s16] =	ssyncset.done $0x0  }
.Ltmp0:
0x116: {  	[sflag:s16] =	ssyncadd.s32 $0xFFFFE000;
	(pc) =	sbr.rel @p0 .LBB2_2-.Ltmp0, $4  }
0x117: {  	_ =	swait.ge [sflag:s16], $0x2000  }
0x118: {  	s12 =	smov.u32 s14;
	[sflag:s16] =	ssyncset.done $0x0  }
0x119: {  	p1 =	seq.s32 s12, $0x0;
	s15 =	rddreg [dreg:$0x12];
	[sflag:s16] =	ssyncadd.s32 $0xFFFFE000  }
0x11a: {  	[spmem:s3] =	stream.indirect.scatter.add.f32 [tilespmem:s29], [sflag:$0x6], $0x40, s0, s21, $0xb8;
	[tilespmem:$0x1C100] =	vst v63  }
0x11b: {  	s7 =	simm.s32 @!p1 $0x5  }
0x11c: {  	[spmem:s3] =	stream.indirect.scatter.add.f32 [tilespmem:s30], [sflag:$0x6], $0x40, s15, s21, $0xb8;
	[tilespmem:$0x1C100] =	vst v63  }
0x11d: {  	_ =	swait.ge @!p1 [sflag:s7], $0x2000  }
0x11e: {  	[sflag:s7] =	ssyncset.done @!p1 $0x0  }
0x11f: {  	[sflag:s7] =	ssyncadd.s32 @!p1 $0xFFFFE000  }
0x120: {  	_ =	swait.ge @!p1 [sflag:s7], $0x2000  }
0x121: {  	[sflag:s7] =	ssyncset.done @!p1 $0x0  }
0x122: {  	[sflag:s7] =	ssyncadd.s32 @!p1 $0xFFFFE000  }
0x123: {  	_ =	swait.ge [sflag:s20], $0x100  }
0x124: {  	[sflag:s20] =	ssyncset.done $0x0  }
0x125: {  	[sflag:s20] =	ssyncadd.s32 $0xFFFFFF00  }
0x126: {  	_ =	swait.ge [sflag:s20], $0x100  }
0x127: {  	[sflag:s20] =	ssyncset.done $0x0  }
0x128: {  	[sflag:s20] =	ssyncadd.s32 $0xFFFFFF00  }
0x129: {  	[tilespmem:s22], [sflag:$0x7] =	stream.indirect.gather [spmem:s1], $0x40, s4, s21, $0xb8;
	[tilespmem:$0x1C100] =	vst v63  }
0x12a: {  	s24 =	rddreg [dreg:$0xa]  }
0x12b: {  	[tilespmem:s23], [sflag:$0x7] =	stream.indirect.gather [spmem:s1], $0x40, s21, s21, $0xb8;
	[tilespmem:$0x1C100] =	vst v63  }
0x12c: {  	s10 =	rddreg [dreg:$0xb];
	s7 =	sadd.s32 s12, s24  }
0x12d: {  	[tilespmem:s25], [sflag:$0x3] =	stream.linear.gather [hbm4b:s7+s4], $0x100, $0x38;
	[tilespmem:$0x1C100] =	vst v63  }
0x12e: {  	s13 =	sadd.s32 s12, s10  }
0x12f: {  	[tilespmem:s26], [sflag:$0x3] =	stream.linear.gather [hbm4b:s13+s4], $0x100, $0x38;
	[tilespmem:$0x1C100] =	vst v63  }
0x130: {  	_ =	swait.ge [sflag:s16], $0x2000  }
0x131: {  	[sflag:s16] =	ssyncset.done $0x0  }
0x132: {  	[sflag:s16] =	ssyncadd.s32 $0xFFFFE000  }
0x133: {  	_ =	swait.ge [sflag:s16], $0x2000  }
0x134: {  	[sflag:s16] =	ssyncset.done $0x0  }
0x135: {  	[sflag:s16] =	ssyncadd.s32 $0xFFFFE000  }
0x136: {  	[spmem:s3] =	stream.indirect.scatter.add.f32 [tilespmem:s22], [sflag:$0x5], $0x40, s17, s21, $0xb8;
	[tilespmem:$0x1C100] =	vst v63  }
0x137: {  	s10 =	simm.s32 @!p1 $0x6;
	s14 =	rddreg [dreg:$0xc]  }
0x138: {  	[spmem:s3] =	stream.indirect.scatter.add.f32 [tilespmem:s23], [sflag:$0x5], $0x40, s14, s21, $0xb8;
	[tilespmem:$0x1C100] =	vst v63  }
0x139: {  	_ =	swait.ge @!p1 [sflag:s10], $0x2000  }
0x13a: {  	[sflag:s10] =	ssyncset.done @!p1 $0x0  }
0x13b: {  	[sflag:s10] =	ssyncadd.s32 @!p1 $0xFFFFE000  }
0x13c: {  	_ =	swait.ge @!p1 [sflag:s10], $0x2000  }
0x13d: {  	[sflag:s10] =	ssyncset.done @!p1 $0x0  }
0x13e: {  	[sflag:s10] =	ssyncadd.s32 @!p1 $0xFFFFE000  }
0x13f: {  	_ =	swait.ge [sflag:s28], $0x100  }
0x140: {  	[sflag:s28] =	ssyncset.done $0x0  }
0x141: {  	[sflag:s28] =	ssyncadd.s32 $0xFFFFFF00  }
0x142: {  	_ =	swait.ge [sflag:s28], $0x100  }
0x143: {  	[sflag:s28] =	ssyncset.done $0x0  }
0x144: {  	s15 =	rddreg [dreg:$0x8];
	[sflag:s28] =	ssyncadd.s32 $0xFFFFFF00  }
0x145: {  	[tilespmem:s29], [sflag:$0x7] =	stream.indirect.gather [spmem:s1], $0x40, s18, s21, $0xb8;
	[tilespmem:$0x1C100] =	vst v63  }
0x146: {  	s24 =	rddreg [dreg:$0xd]  }
0x147: {  	[tilespmem:s30], [sflag:$0x7] =	stream.indirect.gather [spmem:s1], $0x40, s24, s21, $0xb8;
	[tilespmem:$0x1C100] =	vst v63  }
0x148: {  	s13 =	rddreg [dreg:$0x9];
	s7 =	sadd.s32 s12, s15  }
0x149: {  	[tilespmem:s31], [sflag:$0x4] =	stream.linear.gather [hbm4b:s7+s4], $0x100, $0x38;
	[tilespmem:$0x1C100] =	vst v63  }
0x14a: {  	s10 =	sadd.s32 s12, s13  }
0x14b: {  	[tilespmem:s0], [sflag:$0x4] =	stream.linear.gather [hbm4b:s10+s4], $0x100, $0x38;
	[tilespmem:$0x1C100] =	vst v63  }
0x14c: {  	_ =	swait.ge [sflag:s16], $0x2000  }
0x14d: {  	[sflag:s16] =	ssyncset.done $0x0  }
0x14e: {  	[sflag:s16] =	ssyncadd.s32 $0xFFFFE000  }
0x14f: {  	_ =	swait.ge [sflag:s16], $0x2000  }
0x150: {  	[sflag:s16] =	ssyncset.done $0x0  }
0x151: {  	[sflag:s16] =	ssyncadd.s32 $0xFFFFE000  }
0x152: {  	[spmem:s3] =	stream.indirect.scatter.add.f32 [tilespmem:s29], [sflag:$0x6], $0x40, s19, s21, $0xb8;
	[tilespmem:$0x1C100] =	vst v63  }
0x153: {  	s13 =	rddreg [dreg:$0xe]  }
0x154: {  	[spmem:s3] =	stream.indirect.scatter.add.f32 [tilespmem:s30], [sflag:$0x6], $0x40, s13, s21, $0xb8;
	[tilespmem:$0x1C100] =	vst v63  }
0x155: {  	_ =	swait.ge [sflag:s2], $0x2000  }
0x156: {  	[sflag:s2] =	ssyncset.done $0x0  }
0x157: {  	[sflag:s2] =	ssyncadd.s32 $0xFFFFE000  }
0x158: {  	_ =	swait.ge [sflag:s2], $0x2000  }
0x159: {  	[sflag:s2] =	ssyncset.done $0x0  }
0x15a: {  	[sflag:s2] =	ssyncadd.s32 $0xFFFFE000  }
0x15b: {  	_ =	swait.ge [sflag:s5], $0x100  }
0x15c: {  	[sflag:s5] =	ssyncset.done $0x0  }
0x15d: {  	[sflag:s5] =	ssyncadd.s32 $0xFFFFFF00  }
0x15e: {  	_ =	swait.ge [sflag:s5], $0x100  }
0x15f: {  	[sflag:s5] =	ssyncset.done $0x0  }
0x160: {  	s7 =	rddreg [dreg:$0x6];
	[sflag:s5] =	ssyncadd.s32 $0xFFFFFF00  }
0x161: {  	[tilespmem:s22], [sflag:$0x7] =	stream.indirect.gather [spmem:s1], $0x40, s25, s21, $0xb8;
	[tilespmem:$0x1C100] =	vst v63  }
0x162: {  	p0 =	seq.s32 s12, $0x980;
	s14 =	rddreg [dreg:$0xf]  }
0x163: {  	[tilespmem:s23], [sflag:$0x7] =	stream.indirect.gather [spmem:s1], $0x40, s14, s21, $0xb8;
	[tilespmem:$0x1C100] =	vst v63  }
0x164: {  	s10 =	simm.s32 @!p0 $0x0;
	s13 =	rddreg [dreg:$0x7];
	s7 =	sadd.s32 @!p0 s12, s7  }
0x165: {  	[tilespmem:s10], [sflag:$0x1] =	stream.linear.gather @!p0 [hbm4b:s7+s10], $0x100, $0x38;
	[tilespmem:$0x1C100] =	vst v63  }
0x166: {  	s7 =	sadd.s32 @!p0 s12, s13;
	s13 =	simm.s32 @!p0 $0x400  }
0x167: {  	[tilespmem:s13], [sflag:$0x1] =	stream.linear.gather @!p0 [hbm4b:s7+s10], $0x100, $0x38;
	[tilespmem:$0x1C100] =	vst v63  }
0x168: {  	_ =	swait.ge [sflag:s16], $0x2000  }
0x169: {  	[sflag:s16] =	ssyncset.done $0x0  }
0x16a: {  	[sflag:s16] =	ssyncadd.s32 $0xFFFFE000  }
0x16b: {  	_ =	swait.ge [sflag:s16], $0x2000  }
0x16c: {  	[sflag:s16] =	ssyncset.done $0x0  }
0x16d: {  	[sflag:s16] =	ssyncadd.s32 $0xFFFFE000  }
0x16e: {  	[spmem:s3] =	stream.indirect.scatter.add.f32 [tilespmem:s22], [sflag:$0x5], $0x40, s26, s21, $0xb8;
	[tilespmem:$0x1C100] =	vst v63  }
0x16f: {  	s15 =	rddreg [dreg:$0x10]  }
0x170: {  	[spmem:s3] =	stream.indirect.scatter.add.f32 [tilespmem:s23], [sflag:$0x5], $0x40, s15, s21, $0xb8;
	[tilespmem:$0x1C100] =	vst v63  }
0x171: {  	_ =	swait.ge [sflag:s8], $0x2000  }
0x172: {  	[sflag:s8] =	ssyncset.done $0x0  }
0x173: {  	[sflag:s8] =	ssyncadd.s32 $0xFFFFE000  }
0x174: {  	_ =	swait.ge [sflag:s8], $0x2000  }
0x175: {  	[sflag:s8] =	ssyncset.done $0x0  }
0x176: {  	[sflag:s8] =	ssyncadd.s32 $0xFFFFE000  }
0x177: {  	_ =	swait.ge [sflag:s9], $0x100  }
0x178: {  	[sflag:s9] =	ssyncset.done $0x0  }
0x179: {  	[sflag:s9] =	ssyncadd.s32 $0xFFFFFF00  }
0x17a: {  	_ =	swait.ge [sflag:s9], $0x100  }
0x17b: {  	[sflag:s9] =	ssyncset.done $0x0  }
0x17c: {  	s7 =	rddreg [dreg:$0x4];
	[sflag:s9] =	ssyncadd.s32 $0xFFFFFF00  }
0x17d: {  	[tilespmem:s29], [sflag:$0x7] =	stream.indirect.gather [spmem:s1], $0x40, s31, s21, $0xb8;
	[tilespmem:$0x1C100] =	vst v63  }
0x17e: {  	s24 =	rddreg [dreg:$0x11]  }
0x17f: {  	[tilespmem:s30], [sflag:$0x7] =	stream.indirect.gather [spmem:s1], $0x40, s24, s21, $0xb8;
	[tilespmem:$0x1C100] =	vst v63  }
0x180: {  	s13 =	simm.s32 @!p0 $0x100;
	s14 =	rddreg [dreg:$0x5];
	s7 =	sadd.s32 @!p0 s12, s7  }
0x181: {  	[tilespmem:s13], [sflag:$0x2] =	stream.linear.gather @!p0 [hbm4b:s7+s10], $0x100, $0x38;
	[tilespmem:$0x1C100] =	vst v63  }
0x182: {  	s7 =	sadd.s32 @!p0 s12, s14;
	s12 =	simm.s32 @!p0 $0x500  }
0x183: {  	[tilespmem:s12], [sflag:$0x2] =	stream.linear.gather @!p0 [hbm4b:s7+s10], $0x100, $0x38;
	[tilespmem:$0x1C100] =	vst v63  }
0x184: {  	_ =	swait.ge [sflag:s16], $0x2000  }
0x185: {  	[sflag:s16] =	ssyncset.done $0x0  }
0x186: {  	[sflag:s16] =	ssyncadd.s32 $0xFFFFE000  }
0x187: {  	_ =	swait.ge [sflag:s16], $0x2000  }
0x188: {  	[sflag:s16] =	ssyncset.done $0x0  }
0x189: {  	[sflag:s16] =	ssyncadd.s32 $0xFFFFE000  }
0x18a: {  	[spmem:s3] =	stream.indirect.scatter.add.f32 [tilespmem:s29], [sflag:$0x6], $0x40, s0, s21, $0xb8;
	[tilespmem:$0x1C100] =	vst v63  }
0x18b: {  	s12 =	rddreg [dreg:$0x12]  }
0x18c: {  	[spmem:s3] =	stream.indirect.scatter.add.f32 [tilespmem:s30], [sflag:$0x6], $0x40, s12, s21, $0xb8;
	[tilespmem:$0x1C100] =	vst v63  }
0x18d: {  	_ =	swait.ge [sflag:s2], $0x2000  }
0x18e: {  	[sflag:s2] =	ssyncset.done $0x0  }
0x18f: {  	[sflag:s2] =	ssyncadd.s32 $0xFFFFE000  }
0x190: {  	_ =	swait.ge [sflag:s2], $0x2000  }
0x191: {  	[sflag:s2] =	ssyncset.done $0x0  }
0x192: {  	[sflag:s2] =	ssyncadd.s32 $0xFFFFE000  }
0x193: {  	_ =	swait.ge [sflag:s8], $0x2000  }
0x194: {  	[sflag:s8] =	ssyncset.done $0x0  }
0x195: {  	[sflag:s8] =	ssyncadd.s32 $0xFFFFE000  }
0x196: {  	_ =	swait.ge [sflag:s8], $0x2000  }
0x197: {  	[sflag:s8] =	ssyncset.done $0x0  }
0x198: {  	[sflag:s8] =	ssyncadd.s32 $0xFFFFE000  }
0x199: {  	[bflag:$0x0] =	sbarrier.arrive $0xFFFF  }
0x19a: {  	s13 =	rddreg [dreg:$0x14]  }
0x19b: {  	s15 =	simm.s32 $0x8;
	s14 =	rddreg [dreg:$0x1e];
	s7 =	sor.u32 $0x1C08, s13  }
0x19c: {  	[hbm:s14], [sflag:s7] =	dma.local [spmem:s6], $0x1390  }
0x19d: {  	_ =	swait.ge [sflag:s15], $0x1390  }
0x19e: {  	s11 =	sadd.s32 $0x1, s11;
	s24 =	rddreg [dreg:$0x1c]  }
0x19f: {  	p0 =	sne.s32 s11, s24  }
.Ltmp1:
0x1a0: {  	_ = 	snop;
	(pc) =	sbr.rel @p0 .LBB2_1-.Ltmp1, $3  }
0x1a1: {  	_ =	sdelay $0x1  }
0x1a2: {  	[sflag:s15] =	ssyncset.done $0x0  }
0x1a3: {  	[sflag:s15] =	ssyncadd.s32 $0xFFFFEC70  }
0x1a4: {  	_ =	sfence.sel $0x180000  }
0x1a5: {  	[bflag:$0x0] =	sbarrier.arrive $0xFFFF  }
0x1a6: {  	_ =	strace $0x9000004A  }
0x1a7: {  	s0 =	stileid.u32;
	[bflag:$0x2] =	sbarrier.arrive $0xFFFF  }
0x1a8: {  	p0 =	sne.s32 s0, $0x0;
	s0 =	rddreg [dreg:$0x3]  }
0x1a9: {  	s0 =	sadd.s32 @!p0 $0x100000, s0  }
0x1aa: {  	[sflag:s0] =	ssyncadd.tile.s32 @!p0 $0x1;
	_ =	shalt  }
.Lfunc_end2:
_tile_overlayer_lowered:
.L_overlay_start_2:
0x1ab: {  	(tag) =	ssettag $0x2  }
0x1ac: {  	s0 =	rddreg [dreg:$0x0];
	s2 =	stileid.u32  }
0x1ad: {  	s1 =	rddreg [dreg:$0x1];
	p0 =	sne.s32 s2, $0x0  }
0x1ae: {  	s3 =	rddreg [dreg:$0x2];
	[bflag:$0x3] =	sbarrier.arrive $0xFFFF;
	s2 =	simm.s32 @!p0 $0x1C08  }
0x1af: {  	[timem:s3], [sflag:s2] =	dma.local @!p0 [hbm:s0], s1  }
0x1b0: {  	s0 =	simm.s32 @!p0 $0x8  }
0x1b1: {  	_ =	swait.ge @!p0 [sflag:s0], s1  }
0x1b2: {  	s1 =	ssub.s32 @!p0 $0x0, s1;
	[sflag:s0] =	ssyncset.done @!p0 $0x0  }
0x1b3: {  	[sflag:s0] =	ssyncadd.s32 @!p0 s1  }
0x1b4: {  	[bflag:$0x3] =	sbarrier.arrive $0xFFFF  }
0x1b5: {  	_ =	shalt  }

// kernel: kernel.7.cloned.1.call-start
scs
__scs_entry_jumppad:
0x0: {  	(pc) =	sbr.rel $0x88, $3  }
0x1: {  	(tag) =	ssettag $0x0;
	lr =	simm.s32 $0x1  }
0x2: {  	[smem:$0x3F97] =	sst lr;
	_ =	strace $0xD0000000  }
0x3: {  	_ = 	snop  }
0x4: {  	_ = 	snop  }
0x5: {  	_ = 	snop  }
0x6: {  	_ = 	snop  }
0x7: {  	_ = 	snop  }
__scs_overlays_trampoline_lowered:
0x8: {  	[smem:$0x3FA6] =	sst s0  }
0x9: {  	[smem:$0x3FA7] =	sst s1  }
0xa: {  	[smem:$0x3FA8] =	sst s2  }
0xb: {  	[smem:$0x3FA9] =	sst s3  }
0xc: {  	[smem:$0x3FAA] =	sst s4  }
0xd: {  	[smem:$0x3FAB] =	sst s5  }
0xe: {  	[smem:$0x3FAC] =	sst s6  }
0xf: {  	[smem:$0x3FAD] =	sst s7  }
0x10: {  	[smem:$0x3FAE] =	sst s8  }
0x11: {  	[smem:$0x3FAF] =	sst s9;
	s0 =	simm.s32 @!p0 $0x0  }
0x12: {  	s1 =	sld [smem:$0x3F95];
	s0 =	simm.s32 @p0 $0x1  }
0x13: {  	[smem:$0x3FB0] =	sst s0;
	s0 =	simm.s32 @!p1 $0x0  }
0x14: {  	s2 =	sld [smem:$0x3F94];
	s0 =	simm.s32 @p1 $0x1  }
0x15: {  	[smem:$0x3FB1] =	sst s0;
	s0 =	simm.s32 @!p2 $0x0  }
0x16: {  	s3 =	sld [smem:$0x3FDB];
	s0 =	simm.s32 @p2 $0x1  }
0x17: {  	s4 =	simm.s32 $0x1BF5;
	[smem:$0x3FB3] =	sst s0  }
0x18: {  	s0 =	sld [smem:$0x3F96];
	_ =	swait.ge [sflag:s4], $0x0  }
0x19: {  	s7 =	sld [smem:$0x3F97]  }
0x1a: {  	s8 =	sadd.s32 $0xFFFFE003, lr  }
0x1b: {  	s9 =	sadd.s32 $0xFFFFFEF7, lr;
	s5 =	simm.s32 $0xFFFFFFFF;
	p2 =	slt.u32 s8, $0xFFFFF086  }
0x1c: {  	p1 =	slt.u32 s9, $0xF7A;
	s5 =	simm.s32 @!p2 $0x0  }
0x1d: {  	s5 =	simm.s32 @p1 $0x1;
	p0 =	seq.s32 s7, s2  }
0x1e: {  	s7 =	smul.u32 @!p0 $0xF7A, s2;
	p2 =	seq.s32 @!p0 s5, $0x0  }
0x1f: {  	s9 =	smul.u32 $0xF7A, s1;
	s8 =	simm.s32 @!p0 $0x1BF5;
	p2 =	por !p2, p0  }
0x20: {  	[sflag:s8] =	ssyncset.s32 @!p0 $0xFFFFF086;
	s6 =	sadd.s32 @!p0 s3, s7;
	s7 =	simm.s32 @!p0 $0x108  }
0x21: {  	s3 =	sadd.s32 s3, s9;
	s6 =	sadd.s32 @!p0 $0x88, s6;
	s7 =	simm.s32 @p2 $0x1082  }
0x22: {  	[simem:s7], [sflag:s8] =	dma.local @!p0 [hbm:s6], $0xF7A  }
0x23: {  	s9 =	sor.u32 $0xD0000000, s2;
	s6 =	simm.s32 $0x108;
	_ =	swait.ge @!p0 [sflag:s8], $0x0  }
0x24: {  	s3 =	sadd.s32 $0x88, s3;
	s6 =	simm.s32 @!p1 $0x1082;
	[sflag:s4] =	ssyncset.s32 $0xFFFFF086  }
0x25: {  	[simem:s6], [sflag:s4] =	dma.local [hbm:s3], $0xF7A  }
0x26: {  	[smem:$0x3F97] =	sst s1;
	(tag) =	ssettag s2;
	_ =	strace s9  }
0x27: {  	s1 =	sld [smem:$0x3FA7]  }
0x28: {  	s2 =	sld [smem:$0x3FA8]  }
0x29: {  	s4 =	sld [smem:$0x3FAA]  }
0x2a: {  	p0 =	seq.s32 s5, $0x0;
	s5 =	sld [smem:$0x3FAB]  }
0x2b: {  	s6 =	sld [smem:$0x3FAC]  }
0x2c: {  	s7 =	sld [smem:$0x3FAD]  }
0x2d: {  	s3 =	simm.s32 $0x108;
	s8 =	sld [smem:$0x3FAE]  }
0x2e: {  	s3 =	simm.s32 @!p0 $0x1082;
	s9 =	sld [smem:$0x3FAF]  }
0x2f: {  	lr =	sadd.s32 s0, s3;
	s0 =	sld [smem:$0x3FA6]  }
0x30: {  	s3 =	sld [smem:$0x3FA9]  }
0x31: {  	[smem:$0x3FB2] =	sst s10  }
0x32: {  	s10 =	sld [smem:$0x3FB0];
	_ =	sdelay $0x3  }
0x33: {  	p0 =	seq.s32 s10, $0x1;
	s10 =	sld [smem:$0x3FB2];
	_ =	sdelay $0x3  }
0x34: {  	[smem:$0x3FB2] =	sst s10  }
0x35: {  	s10 =	sld [smem:$0x3FB1];
	_ =	sdelay $0x3  }
0x36: {  	p1 =	seq.s32 s10, $0x1;
	s10 =	sld [smem:$0x3FB2];
	_ =	sdelay $0x3  }
0x37: {  	[smem:$0x3FB2] =	sst s10  }
0x38: {  	s10 =	sld [smem:$0x3FB3]  }
0x39: {  	_ = 	snop;
	(pc) =	sbr.ind lr, $3  }
0x3a: {  	_ = 	snop  }
0x3b: {  	_ = 	snop  }
0x3c: {  	p2 =	seq.s32 s10, $0x1;
	s10 =	sld [smem:$0x3FB2]  }
0x3d: {  	_ =	shalt  }
0x3e: {  	_ =	shalt  }
0x3f: {  	_ =	shalt  }
0x40: {  	_ =	shalt  }
0x41: {  	_ =	shalt  }
0x42: {  	_ =	shalt  }
0x43: {  	_ =	shalt  }
0x44: {  	_ =	shalt  }
0x45: {  	_ =	shalt  }
0x46: {  	_ =	shalt  }
0x47: {  	_ =	shalt  }
0x48: {  	_ =	shalt  }
0x49: {  	_ =	shalt  }
0x4a: {  	_ =	shalt  }
0x4b: {  	_ =	shalt  }
0x4c: {  	_ =	shalt  }
0x4d: {  	_ =	shalt  }
0x4e: {  	_ =	shalt  }
0x4f: {  	_ =	shalt  }
0x50: {  	_ =	shalt  }
0x51: {  	_ =	shalt  }
0x52: {  	_ =	shalt  }
0x53: {  	_ =	shalt  }
0x54: {  	_ =	shalt  }
0x55: {  	_ =	shalt  }
0x56: {  	_ =	shalt  }
0x57: {  	_ =	shalt  }
0x58: {  	_ =	shalt  }
0x59: {  	_ =	shalt  }
0x5a: {  	_ =	shalt  }
0x5b: {  	_ =	shalt  }
0x5c: {  	_ =	shalt  }
0x5d: {  	_ =	shalt  }
0x5e: {  	_ =	shalt  }
0x5f: {  	_ =	shalt  }
0x60: {  	_ =	shalt  }
0x61: {  	_ =	shalt  }
0x62: {  	_ =	shalt  }
0x63: {  	_ =	shalt  }
0x64: {  	_ =	shalt  }
0x65: {  	_ =	shalt  }
0x66: {  	_ =	shalt  }
0x67: {  	_ =	shalt  }
0x68: {  	_ =	shalt  }
0x69: {  	_ =	shalt  }
0x6a: {  	_ =	shalt  }
0x6b: {  	_ =	shalt  }
0x6c: {  	_ =	shalt  }
0x6d: {  	_ =	shalt  }
0x6e: {  	_ =	shalt  }
0x6f: {  	_ =	shalt  }
0x70: {  	_ =	shalt  }
0x71: {  	_ =	shalt  }
0x72: {  	_ =	shalt  }
0x73: {  	_ =	shalt  }
0x74: {  	_ =	shalt  }
0x75: {  	_ =	shalt  }
0x76: {  	_ =	shalt  }
0x77: {  	_ =	shalt  }
0x78: {  	_ =	shalt  }
0x79: {  	_ =	shalt  }
0x7a: {  	_ =	shalt  }
0x7b: {  	_ =	shalt  }
0x7c: {  	_ =	shalt  }
0x7d: {  	_ =	shalt  }
0x7e: {  	_ =	shalt  }
0x7f: {  	_ =	shalt  }
0x80: {  	_ =	shalt  }
0x81: {  	_ =	shalt  }
0x82: {  	_ =	shalt  }
0x83: {  	_ =	shalt  }
0x84: {  	_ =	shalt  }
0x85: {  	_ =	shalt  }
0x86: {  	_ =	shalt  }
0x87: {  	_ =	shalt  }
.Lfunc_end0:
.L_simem_size_0:
called_computation_lowered:
.L_overlay_start_0:
0x88: {  	s2 =	sld [smem:$0x3FD9]  }
0x89: {  	s3 =	sld [smem:$0x3FFE];
	_ =	sdelay $0x1  }
0x8a: {  	s1 =	srdreg.scid  }
0x8b: {  	s0 =	sand.u32 $0x1, s1  }
0x8c: {  	s16 =	sshll.u32 s0, $0xA;
	s2 =	sadd.s32 s3, s2  }
0x8d: {  	s2 =	sadd.s32 s2, s16  }
0x8e: {  	[smem:$0x3FBE] =	sst s2  }
0x8f: {  	_ = 	snop  }
0x90: {  	(tm) =	ssettm $0x1  }
0x91: {  	s17 =	sld [smem:$0x3FFB];
	_ =	sdelay $0x3  }
0x92: {  	_ =	strace s17  }
0x93: {  	s2 =	sld [smem:$0x3FFC];
	_ =	sdelay $0x3  }
0x94: {  	_ =	strace s2  }
0x95: {  	s2 =	sld [smem:$0x3FFD];
	_ =	sdelay $0x3  }
0x96: {  	_ =	strace s2  }
0x97: {  	_ =	strace $0x8FFFFFFF  }
0x98: {  	s18 =	sld [smem:$0x3FDB];
	_ =	sdelay $0x1  }
0x99: {  	s19 =	simm.s32 $_scs_section_size  }
0x9a: {  	s4 =	simm.s32 $_size__tile_overlayer_lowered;
	s5 =	simm.s32 $_tile_overlayer_lowered  }
0x9b: {  	s22 =	simm.s32 $0x1BFF;
	s21 =	sshll.u32 s5, $0x1;
	s2 =	sadd.s32 s19, s18  }
0x9c: {  	s6 =	simm.s32 $0x0;
	s20 =	sshll.u32 s4, $0x1;
	s4 =	sadd.s32 s21, s2  }
0x9d: {  	[timem:s6], [sflag:s22] =	dma.local [hbm:s4], s20  }
0x9e: {  	_ =	swait.ge [sflag:s22], s20  }
0x9f: {  	s3 =	ssub.s32 $0x0, s20;
	[sflag:s22] =	ssyncset.done $0x0  }
0xa0: {  	[sflag:s22] =	ssyncadd.s32 s3;
	_ =	sdelay $0x1  }
0xa1: {  	s23 =	simm.s32 $0x1B8B  }
0xa2: {  	_ =	swait.ge [sflag:s23], $0x1  }
0xa3: {  	[sflag:s23] =	ssyncset.done $0x0  }
0xa4: {  	s25 =	simm.s32 $0x1B8E;
	s24 =	sld [smem:$0x3FFE];
	[sflag:s23] =	ssyncadd.s32 $0xFFFFFFFF  }
0xa5: {  	s26 =	simm.s32 $execute0_lowered;
	[smem:$0x3FD2] =	sst s25  }
0xa6: {  	s4 =	sshll.u32 s26, $0x1;
	_ =	strace $0x80000046;
	[dreg:$0x1] =	wrdreg $0xFFFFFFFF  }
0xa7: {  	s28 =	simm.s32 $_size_execute0_lowered;
	s2 =	sadd.s32 s2, s4;
	[dreg:$0x0] =	wrdreg $0x0  }
0xa8: {  	s4 =	sshll.u32 s28, $0x1;
	[dreg:$0x2] =	wrdreg s2  }
0xa9: {  	[dreg:$0x3] =	wrdreg s4  }
0xaa: {  	[dreg:$0x4] =	wrdreg $0xC0  }
0xab: {  	_ =	task [dreg:s6], $0x5FFFF  }
0xac: {  	[dreg:$0x1] =	wrdreg $0xFFFFFFFF  }
0xad: {  	[dreg:$0x0] =	wrdreg $0x60  }
0xae: {  	[dreg:$0x2] =	wrdreg s24  }
0xaf: {  	[dreg:$0x3] =	wrdreg $0x148100  }
0xb0: {  	[dreg:$0x4] =	wrdreg $0x98000  }
0xb1: {  	[dreg:$0x5] =	wrdreg $0x9  }
0xb2: {  	_ =	task.clear_ibuf [dreg:s6], $0x6FFFF;
	_ =	strace $0x90000046  }
0xb3: {  	s29 =	simm.s32 $0x9;
	_ =	strace $0x80000048  }
0xb4: {  	_ =	swait.ge [sflag:s29], $0x1  }
0xb5: {  	[sflag:s29] =	ssyncadd.s32 $0xFFFFFFFF  }
0xb6: {  	_ =	strace $0x90000048  }
0xb7: {  	_ =	sfence  }
0xb8: {  	s30 =	sld [smem:$0x0];
	_ =	sdelay $0x2  }
0xb9: {  	s31 =	sshll.u32 s1, $0xD;
	s1 =	sshrl.u32 s1, $0x2  }
0xba: {  	s3 =	sand.u32 $0x4000, s31;
	s1 =	sadd.s32 s1, s30  }
0xbb: {  	s0 =	sor.u32 s3, s0;
	s1 =	sshll.u32 s1, $0x11  }
0xbc: {  	s0 =	sor.u32 s1, s0  }
0xbd: {  	s0 =	sadd.s32 $0x8F2B, s0  }
0xbe: {  	[sflag:s0] =	ssyncadd.remote.s32 $0x1  }
0xbf: {  	_ =	sfence.sel $0xFFFF  }
0xc0: {  	[dreg:$0x0] =	wrdreg $0xFFFFFFFF;
	(pc) =	sbr.abs _section_cstart, $3  }
0xc1: {  	[dreg:$0x1] =	wrdreg $0xFFFFFFFF  }
0xc2: {  	_ =	task.clear_ibuf [dreg:s6], $0x2FFFF;
	_ =	strace $0x9FFFFFFF  }
0xc3: {  	(tm) =	ssettm $0x7FFFFFFF  }
tec
execute0_lowered:
.L_overlay_start_1:
0x0: {  	(tag) =	ssettag $0x1  }
0x1: {  	s2 =	rddreg [dreg:$0x0]  }
0x2: {  	s1 =	rddreg [dreg:$0x1]  }
0x3: {  	s3 =	rddreg [dreg:$0x2]  }
0x4: {  	s4 =	simm.s32 $0x0;
	s14 =	stileid.u32;
	s0 =	srdreg.scid  }
0x5: {  	[smem:$0x7FF] =	sst s4;
	s5 =	smul.u32 $0xB010, s14  }
0x6: {  	s6 =	sadd.s32 $0x16800, s2;
	s7 =	sand.u32 $0x1, s0;
	s25 =	smul.u32 $0xA0, s14  }
0x7: {  	s8 =	sadd.s32 $0x2800, s2;
	s26 =	sshll.u32 s14, $0x6;
	s9 =	smul.u32 $0x16020, s7  }
0x8: {  	_ =	strace $0x80000047;
	s10 =	ssub.s32 $0x2, s7;
	s13 =	smul.u32 $0xA00, s7  }
0x9: {  	s7 =	sshll.u32 s7, $0x4;
	[dreg:$0x14] =	wrdreg s26;
	s0 =	sshrl.u32 s5, $0x3  }
0xa: {  	s12 =	sshrl.u32 s10, $0x1;
	s11 =	sadd.s32 s0, s2;
	s2 =	sadd.s32 s9, s2  }
0xb: {  	s9 =	ssub.s32 s10, s12;
	s12 =	sadd.s32 s5, s1;
	s5 =	sadd.s32 s5, s3  }
0xc: {  	s14 =	sor.u32 s14, s7;
	s15 =	sadd.s32 $0x2A800, s11;
	[dreg:$0x16] =	wrdreg s5  }
0xd: {  	s16 =	smul.u32 $0xA00, s14;
	s17 =	sadd.s32 $0x40A00, s11;
	[dreg:$0x13] =	wrdreg s15  }
0xe: {  	s10 =	sadd.s32 s25, s13;
	s15 =	sor.u32 $0x1C07, s26;
	[dreg:$0x17] =	wrdreg s17  }
0xf: {  	s10 =	sshll.u32 s10, $0x4;
	s19 =	sadd.s32 s6, s16;
	[dreg:$0x15] =	wrdreg s15  }
0x10: {  	s2 =	sadd.s32 $0x56C00, s2;
	s20 =	sadd.s32 s8, s16;
	[dreg:$0x18] =	wrdreg s19  }
0x11: {  	s18 =	sor.u32 $0xA0, s10;
	s0 =	sadd.s32 s0, s2;
	[dreg:$0x19] =	wrdreg s20  }
0x12: {  	s28 =	simm.s32 $0x2;
	s21 =	sadd.s32 s18, s6;
	[dreg:$0x1e] =	wrdreg s0  }
0x13: {  	s22 =	sor.u32 $0x80, s10;
	s5 =	sadd.s32 s18, s8;
	[dreg:$0x4] =	wrdreg s21  }
0x14: {  	s13 =	sor.u32 $0x20, s16;
	s23 =	sadd.s32 s22, s6;
	[dreg:$0x5] =	wrdreg s5  }
0x15: {  	s29 =	simm.s32 $0x5000;
	s26 =	sadd.s32 s6, s13;
	[dreg:$0x6] =	wrdreg s23  }
0x16: {  	s25 =	sor.u32 $0x60, s10;
	s24 =	sadd.s32 s22, s8;
	[dreg:$0x1a] =	wrdreg s26  }
0x17: {  	s30 =	simm.s32 $0x7400;
	s7 =	sadd.s32 s25, s6;
	[dreg:$0x7] =	wrdreg s24  }
0x18: {  	s31 =	simm.s32 $0x300;
	s15 =	sadd.s32 s8, s13;
	[dreg:$0x8] =	wrdreg s7  }
0x19: {  	s10 =	sor.u32 $0x40, s10;
	s14 =	sadd.s32 s25, s8;
	[dreg:$0x1b] =	wrdreg s15  }
0x1a: {  	s11 =	simm.s32 $0x0;
	s16 =	sadd.s32 s10, s6;
	[dreg:$0x9] =	wrdreg s14  }
0x1b: {  	s2 =	simm.s32 $0x5;
	s18 =	smax.u32 s9, $0x1;
	[dreg:$0xa] =	wrdreg s16  }
0x1c: {  	s17 =	sadd.s32 s10, s8;
	s19 =	simm.s32 $0x480;
	[dreg:$0x1c] =	wrdreg s18  }
0x1d: {  	s20 =	sshrl.u32 s12, $0x3;
	s22 =	simm.s32 $0x580;
	[dreg:$0xb] =	wrdreg s17  }
0x1e: {  	s25 =	simm.s32 $0x380;
	s0 =	simm.s32 $0x700;
	[dreg:$0x1d] =	wrdreg s20  }
0x1f: {  	s8 =	simm.s32 $0x6;
	s9 =	simm.s32 $0x4;
	[dreg:$0xc] =	wrdreg s19  }
0x20: {  	s21 =	simm.s32 $0x180;
	s16 =	simm.s32 $0x7;
	s17 =	simm.s32 $0x400  }
0x21: {  	[dreg:$0xe] =	wrdreg s22;
	s23 =	simm.s32 $0x280;
	s18 =	simm.s32 $0x100  }
0x22: {  	s24 =	simm.s32 $0x680;
	s19 =	simm.s32 $0x500;
	[dreg:$0x11] =	wrdreg s25  }
0x23: {  	s20 =	simm.s32 $0x1;
	s26 =	simm.s32 $0x780;
	[dreg:$0xd] =	wrdreg s21  }
0x24: {  	s22 =	simm.s32 $0x800;
	s25 =	simm.s32 $0x200;
	[dreg:$0xf] =	wrdreg s23  }
0x25: {  	s5 =	simm.s32 $0x3;
	[dreg:$0x10] =	wrdreg s24;
	s21 =	simm.s32 $0x80  }
0x26: {  	[dreg:$0x12] =	wrdreg s26;
	s23 =	simm.s32 $0x2C00;
	s26 =	simm.s32 $0x600  }
.LBB2_1:
0x27: {  	s6 =	rddreg [dreg:$0x13]  }
0x28: {  	s7 =	rddreg [dreg:$0x15]  }
0x29: {  	s10 =	rddreg [dreg:$0x1d]  }
0x2a: {  	[spmem:s10], [sflag:s7] =	dma.local [hbm:s6], $0x1602  }
0x2b: {  	s6 =	rddreg [dreg:$0x16]  }
0x2c: {  	s10 =	rddreg [dreg:$0x17];
	s6 =	sshrl.u32 s6, $0x3  }
0x2d: {  	[spmem:s6], [sflag:s7] =	dma.local [hbm:s10], $0x1602  }
0x2e: {  	_ =	swait.ge [sflag:s16], $0x1602  }
0x2f: {  	[sflag:s16] =	ssyncset.done $0x0  }
0x30: {  	[sflag:s16] =	ssyncadd.s32 $0xFFFFE9FE  }
0x31: {  	_ =	swait.ge [sflag:s16], $0x1602  }
0x32: {  	[sflag:s16] =	ssyncset.done $0x0  }
0x33: {  	[sflag:s16] =	ssyncadd.s32 $0xFFFFE9FE  }
0x34: {  	[bflag:$0x0] =	sbarrier.arrive $0xFFFF  }
0x35: {  	s10 =	rddreg [dreg:$0x18]  }
0x36: {  	[tilespmem:s4], [sflag:$0x1] =	stream.linear.gather [hbm4b:s10+s4], $0x100, $0x38;
	[tilespmem:$0x1F820] =	vst v63  }
0x37: {  	s12 =	rddreg [dreg:$0x19]  }
0x38: {  	[tilespmem:s17], [sflag:$0x1] =	stream.linear.gather [hbm4b:s12+s4], $0x100, $0x38;
	[tilespmem:$0x1F820] =	vst v63  }
0x39: {  	p0 =	por $0x1, $0x1;
	s13 =	rddreg [dreg:$0x1a]  }
0x3a: {  	[tilespmem:s18], [sflag:$0x2] =	stream.linear.gather [hbm4b:s13+s4], $0x100, $0x38;
	[tilespmem:$0x1F820] =	vst v63  }
0x3b: {  	s14 =	rddreg [dreg:$0x1b];
	s12 =	simm.s32 @!p0 $0x5  }
0x3c: {  	[tilespmem:s19], [sflag:$0x2] =	stream.linear.gather [hbm4b:s14+s4], $0x100, $0x38;
	[tilespmem:$0x1F820] =	vst v63  }
0x3d: {  	_ =	swait.ge @!p0 [sflag:s12], $0x2400  }
0x3e: {  	[sflag:s12] =	ssyncset.done @!p0 $0x0  }
0x3f: {  	[sflag:s12] =	ssyncadd.s32 @!p0 $0xFFFFDC00  }
0x40: {  	_ =	swait.ge @!p0 [sflag:s12], $0x2400  }
0x41: {  	[sflag:s12] =	ssyncset.done @!p0 $0x0  }
0x42: {  	[sflag:s12] =	ssyncadd.s32 @!p0 $0xFFFFDC00  }
0x43: {  	_ =	swait.ge [sflag:s20], $0x100  }
0x44: {  	[sflag:s20] =	ssyncset.done $0x0  }
0x45: {  	[sflag:s20] =	ssyncadd.s32 $0xFFFFFF00  }
0x46: {  	_ =	swait.ge [sflag:s20], $0x100  }
0x47: {  	[sflag:s20] =	ssyncset.done $0x0  }
0x48: {  	[sflag:s20] =	ssyncadd.s32 $0xFFFFFF00  }
0x49: {  	[tilespmem:s22], [sflag:$0x7] =	stream.indirect.gather [spmem:s1], $0x48, s4, s21, $0xb8;
	[tilespmem:$0x1F820] =	vst v63  }
0x4a: {  	s15 =	rddreg [dreg:$0xa]  }
0x4b: {  	[tilespmem:s23], [sflag:$0x7] =	stream.indirect.gather [spmem:s1], $0x48, s21, s21, $0xb8;
	[tilespmem:$0x1F820] =	vst v63  }
0x4c: {  	s13 =	rddreg [dreg:$0xb];
	s12 =	sadd.s32 $0x0, s15  }
0x4d: {  	[tilespmem:s25], [sflag:$0x3] =	stream.linear.gather [hbm4b:s12+s4], $0x100, $0x38;
	[tilespmem:$0x1F820] =	vst v63  }
0x4e: {  	s24 =	sadd.s32 $0x0, s13  }
0x4f: {  	[tilespmem:s26], [sflag:$0x3] =	stream.linear.gather [hbm4b:s24+s4], $0x100, $0x38;
	[tilespmem:$0x1F820] =	vst v63  }
0x50: {  	_ =	swait.ge [sflag:s16], $0x2400  }
0x51: {  	[sflag:s16] =	ssyncset.done $0x0  }
0x52: {  	[sflag:s16] =	ssyncadd.s32 $0xFFFFDC00  }
0x53: {  	_ =	swait.ge [sflag:s16], $0x2400  }
0x54: {  	[sflag:s16] =	ssyncset.done $0x0  }
0x55: {  	[sflag:s16] =	ssyncadd.s32 $0xFFFFDC00  }
0x56: {  	[spmem:s3] =	stream.indirect.scatter.add.f32 [tilespmem:s22], [sflag:$0x5], $0x48, s17, s21, $0xb8;
	[tilespmem:$0x1F820] =	vst v63  }
0x57: {  	s13 =	simm.s32 @!p0 $0x6;
	s7 =	rddreg [dreg:$0xc]  }
0x58: {  	[spmem:s3] =	stream.indirect.scatter.add.f32 [tilespmem:s23], [sflag:$0x5], $0x48, s7, s21, $0xb8;
	[tilespmem:$0x1F820] =	vst v63  }
0x59: {  	_ =	swait.ge @!p0 [sflag:s13], $0x2400  }
0x5a: {  	[sflag:s13] =	ssyncset.done @!p0 $0x0  }
0x5b: {  	[sflag:s13] =	ssyncadd.s32 @!p0 $0xFFFFDC00  }
0x5c: {  	_ =	swait.ge @!p0 [sflag:s13], $0x2400  }
0x5d: {  	[sflag:s13] =	ssyncset.done @!p0 $0x0  }
0x5e: {  	[sflag:s13] =	ssyncadd.s32 @!p0 $0xFFFFDC00  }
0x5f: {  	_ =	swait.ge [sflag:s28], $0x100  }
0x60: {  	[sflag:s28] =	ssyncset.done $0x0  }
0x61: {  	[sflag:s28] =	ssyncadd.s32 $0xFFFFFF00  }
0x62: {  	_ =	swait.ge [sflag:s28], $0x100  }
0x63: {  	[sflag:s28] =	ssyncset.done $0x0  }
0x64: {  	s10 =	rddreg [dreg:$0x8];
	[sflag:s28] =	ssyncadd.s32 $0xFFFFFF00  }
0x65: {  	[tilespmem:s29], [sflag:$0x7] =	stream.indirect.gather [spmem:s1], $0x48, s18, s21, $0xb8;
	[tilespmem:$0x1F820] =	vst v63  }
0x66: {  	s15 =	rddreg [dreg:$0xd]  }
0x67: {  	[tilespmem:s30], [sflag:$0x7] =	stream.indirect.gather [spmem:s1], $0x48, s15, s21, $0xb8;
	[tilespmem:$0x1F820] =	vst v63  }
0x68: {  	s14 =	rddreg [dreg:$0x9];
	s12 =	sadd.s32 $0x0, s10  }
0x69: {  	[tilespmem:s31], [sflag:$0x4] =	stream.linear.gather [hbm4b:s12+s4], $0x100, $0x38;
	[tilespmem:$0x1F820] =	vst v63  }
0x6a: {  	s24 =	sadd.s32 $0x0, s14  }
0x6b: {  	[tilespmem:s0], [sflag:$0x4] =	stream.linear.gather [hbm4b:s24+s4], $0x100, $0x38;
	[tilespmem:$0x1F820] =	vst v63  }
0x6c: {  	_ =	swait.ge [sflag:s16], $0x2400  }
0x6d: {  	[sflag:s16] =	ssyncset.done $0x0  }
0x6e: {  	[sflag:s16] =	ssyncadd.s32 $0xFFFFDC00  }
0x6f: {  	_ =	swait.ge [sflag:s16], $0x2400  }
0x70: {  	[sflag:s16] =	ssyncset.done $0x0  }
0x71: {  	[sflag:s16] =	ssyncadd.s32 $0xFFFFDC00  }
0x72: {  	[spmem:s3] =	stream.indirect.scatter.add.f32 [tilespmem:s29], [sflag:$0x6], $0x48, s19, s21, $0xb8;
	[tilespmem:$0x1F820] =	vst v63  }
0x73: {  	s7 =	rddreg [dreg:$0xe]  }
0x74: {  	[spmem:s3] =	stream.indirect.scatter.add.f32 [tilespmem:s30], [sflag:$0x6], $0x48, s7, s21, $0xb8;
	[tilespmem:$0x1F820] =	vst v63  }
0x75: {  	_ =	swait.ge [sflag:s2], $0x2400  }
0x76: {  	[sflag:s2] =	ssyncset.done $0x0  }
0x77: {  	[sflag:s2] =	ssyncadd.s32 $0xFFFFDC00  }
0x78: {  	_ =	swait.ge [sflag:s2], $0x2400  }
0x79: {  	[sflag:s2] =	ssyncset.done $0x0  }
0x7a: {  	[sflag:s2] =	ssyncadd.s32 $0xFFFFDC00  }
0x7b: {  	_ =	swait.ge [sflag:s5], $0x100  }
0x7c: {  	[sflag:s5] =	ssyncset.done $0x0  }
0x7d: {  	[sflag:s5] =	ssyncadd.s32 $0xFFFFFF00  }
0x7e: {  	_ =	swait.ge [sflag:s5], $0x100  }
0x7f: {  	[sflag:s5] =	ssyncset.done $0x0  }
0x80: {  	s12 =	rddreg [dreg:$0x6];
	[sflag:s5] =	ssyncadd.s32 $0xFFFFFF00  }
0x81: {  	[tilespmem:s22], [sflag:$0x7] =	stream.indirect.gather [spmem:s1], $0x48, s25, s21, $0xb8;
	[tilespmem:$0x1F820] =	vst v63  }
0x82: {  	p0 =	por $0x0, $0x0;
	s10 =	rddreg [dreg:$0xf]  }
0x83: {  	[tilespmem:s23], [sflag:$0x7] =	stream.indirect.gather [spmem:s1], $0x48, s10, s21, $0xb8;
	[tilespmem:$0x1F820] =	vst v63  }
0x84: {  	s13 =	simm.s32 @!p0 $0x0;
	s14 =	rddreg [dreg:$0x7];
	s12 =	sadd.s32 @!p0 $0x0, s12  }
0x85: {  	[tilespmem:s13], [sflag:$0x1] =	stream.linear.gather @!p0 [hbm4b:s12+s13], $0x100, $0x38;
	[tilespmem:$0x1F820] =	vst v63  }
0x86: {  	s12 =	sadd.s32 @!p0 $0x0, s14;
	s14 =	simm.s32 @!p0 $0x400  }
0x87: {  	[tilespmem:s14], [sflag:$0x1] =	stream.linear.gather @!p0 [hbm4b:s12+s13], $0x100, $0x38;
	[tilespmem:$0x1F820] =	vst v63  }
0x88: {  	_ =	swait.ge [sflag:s16], $0x2400  }
0x89: {  	[sflag:s16] =	ssyncset.done $0x0  }
0x8a: {  	[sflag:s16] =	ssyncadd.s32 $0xFFFFDC00  }
0x8b: {  	_ =	swait.ge [sflag:s16], $0x2400  }
0x8c: {  	[sflag:s16] =	ssyncset.done $0x0  }
0x8d: {  	[sflag:s16] =	ssyncadd.s32 $0xFFFFDC00  }
0x8e: {  	[spmem:s3] =	stream.indirect.scatter.add.f32 [tilespmem:s22], [sflag:$0x5], $0x48, s26, s21, $0xb8;
	[tilespmem:$0x1F820] =	vst v63  }
0x8f: {  	s15 =	rddreg [dreg:$0x10]  }
0x90: {  	[spmem:s3] =	stream.indirect.scatter.add.f32 [tilespmem:s23], [sflag:$0x5], $0x48, s15, s21, $0xb8;
	[tilespmem:$0x1F820] =	vst v63  }
0x91: {  	_ =	swait.ge [sflag:s8], $0x2400  }
0x92: {  	[sflag:s8] =	ssyncset.done $0x0  }
0x93: {  	[sflag:s8] =	ssyncadd.s32 $0xFFFFDC00  }
0x94: {  	_ =	swait.ge [sflag:s8], $0x2400  }
0x95: {  	[sflag:s8] =	ssyncset.done $0x0  }
0x96: {  	[sflag:s8] =	ssyncadd.s32 $0xFFFFDC00  }
0x97: {  	_ =	swait.ge [sflag:s9], $0x100  }
0x98: {  	[sflag:s9] =	ssyncset.done $0x0  }
0x99: {  	[sflag:s9] =	ssyncadd.s32 $0xFFFFFF00  }
0x9a: {  	_ =	swait.ge [sflag:s9], $0x100  }
0x9b: {  	[sflag:s9] =	ssyncset.done $0x0  }
0x9c: {  	s12 =	rddreg [dreg:$0x4];
	[sflag:s9] =	ssyncadd.s32 $0xFFFFFF00  }
0x9d: {  	[tilespmem:s29], [sflag:$0x7] =	stream.indirect.gather [spmem:s1], $0x48, s31, s21, $0xb8;
	[tilespmem:$0x1F820] =	vst v63  }
0x9e: {  	s24 =	rddreg [dreg:$0x11]  }
0x9f: {  	[tilespmem:s30], [sflag:$0x7] =	stream.indirect.gather [spmem:s1], $0x48, s24, s21, $0xb8;
	[tilespmem:$0x1F820] =	vst v63  }
0xa0: {  	s14 =	simm.s32 @!p0 $0x100;
	s15 =	rddreg [dreg:$0x5];
	s12 =	sadd.s32 @!p0 $0x0, s12  }
0xa1: {  	[tilespmem:s14], [sflag:$0x2] =	stream.linear.gather @!p0 [hbm4b:s12+s13], $0x100, $0x38;
	[tilespmem:$0x1F820] =	vst v63  }
0xa2: {  	s12 =	sadd.s32 @!p0 $0x0, s15;
	s14 =	simm.s32 @!p0 $0x500  }
0xa3: {  	[tilespmem:s14], [sflag:$0x2] =	stream.linear.gather @!p0 [hbm4b:s12+s13], $0x100, $0x38;
	[tilespmem:$0x1F820] =	vst v63  }
0xa4: {  	_ =	swait.ge [sflag:s16], $0x2400  }
0xa5: {  	[sflag:s16] =	ssyncset.done $0x0  }
0xa6: {  	[sflag:s16] =	ssyncadd.s32 $0xFFFFDC00  }
0xa7: {  	_ =	swait.ge [sflag:s16], $0x2400  }
0xa8: {  	p1 =	por $0x0, $0x0;
	s12 =	simm.s32 $0x80;
	[sflag:s16] =	ssyncset.done $0x0  }
0xa9: {  	s13 =	simm.s32 $0x100;
	s15 =	rddreg [dreg:$0x12];
	[sflag:s16] =	ssyncadd.s32 $0xFFFFDC00  }
0xaa: {  	[spmem:s3] =	stream.indirect.scatter.add.f32 [tilespmem:s29], [sflag:$0x6], $0x48, s0, s21, $0xb8;
	[tilespmem:$0x1F820] =	vst v63  }
.LBB2_2:
0xab: {  	s24 =	simm.s32 @!p1 $0x5  }
0xac: {  	[spmem:s3] =	stream.indirect.scatter.add.f32 [tilespmem:s30], [sflag:$0x6], $0x48, s15, s21, $0xb8;
	[tilespmem:$0x1F820] =	vst v63  }
0xad: {  	_ =	swait.ge @!p1 [sflag:s24], $0x2400  }
0xae: {  	[sflag:s24] =	ssyncset.done @!p1 $0x0  }
0xaf: {  	[sflag:s24] =	ssyncadd.s32 @!p1 $0xFFFFDC00  }
0xb0: {  	_ =	swait.ge @!p1 [sflag:s24], $0x2400  }
0xb1: {  	[sflag:s24] =	ssyncset.done @!p1 $0x0  }
0xb2: {  	[sflag:s24] =	ssyncadd.s32 @!p1 $0xFFFFDC00  }
0xb3: {  	_ =	swait.ge [sflag:s20], $0x100  }
0xb4: {  	[sflag:s20] =	ssyncset.done $0x0  }
0xb5: {  	[sflag:s20] =	ssyncadd.s32 $0xFFFFFF00  }
0xb6: {  	_ =	swait.ge [sflag:s20], $0x100  }
0xb7: {  	[sflag:s20] =	ssyncset.done $0x0  }
0xb8: {  	[sflag:s20] =	ssyncadd.s32 $0xFFFFFF00  }
0xb9: {  	[tilespmem:s22], [sflag:$0x7] =	stream.indirect.gather [spmem:s1], $0x48, s4, s21, $0xb8;
	[tilespmem:$0x1F820] =	vst v63  }
0xba: {  	s7 =	rddreg [dreg:$0xa]  }
0xbb: {  	[tilespmem:s23], [sflag:$0x7] =	stream.indirect.gather [spmem:s1], $0x48, s21, s21, $0xb8;
	[tilespmem:$0x1F820] =	vst v63  }
0xbc: {  	s10 =	rddreg [dreg:$0xb];
	s15 =	sadd.s32 s12, s7  }
0xbd: {  	[tilespmem:s25], [sflag:$0x3] =	stream.linear.gather [hbm4b:s15+s4], $0x100, $0x38;
	[tilespmem:$0x1F820] =	vst v63  }
0xbe: {  	s7 =	sadd.s32 s12, s10  }
0xbf: {  	[tilespmem:s26], [sflag:$0x3] =	stream.linear.gather [hbm4b:s7+s4], $0x100, $0x38;
	[tilespmem:$0x1F820] =	vst v63  }
0xc0: {  	_ =	swait.ge [sflag:s16], $0x2400  }
0xc1: {  	[sflag:s16] =	ssyncset.done $0x0  }
0xc2: {  	[sflag:s16] =	ssyncadd.s32 $0xFFFFDC00  }
0xc3: {  	_ =	swait.ge [sflag:s16], $0x2400  }
0xc4: {  	[sflag:s16] =	ssyncset.done $0x0  }
0xc5: {  	[sflag:s16] =	ssyncadd.s32 $0xFFFFDC00  }
0xc6: {  	[spmem:s3] =	stream.indirect.scatter.add.f32 [tilespmem:s22], [sflag:$0x5], $0x48, s17, s21, $0xb8;
	[tilespmem:$0x1F820] =	vst v63  }
0xc7: {  	s24 =	simm.s32 @!p1 $0x6;
	s10 =	rddreg [dreg:$0xc]  }
0xc8: {  	[spmem:s3] =	stream.indirect.scatter.add.f32 [tilespmem:s23], [sflag:$0x5], $0x48, s10, s21, $0xb8;
	[tilespmem:$0x1F820] =	vst v63  }
0xc9: {  	_ =	swait.ge @!p1 [sflag:s24], $0x2400  }
0xca: {  	[sflag:s24] =	ssyncset.done @!p1 $0x0  }
0xcb: {  	[sflag:s24] =	ssyncadd.s32 @!p1 $0xFFFFDC00  }
0xcc: {  	_ =	swait.ge @!p1 [sflag:s24], $0x2400  }
0xcd: {  	[sflag:s24] =	ssyncset.done @!p1 $0x0  }
0xce: {  	[sflag:s24] =	ssyncadd.s32 @!p1 $0xFFFFDC00  }
0xcf: {  	_ =	swait.ge [sflag:s28], $0x100  }
0xd0: {  	[sflag:s28] =	ssyncset.done $0x0  }
0xd1: {  	[sflag:s28] =	ssyncadd.s32 $0xFFFFFF00  }
0xd2: {  	_ =	swait.ge [sflag:s28], $0x100  }
0xd3: {  	[sflag:s28] =	ssyncset.done $0x0  }
0xd4: {  	s15 =	rddreg [dreg:$0x8];
	[sflag:s28] =	ssyncadd.s32 $0xFFFFFF00  }
0xd5: {  	[tilespmem:s29], [sflag:$0x7] =	stream.indirect.gather [spmem:s1], $0x48, s18, s21, $0xb8;
	[tilespmem:$0x1F820] =	vst v63  }
0xd6: {  	s7 =	rddreg [dreg:$0xd]  }
0xd7: {  	[tilespmem:s30], [sflag:$0x7] =	stream.indirect.gather [spmem:s1], $0x48, s7, s21, $0xb8;
	[tilespmem:$0x1F820] =	vst v63  }
0xd8: {  	s10 =	rddreg [dreg:$0x9];
	s15 =	sadd.s32 s12, s15  }
0xd9: {  	[tilespmem:s31], [sflag:$0x4] =	stream.linear.gather [hbm4b:s15+s4], $0x100, $0x38;
	[tilespmem:$0x1F820] =	vst v63  }
0xda: {  	s10 =	sadd.s32 s12, s10  }
0xdb: {  	[tilespmem:s0], [sflag:$0x4] =	stream.linear.gather [hbm4b:s10+s4], $0x100, $0x38;
	[tilespmem:$0x1F820] =	vst v63  }
0xdc: {  	_ =	swait.ge [sflag:s16], $0x2400  }
0xdd: {  	[sflag:s16] =	ssyncset.done $0x0  }
0xde: {  	[sflag:s16] =	ssyncadd.s32 $0xFFFFDC00  }
0xdf: {  	_ =	swait.ge [sflag:s16], $0x2400  }
0xe0: {  	[sflag:s16] =	ssyncset.done $0x0  }
0xe1: {  	[sflag:s16] =	ssyncadd.s32 $0xFFFFDC00  }
0xe2: {  	[spmem:s3] =	stream.indirect.scatter.add.f32 [tilespmem:s29], [sflag:$0x6], $0x48, s19, s21, $0xb8;
	[tilespmem:$0x1F820] =	vst v63  }
0xe3: {  	s24 =	rddreg [dreg:$0xe]  }
0xe4: {  	[spmem:s3] =	stream.indirect.scatter.add.f32 [tilespmem:s30], [sflag:$0x6], $0x48, s24, s21, $0xb8;
	[tilespmem:$0x1F820] =	vst v63  }
0xe5: {  	_ =	swait.ge [sflag:s2], $0x2400  }
0xe6: {  	[sflag:s2] =	ssyncset.done $0x0  }
0xe7: {  	[sflag:s2] =	ssyncadd.s32 $0xFFFFDC00  }
0xe8: {  	_ =	swait.ge [sflag:s2], $0x2400  }
0xe9: {  	[sflag:s2] =	ssyncset.done $0x0  }
0xea: {  	[sflag:s2] =	ssyncadd.s32 $0xFFFFDC00  }
0xeb: {  	_ =	swait.ge [sflag:s5], $0x100  }
0xec: {  	[sflag:s5] =	ssyncset.done $0x0  }
0xed: {  	[sflag:s5] =	ssyncadd.s32 $0xFFFFFF00  }
0xee: {  	_ =	swait.ge [sflag:s5], $0x100  }
0xef: {  	[sflag:s5] =	ssyncset.done $0x0  }
0xf0: {  	s10 =	rddreg [dreg:$0x6];
	[sflag:s5] =	ssyncadd.s32 $0xFFFFFF00  }
0xf1: {  	[tilespmem:s22], [sflag:$0x7] =	stream.indirect.gather [spmem:s1], $0x48, s25, s21, $0xb8;
	[tilespmem:$0x1F820] =	vst v63  }
0xf2: {  	p1 =	seq.s32 s12, $0x980;
	s7 =	rddreg [dreg:$0xf]  }
0xf3: {  	[tilespmem:s23], [sflag:$0x7] =	stream.indirect.gather [spmem:s1], $0x48, s7, s21, $0xb8;
	[tilespmem:$0x1F820] =	vst v63  }
0xf4: {  	s15 =	simm.s32 @!p1 $0x0;
	s24 =	rddreg [dreg:$0x7];
	s10 =	sadd.s32 @!p1 s12, s10  }
0xf5: {  	[tilespmem:s15], [sflag:$0x1] =	stream.linear.gather @!p1 [hbm4b:s10+s15], $0x100, $0x38;
	[tilespmem:$0x1F820] =	vst v63  }
0xf6: {  	s10 =	sadd.s32 @!p1 s12, s24;
	s24 =	simm.s32 @!p1 $0x400  }
0xf7: {  	[tilespmem:s24], [sflag:$0x1] =	stream.linear.gather @!p1 [hbm4b:s10+s15], $0x100, $0x38;
	[tilespmem:$0x1F820] =	vst v63  }
0xf8: {  	_ =	swait.ge [sflag:s16], $0x2400  }
0xf9: {  	[sflag:s16] =	ssyncset.done $0x0  }
0xfa: {  	[sflag:s16] =	ssyncadd.s32 $0xFFFFDC00  }
0xfb: {  	_ =	swait.ge [sflag:s16], $0x2400  }
0xfc: {  	[sflag:s16] =	ssyncset.done $0x0  }
0xfd: {  	[sflag:s16] =	ssyncadd.s32 $0xFFFFDC00  }
0xfe: {  	[spmem:s3] =	stream.indirect.scatter.add.f32 [tilespmem:s22], [sflag:$0x5], $0x48, s26, s21, $0xb8;
	[tilespmem:$0x1F820] =	vst v63  }
0xff: {  	s24 =	rddreg [dreg:$0x10]  }
0x100: {  	[spmem:s3] =	stream.indirect.scatter.add.f32 [tilespmem:s23], [sflag:$0x5], $0x48, s24, s21, $0xb8;
	[tilespmem:$0x1F820] =	vst v63  }
0x101: {  	_ =	swait.ge [sflag:s8], $0x2400  }
0x102: {  	[sflag:s8] =	ssyncset.done $0x0  }
0x103: {  	[sflag:s8] =	ssyncadd.s32 $0xFFFFDC00  }
0x104: {  	_ =	swait.ge [sflag:s8], $0x2400  }
0x105: {  	[sflag:s8] =	ssyncset.done $0x0  }
0x106: {  	[sflag:s8] =	ssyncadd.s32 $0xFFFFDC00  }
0x107: {  	_ =	swait.ge [sflag:s9], $0x100  }
0x108: {  	[sflag:s9] =	ssyncset.done $0x0  }
0x109: {  	[sflag:s9] =	ssyncadd.s32 $0xFFFFFF00  }
0x10a: {  	_ =	swait.ge [sflag:s9], $0x100  }
0x10b: {  	[sflag:s9] =	ssyncset.done $0x0  }
0x10c: {  	s10 =	rddreg [dreg:$0x4];
	[sflag:s9] =	ssyncadd.s32 $0xFFFFFF00  }
0x10d: {  	[tilespmem:s29], [sflag:$0x7] =	stream.indirect.gather [spmem:s1], $0x48, s31, s21, $0xb8;
	[tilespmem:$0x1F820] =	vst v63  }
0x10e: {  	s24 =	rddreg [dreg:$0x11]  }
0x10f: {  	[tilespmem:s30], [sflag:$0x7] =	stream.indirect.gather [spmem:s1], $0x48, s24, s21, $0xb8;
	[tilespmem:$0x1F820] =	vst v63  }
0x110: {  	s7 =	rddreg [dreg:$0x5];
	s10 =	sadd.s32 @!p1 s12, s10;
	s24 =	simm.s32 @!p1 $0x100  }
0x111: {  	[tilespmem:s24], [sflag:$0x2] =	stream.linear.gather @!p1 [hbm4b:s10+s15], $0x100, $0x38;
	[tilespmem:$0x1F820] =	vst v63  }
0x112: {  	s7 =	sadd.s32 @!p1 s12, s7;
	s10 =	simm.s32 @!p1 $0x500  }
0x113: {  	[tilespmem:s10], [sflag:$0x2] =	stream.linear.gather @!p1 [hbm4b:s7+s15], $0x100, $0x38;
	[tilespmem:$0x1F820] =	vst v63  }
0x114: {  	s14 =	smov.u32 s13;
	s13 =	sadd.s32 $0x80, s13;
	_ =	swait.ge [sflag:s16], $0x2400  }
0x115: {  	p0 =	sne.s32 s13, $0xA00;
	[sflag:s16] =	ssyncset.done $0x0  }
.Ltmp0:
0x116: {  	[sflag:s16] =	ssyncadd.s32 $0xFFFFDC00;
	(pc) =	sbr.rel @p0 .LBB2_2-.Ltmp0, $4  }
0x117: {  	_ =	swait.ge [sflag:s16], $0x2400  }
0x118: {  	s12 =	smov.u32 s14;
	[sflag:s16] =	ssyncset.done $0x0  }
0x119: {  	p1 =	seq.s32 s12, $0x0;
	s15 =	rddreg [dreg:$0x12];
	[sflag:s16] =	ssyncadd.s32 $0xFFFFDC00  }
0x11a: {  	[spmem:s3] =	stream.indirect.scatter.add.f32 [tilespmem:s29], [sflag:$0x6], $0x48, s0, s21, $0xb8;
	[tilespmem:$0x1F820] =	vst v63  }
0x11b: {  	s7 =	simm.s32 @!p1 $0x5  }
0x11c: {  	[spmem:s3] =	stream.indirect.scatter.add.f32 [tilespmem:s30], [sflag:$0x6], $0x48, s15, s21, $0xb8;
	[tilespmem:$0x1F820] =	vst v63  }
0x11d: {  	_ =	swait.ge @!p1 [sflag:s7], $0x2400  }
0x11e: {  	[sflag:s7] =	ssyncset.done @!p1 $0x0  }
0x11f: {  	[sflag:s7] =	ssyncadd.s32 @!p1 $0xFFFFDC00  }
0x120: {  	_ =	swait.ge @!p1 [sflag:s7], $0x2400  }
0x121: {  	[sflag:s7] =	ssyncset.done @!p1 $0x0  }
0x122: {  	[sflag:s7] =	ssyncadd.s32 @!p1 $0xFFFFDC00  }
0x123: {  	_ =	swait.ge [sflag:s20], $0x100  }
0x124: {  	[sflag:s20] =	ssyncset.done $0x0  }
0x125: {  	[sflag:s20] =	ssyncadd.s32 $0xFFFFFF00  }
0x126: {  	_ =	swait.ge [sflag:s20], $0x100  }
0x127: {  	[sflag:s20] =	ssyncset.done $0x0  }
0x128: {  	[sflag:s20] =	ssyncadd.s32 $0xFFFFFF00  }
0x129: {  	[tilespmem:s22], [sflag:$0x7] =	stream.indirect.gather [spmem:s1], $0x48, s4, s21, $0xb8;
	[tilespmem:$0x1F820] =	vst v63  }
0x12a: {  	s24 =	rddreg [dreg:$0xa]  }
0x12b: {  	[tilespmem:s23], [sflag:$0x7] =	stream.indirect.gather [spmem:s1], $0x48, s21, s21, $0xb8;
	[tilespmem:$0x1F820] =	vst v63  }
0x12c: {  	s10 =	rddreg [dreg:$0xb];
	s7 =	sadd.s32 s12, s24  }
0x12d: {  	[tilespmem:s25], [sflag:$0x3] =	stream.linear.gather [hbm4b:s7+s4], $0x100, $0x38;
	[tilespmem:$0x1F820] =	vst v63  }
0x12e: {  	s13 =	sadd.s32 s12, s10  }
0x12f: {  	[tilespmem:s26], [sflag:$0x3] =	stream.linear.gather [hbm4b:s13+s4], $0x100, $0x38;
	[tilespmem:$0x1F820] =	vst v63  }
0x130: {  	_ =	swait.ge [sflag:s16], $0x2400  }
0x131: {  	[sflag:s16] =	ssyncset.done $0x0  }
0x132: {  	[sflag:s16] =	ssyncadd.s32 $0xFFFFDC00  }
0x133: {  	_ =	swait.ge [sflag:s16], $0x2400  }
0x134: {  	[sflag:s16] =	ssyncset.done $0x0  }
0x135: {  	[sflag:s16] =	ssyncadd.s32 $0xFFFFDC00  }
0x136: {  	[spmem:s3] =	stream.indirect.scatter.add.f32 [tilespmem:s22], [sflag:$0x5], $0x48, s17, s21, $0xb8;
	[tilespmem:$0x1F820] =	vst v63  }
0x137: {  	s10 =	simm.s32 @!p1 $0x6;
	s14 =	rddreg [dreg:$0xc]  }
0x138: {  	[spmem:s3] =	stream.indirect.scatter.add.f32 [tilespmem:s23], [sflag:$0x5], $0x48, s14, s21, $0xb8;
	[tilespmem:$0x1F820] =	vst v63  }
0x139: {  	_ =	swait.ge @!p1 [sflag:s10], $0x2400  }
0x13a: {  	[sflag:s10] =	ssyncset.done @!p1 $0x0  }
0x13b: {  	[sflag:s10] =	ssyncadd.s32 @!p1 $0xFFFFDC00  }
0x13c: {  	_ =	swait.ge @!p1 [sflag:s10], $0x2400  }
0x13d: {  	[sflag:s10] =	ssyncset.done @!p1 $0x0  }
0x13e: {  	[sflag:s10] =	ssyncadd.s32 @!p1 $0xFFFFDC00  }
0x13f: {  	_ =	swait.ge [sflag:s28], $0x100  }
0x140: {  	[sflag:s28] =	ssyncset.done $0x0  }
0x141: {  	[sflag:s28] =	ssyncadd.s32 $0xFFFFFF00  }
0x142: {  	_ =	swait.ge [sflag:s28], $0x100  }
0x143: {  	[sflag:s28] =	ssyncset.done $0x0  }
0x144: {  	s15 =	rddreg [dreg:$0x8];
	[sflag:s28] =	ssyncadd.s32 $0xFFFFFF00  }
0x145: {  	[tilespmem:s29], [sflag:$0x7] =	stream.indirect.gather [spmem:s1], $0x48, s18, s21, $0xb8;
	[tilespmem:$0x1F820] =	vst v63  }
0x146: {  	s24 =	rddreg [dreg:$0xd]  }
0x147: {  	[tilespmem:s30], [sflag:$0x7] =	stream.indirect.gather [spmem:s1], $0x48, s24, s21, $0xb8;
	[tilespmem:$0x1F820] =	vst v63  }
0x148: {  	s13 =	rddreg [dreg:$0x9];
	s7 =	sadd.s32 s12, s15  }
0x149: {  	[tilespmem:s31], [sflag:$0x4] =	stream.linear.gather [hbm4b:s7+s4], $0x100, $0x38;
	[tilespmem:$0x1F820] =	vst v63  }
0x14a: {  	s10 =	sadd.s32 s12, s13  }
0x14b: {  	[tilespmem:s0], [sflag:$0x4] =	stream.linear.gather [hbm4b:s10+s4], $0x100, $0x38;
	[tilespmem:$0x1F820] =	vst v63  }
0x14c: {  	_ =	swait.ge [sflag:s16], $0x2400  }
0x14d: {  	[sflag:s16] =	ssyncset.done $0x0  }
0x14e: {  	[sflag:s16] =	ssyncadd.s32 $0xFFFFDC00  }
0x14f: {  	_ =	swait.ge [sflag:s16], $0x2400  }
0x150: {  	[sflag:s16] =	ssyncset.done $0x0  }
0x151: {  	[sflag:s16] =	ssyncadd.s32 $0xFFFFDC00  }
0x152: {  	[spmem:s3] =	stream.indirect.scatter.add.f32 [tilespmem:s29], [sflag:$0x6], $0x48, s19, s21, $0xb8;
	[tilespmem:$0x1F820] =	vst v63  }
0x153: {  	s13 =	rddreg [dreg:$0xe]  }
0x154: {  	[spmem:s3] =	stream.indirect.scatter.add.f32 [tilespmem:s30], [sflag:$0x6], $0x48, s13, s21, $0xb8;
	[tilespmem:$0x1F820] =	vst v63  }
0x155: {  	_ =	swait.ge [sflag:s2], $0x2400  }
0x156: {  	[sflag:s2] =	ssyncset.done $0x0  }
0x157: {  	[sflag:s2] =	ssyncadd.s32 $0xFFFFDC00  }
0x158: {  	_ =	swait.ge [sflag:s2], $0x2400  }
0x159: {  	[sflag:s2] =	ssyncset.done $0x0  }
0x15a: {  	[sflag:s2] =	ssyncadd.s32 $0xFFFFDC00  }
0x15b: {  	_ =	swait.ge [sflag:s5], $0x100  }
0x15c: {  	[sflag:s5] =	ssyncset.done $0x0  }
0x15d: {  	[sflag:s5] =	ssyncadd.s32 $0xFFFFFF00  }
0x15e: {  	_ =	swait.ge [sflag:s5], $0x100  }
0x15f: {  	[sflag:s5] =	ssyncset.done $0x0  }
0x160: {  	s7 =	rddreg [dreg:$0x6];
	[sflag:s5] =	ssyncadd.s32 $0xFFFFFF00  }
0x161: {  	[tilespmem:s22], [sflag:$0x7] =	stream.indirect.gather [spmem:s1], $0x48, s25, s21, $0xb8;
	[tilespmem:$0x1F820] =	vst v63  }
0x162: {  	p0 =	seq.s32 s12, $0x980;
	s14 =	rddreg [dreg:$0xf]  }
0x163: {  	[tilespmem:s23], [sflag:$0x7] =	stream.indirect.gather [spmem:s1], $0x48, s14, s21, $0xb8;
	[tilespmem:$0x1F820] =	vst v63  }
0x164: {  	s10 =	simm.s32 @!p0 $0x0;
	s13 =	rddreg [dreg:$0x7];
	s7 =	sadd.s32 @!p0 s12, s7  }
0x165: {  	[tilespmem:s10], [sflag:$0x1] =	stream.linear.gather @!p0 [hbm4b:s7+s10], $0x100, $0x38;
	[tilespmem:$0x1F820] =	vst v63  }
0x166: {  	s7 =	sadd.s32 @!p0 s12, s13;
	s13 =	simm.s32 @!p0 $0x400  }
0x167: {  	[tilespmem:s13], [sflag:$0x1] =	stream.linear.gather @!p0 [hbm4b:s7+s10], $0x100, $0x38;
	[tilespmem:$0x1F820] =	vst v63  }
0x168: {  	_ =	swait.ge [sflag:s16], $0x2400  }
0x169: {  	[sflag:s16] =	ssyncset.done $0x0  }
0x16a: {  	[sflag:s16] =	ssyncadd.s32 $0xFFFFDC00  }
0x16b: {  	_ =	swait.ge [sflag:s16], $0x2400  }
0x16c: {  	[sflag:s16] =	ssyncset.done $0x0  }
0x16d: {  	[sflag:s16] =	ssyncadd.s32 $0xFFFFDC00  }
0x16e: {  	[spmem:s3] =	stream.indirect.scatter.add.f32 [tilespmem:s22], [sflag:$0x5], $0x48, s26, s21, $0xb8;
	[tilespmem:$0x1F820] =	vst v63  }
0x16f: {  	s15 =	rddreg [dreg:$0x10]  }
0x170: {  	[spmem:s3] =	stream.indirect.scatter.add.f32 [tilespmem:s23], [sflag:$0x5], $0x48, s15, s21, $0xb8;
	[tilespmem:$0x1F820] =	vst v63  }
0x171: {  	_ =	swait.ge [sflag:s8], $0x2400  }
0x172: {  	[sflag:s8] =	ssyncset.done $0x0  }
0x173: {  	[sflag:s8] =	ssyncadd.s32 $0xFFFFDC00  }
0x174: {  	_ =	swait.ge [sflag:s8], $0x2400  }
0x175: {  	[sflag:s8] =	ssyncset.done $0x0  }
0x176: {  	[sflag:s8] =	ssyncadd.s32 $0xFFFFDC00  }
0x177: {  	_ =	swait.ge [sflag:s9], $0x100  }
0x178: {  	[sflag:s9] =	ssyncset.done $0x0  }
0x179: {  	[sflag:s9] =	ssyncadd.s32 $0xFFFFFF00  }
0x17a: {  	_ =	swait.ge [sflag:s9], $0x100  }
0x17b: {  	[sflag:s9] =	ssyncset.done $0x0  }
0x17c: {  	s7 =	rddreg [dreg:$0x4];
	[sflag:s9] =	ssyncadd.s32 $0xFFFFFF00  }
0x17d: {  	[tilespmem:s29], [sflag:$0x7] =	stream.indirect.gather [spmem:s1], $0x48, s31, s21, $0xb8;
	[tilespmem:$0x1F820] =	vst v63  }
0x17e: {  	s24 =	rddreg [dreg:$0x11]  }
0x17f: {  	[tilespmem:s30], [sflag:$0x7] =	stream.indirect.gather [spmem:s1], $0x48, s24, s21, $0xb8;
	[tilespmem:$0x1F820] =	vst v63  }
0x180: {  	s13 =	simm.s32 @!p0 $0x100;
	s14 =	rddreg [dreg:$0x5];
	s7 =	sadd.s32 @!p0 s12, s7  }
0x181: {  	[tilespmem:s13], [sflag:$0x2] =	stream.linear.gather @!p0 [hbm4b:s7+s10], $0x100, $0x38;
	[tilespmem:$0x1F820] =	vst v63  }
0x182: {  	s7 =	sadd.s32 @!p0 s12, s14;
	s12 =	simm.s32 @!p0 $0x500  }
0x183: {  	[tilespmem:s12], [sflag:$0x2] =	stream.linear.gather @!p0 [hbm4b:s7+s10], $0x100, $0x38;
	[tilespmem:$0x1F820] =	vst v63  }
0x184: {  	_ =	swait.ge [sflag:s16], $0x2400  }
0x185: {  	[sflag:s16] =	ssyncset.done $0x0  }
0x186: {  	[sflag:s16] =	ssyncadd.s32 $0xFFFFDC00  }
0x187: {  	_ =	swait.ge [sflag:s16], $0x2400  }
0x188: {  	[sflag:s16] =	ssyncset.done $0x0  }
0x189: {  	[sflag:s16] =	ssyncadd.s32 $0xFFFFDC00  }
0x18a: {  	[spmem:s3] =	stream.indirect.scatter.add.f32 [tilespmem:s29], [sflag:$0x6], $0x48, s0, s21, $0xb8;
	[tilespmem:$0x1F820] =	vst v63  }
0x18b: {  	s12 =	rddreg [dreg:$0x12]  }
0x18c: {  	[spmem:s3] =	stream.indirect.scatter.add.f32 [tilespmem:s30], [sflag:$0x6], $0x48, s12, s21, $0xb8;
	[tilespmem:$0x1F820] =	vst v63  }
0x18d: {  	_ =	swait.ge [sflag:s2], $0x2400  }
0x18e: {  	[sflag:s2] =	ssyncset.done $0x0  }
0x18f: {  	[sflag:s2] =	ssyncadd.s32 $0xFFFFDC00  }
0x190: {  	_ =	swait.ge [sflag:s2], $0x2400  }
0x191: {  	[sflag:s2] =	ssyncset.done $0x0  }
0x192: {  	[sflag:s2] =	ssyncadd.s32 $0xFFFFDC00  }
0x193: {  	_ =	swait.ge [sflag:s8], $0x2400  }
0x194: {  	[sflag:s8] =	ssyncset.done $0x0  }
0x195: {  	[sflag:s8] =	ssyncadd.s32 $0xFFFFDC00  }
0x196: {  	_ =	swait.ge [sflag:s8], $0x2400  }
0x197: {  	[sflag:s8] =	ssyncset.done $0x0  }
0x198: {  	[sflag:s8] =	ssyncadd.s32 $0xFFFFDC00  }
0x199: {  	[bflag:$0x0] =	sbarrier.arrive $0xFFFF  }
0x19a: {  	s13 =	rddreg [dreg:$0x14]  }
0x19b: {  	s15 =	simm.s32 $0x8;
	s14 =	rddreg [dreg:$0x1e];
	s7 =	sor.u32 $0x1C08, s13  }
0x19c: {  	[hbm:s14], [sflag:s7] =	dma.local [spmem:s6], $0x1602  }
0x19d: {  	_ =	swait.ge [sflag:s15], $0x1602  }
0x19e: {  	s11 =	sadd.s32 $0x1, s11;
	s24 =	rddreg [dreg:$0x1c]  }
0x19f: {  	p0 =	sne.s32 s11, s24  }
.Ltmp1:
0x1a0: {  	_ = 	snop;
	(pc) =	sbr.rel @p0 .LBB2_1-.Ltmp1, $3  }
0x1a1: {  	_ =	sdelay $0x1  }
0x1a2: {  	[sflag:s15] =	ssyncset.done $0x0  }
0x1a3: {  	[sflag:s15] =	ssyncadd.s32 $0xFFFFE9FE  }
0x1a4: {  	_ =	sfence.sel $0x180000  }
0x1a5: {  	[bflag:$0x0] =	sbarrier.arrive $0xFFFF  }
0x1a6: {  	_ =	strace $0x90000047  }
0x1a7: {  	s0 =	stileid.u32;
	[bflag:$0x2] =	sbarrier.arrive $0xFFFF  }
0x1a8: {  	p0 =	sne.s32 s0, $0x0;
	s0 =	rddreg [dreg:$0x3]  }
0x1a9: {  	s0 =	sadd.s32 @!p0 $0x100000, s0  }
0x1aa: {  	[sflag:s0] =	ssyncadd.tile.s32 @!p0 $0x1;
	_ =	shalt  }
.Lfunc_end2:
_tile_overlayer_lowered:
.L_overlay_start_2:
0x1ab: {  	(tag) =	ssettag $0x2  }
0x1ac: {  	s0 =	rddreg [dreg:$0x0];
	s2 =	stileid.u32  }
0x1ad: {  	s1 =	rddreg [dreg:$0x1];
	p0 =	sne.s32 s2, $0x0  }
0x1ae: {  	s3 =	rddreg [dreg:$0x2];
	[bflag:$0x3] =	sbarrier.arrive $0xFFFF;
	s2 =	simm.s32 @!p0 $0x1C08  }
0x1af: {  	[timem:s3], [sflag:s2] =	dma.local @!p0 [hbm:s0], s1  }
0x1b0: {  	s0 =	simm.s32 @!p0 $0x8  }
0x1b1: {  	_ =	swait.ge @!p0 [sflag:s0], s1  }
0x1b2: {  	s1 =	ssub.s32 @!p0 $0x0, s1;
	[sflag:s0] =	ssyncset.done @!p0 $0x0  }
0x1b3: {  	[sflag:s0] =	ssyncadd.s32 @!p0 s1  }
0x1b4: {  	[bflag:$0x3] =	sbarrier.arrive $0xFFFF  }
0x1b5: {  	_ =	shalt  }

</sc_bundles>
